<compile_context>
chip_gen: v7x
topology: tpu7x:2x2x1
jax: 0.10.2.dev20260603
libtpu: 0.0.44.dev20260713+nightly
codegen_flags: <defaults>
</compile_context>

<pallas_src>
import functools
import math

import jax
import jax.numpy as jnp
from jax import lax
from jax.experimental import pallas as pl
from jax.experimental.pallas import tpu as pltpu
from jax.experimental.pallas import tpu_sc as plsc

N = 50000
E = 800000
D = 64
NSPEC = 4

DW = 128

NC = 2
NS = 16
NW = NC * NS


G_CH = 128
NCHUNK = E // G_CH
G_ITERS = -(-NCHUNK // NW)

_sc_mesh = plsc.VectorSubcoreMesh(
    core_axis_name="c", subcore_axis_name="s", num_cores=NC, num_subcores=NS)


@functools.partial(
    pl.kernel,
    out_type=jax.ShapeDtypeStruct((E, D), jnp.float32),
    mesh=_sc_mesh,
    scratch_types=[pltpu.VMEM((G_CH,), jnp.int32),
                   pltpu.VMEM((G_CH,), jnp.int32),
                   pltpu.VMEM((G_CH, 2 * D), jnp.float32),
                   pltpu.VMEM((G_CH, 2 * D), jnp.float32),
                   pltpu.VMEM((G_CH,), jnp.int32),
                   pltpu.VMEM((G_CH,), jnp.int32),
                   pltpu.VMEM((G_CH, 2 * D), jnp.float32),
                   pltpu.VMEM((G_CH, 2 * D), jnp.float32),
                   pltpu.VMEM((G_CH, D), jnp.float32),
                   pltpu.SemaphoreType.DMA,
                   pltpu.SemaphoreType.DMA],
)
def _sc_gather(uv_hbm, ii_hbm, jj_hbm, g_hbm,
               idxi1, idxj1, rows_a1, rows_b1,
               idxi2, idxj2, rows_a2, rows_b2, gbuf, sem_1, sem_2):
    wid = lax.axis_index("s") * NC + lax.axis_index("c")

    def _gstart(m, idxi, idxj, rows_a, rows_b, sem):
        cidx = wid + m * NW

        @pl.when(cidx < NCHUNK)
        def _s():
            off = pl.multiple_of(cidx * G_CH, 8)
            pltpu.sync_copy(ii_hbm.at[pl.ds(off, G_CH)], idxi)
            pltpu.sync_copy(jj_hbm.at[pl.ds(off, G_CH)], idxj)
            pltpu.async_copy(uv_hbm.at[idxi], rows_a, sem)
            pltpu.async_copy(uv_hbm.at[idxj], rows_b, sem)

    def _gfinish(m, rows_a, rows_b, sem):
        cidx = wid + m * NW

        @pl.when(cidx < NCHUNK)
        def _f():
            off = pl.multiple_of(cidx * G_CH, 8)
            pltpu.make_async_copy(
                uv_hbm.at[pl.ds(0, G_CH)], rows_a, sem).wait()
            pltpu.make_async_copy(
                uv_hbm.at[pl.ds(0, G_CH)], rows_b, sem).wait()

            def add_body(e, carry2):
                ra = rows_a.at[e]
                rb = rows_b.at[e]
                go = gbuf.at[e]
                for q in range(D // 16):
                    go[pl.ds(q * 16, 16)] = (
                        ra[pl.ds(q * 16, 16)] + rb[pl.ds(D + q * 16, 16)])
                return carry2

            lax.fori_loop(0, G_CH, add_body, 0)
            pltpu.sync_copy(gbuf, g_hbm.at[pl.ds(off, G_CH)])

    _gstart(0, idxi1, idxj1, rows_a1, rows_b1, sem_1)

    def body(k, carry):
        m0 = k * 2
        m1 = k * 2 + 1
        _gstart(m1, idxi2, idxj2, rows_a2, rows_b2, sem_2)
        _gfinish(m0, rows_a1, rows_b1, sem_1)
        _gstart(m0 + 2, idxi1, idxj1, rows_a1, rows_b1, sem_1)
        _gfinish(m1, rows_a2, rows_b2, sem_2)
        return carry

    lax.fori_loop(0, (G_ITERS + 1) // 2, body, 0)



QLEN_A = 12504
QLEN_B = N - 3 * QLEN_A
ACC_ROWS = 12544
DUMMY = 12504
S_CH = 64
S_NCHUNK = E // S_CH
S_ITERS = -(-S_NCHUNK // NS)
ZCH = ACC_ROWS // NS
ZQ = 56
OPT = ZCH
OPT_LAST_A = QLEN_A - 15 * OPT
OPT_LAST_B = QLEN_B - 15 * OPT


@functools.partial(
    pl.kernel,
    out_type=jax.ShapeDtypeStruct((N, DW), jnp.float32),
    mesh=_sc_mesh,
    scratch_types=[pltpu.VMEM((S_CH, DW), jnp.float32),
                   pltpu.VMEM((S_CH,), jnp.int32),
                   pltpu.VMEM((S_CH, DW), jnp.float32),
                   pltpu.VMEM((S_CH,), jnp.int32),
                   pltpu.VMEM((ZQ, DW), jnp.float32),
                   pltpu.VMEM((ZQ,), jnp.int32),
                   pltpu.SemaphoreType.DMA,
                   pltpu.SemaphoreType.DMA,
                   pltpu.SemaphoreType.DMA,
                   pltpu.VMEM_SHARED((ACC_ROWS, DW), jnp.float32)],
)
def _sc_scatter(z_hbm, q0_hbm, q1_hbm, q2_hbm, q3_hbm,
                iota_hbm, zeros64_hbm, sum_hbm,
                zbuf, lidx_v, zbuf2, lidx2_v, zero_v, zidx_v,
                osem, sem_a, sem_b, acc_z):
    c = lax.axis_index("c")
    tid = lax.axis_index("s")

    for r in range(2):
        qbase = c * 2 * QLEN_A + r * QLEN_A
        qlen = jnp.where((c == 1) & (r == 1), QLEN_B, QLEN_A)

        pltpu.sync_copy(zeros64_hbm, zero_v)

        def zbody(kk, carry):
            zrow0 = pl.multiple_of(tid * ZCH + kk * ZQ, 8)
            pltpu.sync_copy(iota_hbm.at[pl.ds(zrow0, ZQ)], zidx_v)
            pltpu.sync_copy(zero_v, acc_z.at[zidx_v])
            return carry

        lax.fori_loop(0, ZCH // ZQ, zbody, 0)
        plsc.subcore_barrier()

        qlo_hbm = (q0_hbm, q1_hbm)[r]
        qhi_hbm = (q2_hbm, q3_hbm)[r]

        def _start(m, zb, lv, sem):
            cidx = tid + m * NS

            @pl.when(cidx < S_NCHUNK)
            def _s():
                off = pl.multiple_of(cidx * S_CH, 8)

                @pl.when(c == 0)
                def _idx_lo():
                    pltpu.async_copy(qlo_hbm.at[pl.ds(off, S_CH)], lv, sem)

                @pl.when(c == 1)
                def _idx_hi():
                    pltpu.async_copy(qhi_hbm.at[pl.ds(off, S_CH)], lv, sem)

                pltpu.async_copy(z_hbm.at[pl.ds(off, S_CH)], zb, sem)

        def _finish(m, zb, lv, sem):
            cidx = tid + m * NS

            @pl.when(cidx < S_NCHUNK)
            def _f():
                pltpu.make_async_copy(qlo_hbm.at[pl.ds(0, S_CH)], lv, sem).wait()
                pltpu.make_async_copy(z_hbm.at[pl.ds(0, S_CH)], zb, sem).wait()
                pltpu.sync_copy(zb, acc_z.at[lv], add=True)

        _start(0, zbuf, lidx_v, sem_a)

        def body(k, carry):
            m0 = k * 2
            m1 = k * 2 + 1
            _start(m1, zbuf2, lidx2_v, sem_b)
            _finish(m0, zbuf, lidx_v, sem_a)
            _start(m0 + 2, zbuf, lidx_v, sem_a)
            _finish(m1, zbuf2, lidx2_v, sem_b)
            return carry

        lax.fori_loop(0, (S_ITERS + 1) // 2, body, 0)
        plsc.subcore_barrier()

        def fill_oidx(orow0):
            pltpu.sync_copy(iota_hbm.at[pl.ds(pl.multiple_of(orow0, 8), ZQ)],
                            zidx_v)

        def obody(kk, carry):
            orow0 = tid * OPT + kk * ZQ
            fill_oidx(orow0)
            pltpu.async_copy(acc_z.at[zidx_v], zero_v, osem).wait()
            pltpu.sync_copy(
                zero_v,
                sum_hbm.at[pl.ds(pl.multiple_of(qbase + orow0, 8), ZQ)])
            return carry

        @pl.when(tid < NS - 1)
        def _full_all():
            lax.fori_loop(0, OPT // ZQ, obody, 0)

        @pl.when(tid == NS - 1)
        def _last_tile():
            lax.fori_loop(0, OPT // ZQ - 1, obody, 0)
            orow0 = 15 * OPT + (OPT // ZQ - 1) * ZQ
            fill_oidx(orow0)
            pltpu.async_copy(acc_z.at[zidx_v], zero_v, osem).wait()
            if r == 0:
                pltpu.sync_copy(
                    zero_v.at[pl.ds(0, QLEN_A - 12488)],
                    sum_hbm.at[pl.ds(pl.multiple_of(qbase + orow0, 8),
                                     QLEN_A - 12488)])
            else:
                @pl.when(c == 0)
                def _t_a():
                    pltpu.sync_copy(
                        zero_v.at[pl.ds(0, QLEN_A - 12488)],
                        sum_hbm.at[pl.ds(pl.multiple_of(qbase + orow0, 8),
                                         QLEN_A - 12488)])
        plsc.subcore_barrier()



BN = 2000
BE = 2000


def _node_pre_body(nf_ref, oh_ref, wsc_ref, wuv_ref,
                   uv_ref, sc_ref):
    nf = nf_ref[...]
    oh = oh_ref[...]
    uv_ref[...] = jnp.dot(nf, wuv_ref[...], preferred_element_type=jnp.float32)
    acc = oh[:, 0:1] * jnp.dot(nf, wsc_ref[0], preferred_element_type=jnp.float32)
    for j in range(1, NSPEC):
        acc = acc + oh[:, j:j + 1] * jnp.dot(
            nf, wsc_ref[j], preferred_element_type=jnp.float32)
    sc_ref[...] = acc


QSTARTS = (0, QLEN_A, 2 * QLEN_A, 3 * QLEN_A)
QLENS = (QLEN_A, QLEN_A, QLEN_A, QLEN_B)


def _qidx_body(ii_ref, q0_ref, q1_ref, q2_ref, q3_ref):
    iv = ii_ref[...]
    dummy = DUMMY + lax.rem(iv, jnp.int32(ACC_ROWS - DUMMY))
    outs = (q0_ref, q1_ref, q2_ref, q3_ref)
    for q in range(4):
        t0 = iv - QSTARTS[q]
        okq = (t0 >= 0) & (t0 < QLENS[q])
        outs[q][...] = jnp.where(okq, t0, dummy)


def _edge_body(g_ref, ef_ref, sh_ref, el_ref, wc_ref,
               w1_ref, b1_ref, w2_ref, b2_ref, w3_ref, b3_ref,
               z_ref):
    t = g_ref[...] + jnp.dot(
        ef_ref[...], wc_ref[...], preferred_element_type=jnp.float32)
    t = t * sh_ref[...]
    z = t * jax.nn.sigmoid(t)
    h = jnp.dot(el_ref[...], w1_ref[...], preferred_element_type=jnp.float32) + b1_ref[...]
    h = h * jax.nn.sigmoid(h)
    h = jnp.dot(h, w2_ref[...], preferred_element_type=jnp.float32) + b2_ref[...]
    h = h * jax.nn.sigmoid(h)
    w = jnp.dot(h, w3_ref[...], preferred_element_type=jnp.float32) + b3_ref[...]
    zw = z * w
    be = zw.shape[0]
    z_ref[...] = jnp.concatenate(
        [zw, jnp.ones((be, 1), jnp.float32),
         jnp.zeros((be, DW - D - 1), jnp.float32)], axis=1)


def _node_post_body(sum_ref, sc_ref, wp_ref,
                    node_ref, s1_ref, s2_ref):
    i = pl.program_id(0)
    cnt = jnp.maximum(sum_ref[:, D:D + 1], 1.0)
    node = jnp.dot(sum_ref[:, 0:D] / cnt, wp_ref[...],
                   preferred_element_type=jnp.float32) + sc_ref[...]
    node_ref[...] = node

    @pl.when(i == 0)
    def _init():
        s1_ref[...] = jnp.zeros_like(s1_ref)
        s2_ref[...] = jnp.zeros_like(s2_ref)

    s1_ref[...] += jnp.sum(node, axis=0, keepdims=True)
    s2_ref[...] += jnp.sum(node * node).reshape(1, 1)


def _ln_body(node_ref, s1_ref, s2_ref, g_ref, b_ref, out_ref):
    mu = s1_ref[...] / N
    ex2 = s2_ref[0, 0] / (N * D)
    var = ex2 - jnp.mean(mu * mu)
    inv = jax.lax.rsqrt(var + 1e-5)
    out_ref[...] = (node_ref[...] - mu) * inv * g_ref[...] + b_ref[...]


def kernel(node_fea, node_one_hot, edge_sh, edge_fea, edge_length_embedded,
           edge_index, batch, selfloop_edge,
           W_sc, W_pre, W_tp, fc_w1, fc_b1, fc_w2, fc_b2, fc_w3, fc_b3,
           W_post, gamma, beta):
    f32 = jnp.float32
    wflat = W_tp[:, 0, :] / math.sqrt(2 * D + D)
    xw = W_pre / math.sqrt(D)
    wuv = jnp.concatenate([xw @ wflat[0:D], xw @ wflat[D:2 * D]], axis=1)
    wc = wflat[2 * D:]
    wsc_t = jnp.transpose(W_sc, (1, 0, 2)) / math.sqrt(D * NSPEC)
    wp = W_post / math.sqrt(D)

    uv, sc = pl.pallas_call(
        _node_pre_body,
        grid=(N // BN,),
        in_specs=[
            pl.BlockSpec((BN, D), lambda i: (i, 0)),
            pl.BlockSpec((BN, NSPEC), lambda i: (i, 0)),
            pl.BlockSpec((NSPEC, D, D), lambda i: (0, 0, 0)),
            pl.BlockSpec((D, 2 * D), lambda i: (0, 0)),
        ],
        out_specs=[
            pl.BlockSpec((BN, 2 * D), lambda i: (i, 0)),
            pl.BlockSpec((BN, D), lambda i: (i, 0)),
        ],
        out_shape=[jax.ShapeDtypeStruct((N, 2 * D), f32),
                   jax.ShapeDtypeStruct((N, D), f32)],
    )(node_fea, node_one_hot, wsc_t, wuv)

    ii = edge_index[0]
    jj = edge_index[1]
    g = _sc_gather(uv, ii, jj)

    ii_r = ii.reshape(3125, 256)
    qidx4 = pl.pallas_call(
        _qidx_body,
        grid=(1,),
        in_specs=[pl.BlockSpec((3125, 256), lambda i: (0, 0))],
        out_specs=[pl.BlockSpec((3125, 256), lambda i: (0, 0))] * 4,
        out_shape=[jax.ShapeDtypeStruct((3125, 256), jnp.int32)] * 4,
    )(ii_r)
    qidx4 = [q.reshape(E) for q in qidx4]

    z = pl.pallas_call(
        _edge_body,
        grid=(E // BE,),
        in_specs=[
            pl.BlockSpec((BE, D), lambda i: (i, 0)),
            pl.BlockSpec((BE, D), lambda i: (i, 0)),
            pl.BlockSpec((BE, 1), lambda i: (i, 0)),
            pl.BlockSpec((BE, D), lambda i: (i, 0)),
            pl.BlockSpec((D, D), lambda i: (0, 0)),
            pl.BlockSpec((D, D), lambda i: (0, 0)),
            pl.BlockSpec((1, D), lambda i: (0, 0)),
            pl.BlockSpec((D, D), lambda i: (0, 0)),
            pl.BlockSpec((1, D), lambda i: (0, 0)),
            pl.BlockSpec((D, D), lambda i: (0, 0)),
            pl.BlockSpec((1, D), lambda i: (0, 0)),
        ],
        out_specs=pl.BlockSpec((BE, DW), lambda i: (i, 0)),
        out_shape=jax.ShapeDtypeStruct((E, DW), f32),
    )(g, edge_fea, edge_sh, edge_length_embedded, wc,
      fc_w1, fc_b1.reshape(1, D), fc_w2, fc_b2.reshape(1, D),
      fc_w3, fc_b3.reshape(1, D))

    zeros72 = jnp.zeros((ZQ, DW), f32)
    iota_acc = jnp.arange(ACC_ROWS, dtype=jnp.int32)
    sum72 = _sc_scatter(z, qidx4[0], qidx4[1], qidx4[2], qidx4[3],
                        iota_acc, zeros72)

    node, s1, s2 = pl.pallas_call(
        _node_post_body,
        grid=(N // BN,),
        in_specs=[
            pl.BlockSpec((BN, DW), lambda i: (i, 0)),
            pl.BlockSpec((BN, D), lambda i: (i, 0)),
            pl.BlockSpec((D, D), lambda i: (0, 0)),
        ],
        out_specs=[
            pl.BlockSpec((BN, D), lambda i: (i, 0)),
            pl.BlockSpec((1, D), lambda i: (0, 0)),
            pl.BlockSpec((1, 1), lambda i: (0, 0)),
        ],
        out_shape=[jax.ShapeDtypeStruct((N, D), f32),
                   jax.ShapeDtypeStruct((1, D), f32),
                   jax.ShapeDtypeStruct((1, 1), f32)],
    )(sum72, sc, wp)

    out = pl.pallas_call(
        _ln_body,
        grid=(N // BN,),
        in_specs=[
            pl.BlockSpec((BN, D), lambda i: (i, 0)),
            pl.BlockSpec((1, D), lambda i: (0, 0)),
            pl.BlockSpec((1, 1), lambda i: (0, 0)),
            pl.BlockSpec((1, D), lambda i: (0, 0)),
            pl.BlockSpec((1, D), lambda i: (0, 0)),
        ],
        out_specs=pl.BlockSpec((BN, D), lambda i: (i, 0)),
        out_shape=jax.ShapeDtypeStruct((N, D), f32),
    )(node, s1, s2, gamma.reshape(1, D), beta.reshape(1, D))

    return out

# --- scband reference (transcript-rebuilt; emitter-appended) ---
"""Pipeline reference for scband-node-update-block-9972914061334 (READ-ONLY COPY).

The authoritative reference and input builder live on the scoring server;
editing this copy changes nothing except your own understanding.
"""

import jax, jax.numpy as jnp
import numpy as np

N_NODES = 50000
N_EDGES = 800000
D_NODE = 64
D_EDGE = 64
D_SH = 1
NUM_SPECIES = 4
FC_LEN = 64
D_IN1 = D_NODE + D_NODE + D_EDGE


def setup_inputs(seed: int = 0):
    key = jax.random.key(seed)
    ks = jax.random.split(key, 20)
    inp = {}
    inp["node_fea"] = jax.random.normal(ks[0], (N_NODES, D_NODE), dtype=jnp.float32)
    inp["node_one_hot"] = jax.random.uniform(ks[1], (N_NODES, NUM_SPECIES), dtype=jnp.float32)
    inp["edge_sh"] = jax.random.normal(ks[2], (N_EDGES, D_SH), dtype=jnp.float32)
    inp["edge_fea"] = jax.random.normal(ks[3], (N_EDGES, D_EDGE), dtype=jnp.float32)
    inp["edge_length_embedded"] = jax.random.uniform(ks[4], (N_EDGES, FC_LEN), dtype=jnp.float32)
    inp["edge_index"] = jax.random.randint(ks[5], (2, N_EDGES), 0, N_NODES, dtype=jnp.int32)
    inp["batch"] = jnp.zeros((N_NODES,), dtype=jnp.int32)
    inp["selfloop_edge"] = jnp.zeros((N_EDGES,), dtype=bool)
    # learned parameters
    inp["W_sc"] = jax.random.normal(ks[6], (D_NODE, NUM_SPECIES, D_NODE), dtype=jnp.float32)
    inp["W_pre"] = jax.random.normal(ks[7], (D_NODE, D_NODE), dtype=jnp.float32)
    inp["W_tp"] = jax.random.normal(ks[8], (D_IN1, D_SH, D_NODE), dtype=jnp.float32)
    inp["fc_w1"] = jax.random.normal(ks[9], (FC_LEN, 64), dtype=jnp.float32) / np.sqrt(FC_LEN)
    inp["fc_b1"] = jnp.zeros((64,), dtype=jnp.float32)
    inp["fc_w2"] = jax.random.normal(ks[10], (64, 64), dtype=jnp.float32) / np.sqrt(64.0)
    inp["fc_b2"] = jnp.zeros((64,), dtype=jnp.float32)
    inp["fc_w3"] = jax.random.normal(ks[11], (64, D_NODE), dtype=jnp.float32) / np.sqrt(64.0)
    inp["fc_b3"] = jnp.zeros((D_NODE,), dtype=jnp.float32)
    inp["W_post"] = jax.random.normal(ks[12], (D_NODE, D_NODE), dtype=jnp.float32)
    inp["gamma"] = jnp.ones((D_NODE,), dtype=jnp.float32)
    inp["beta"] = jnp.zeros((D_NODE,), dtype=jnp.float32)
    return inp


def reference(node_fea, node_one_hot, edge_sh, edge_fea, edge_length_embedded,
              edge_index, batch, selfloop_edge,
              W_sc, W_pre, W_tp, fc_w1, fc_b1, fc_w2, fc_b2, fc_w3, fc_b3,
              W_post, gamma, beta):
    N = node_fea.shape[0]
    # self-connection: FullyConnectedTensorProduct(irreps_in_node, num_species x 0e, irreps_out)
    sc = jnp.einsum('ni,nj,ijk->nk', node_fea, node_one_hot, W_sc) / np.sqrt(D_NODE * NUM_SPECIES)
    # lin_pre (e3nn Linear, fan-in normalized, no bias)
    x = node_fea @ W_pre / np.sqrt(D_NODE)
    idx_i = edge_index[0]
    idx_j = edge_index[1]
    # concat source/dest node features with edge features (gather)
    fea_in = jnp.concatenate([x[idx_i], x[idx_j], edge_fea], axis=-1)
    # EquiConv: fully-connected tensor product with edge spherical harmonics
    z = jnp.einsum('ei,ej,ijk->ek', fea_in, edge_sh, W_tp) / np.sqrt(D_IN1 * D_SH)
    # Gate nonlinearity: all-scalar output -> silu on scalars
    z = jax.nn.silu(z)
    # radial MLP producing per-channel edge weights (e3ElementWise)
    h = jax.nn.silu(edge_length_embedded @ fc_w1 + fc_b1)
    h = jax.nn.silu(h @ fc_w2 + fc_b2)
    w = h @ fc_w3 + fc_b3
    z = z * w
    # scatter-mean edge updates back onto destination nodes
    summed = jax.ops.segment_sum(z, idx_i, num_segments=N)
    cnt = jax.ops.segment_sum(jnp.ones((z.shape[0],), dtype=z.dtype), idx_i, num_segments=N)
    node = summed / jnp.maximum(cnt, 1.0)[:, None]
    # lin_post
    node = node @ W_post / np.sqrt(D_NODE)
    node = node + sc
    # e3LayerNorm over each graph in the batch (single graph here, batch = zeros)
    ones_n = jnp.ones((N,), dtype=node.dtype)
    cnt_g = jax.ops.segment_sum(ones_n, batch, num_segments=1)
    mu = jax.ops.segment_sum(node, batch, num_segments=1) / cnt_g[:, None]
    centered = node - mu[batch]
    var = jax.ops.segment_sum(jnp.mean(centered * centered, axis=-1), batch, num_segments=1) / cnt_g
    out = centered / jnp.sqrt(var[batch] + 1e-5)[:, None] * gamma + beta
    return out

if __name__ == "__main__":
    import jax
    _d = setup_inputs()
    print(jax.jit(kernel)(*tuple(_d.values())))

</pallas_src>

<mosaic_0001>
#map = affine_map<(d0, d1) -> (0, 0)>
#map1 = affine_map<(d0, d1) -> (0)>
module attributes {stable_mosaic.version = 14 : i64} {
  func.func @_sc_scatter(%arg0: i32, %arg1: i32, %arg2: memref<800000x128xf32, #tpu.memory_space<hbm>>, %arg3: memref<800000xi32, #tpu.memory_space<hbm>>, %arg4: memref<800000xi32, #tpu.memory_space<hbm>>, %arg5: memref<800000xi32, #tpu.memory_space<hbm>>, %arg6: memref<800000xi32, #tpu.memory_space<hbm>>, %arg7: memref<12544xi32, #tpu.memory_space<hbm>>, %arg8: memref<56x128xf32, #tpu.memory_space<hbm>>, %arg9: memref<50000x128xf32, #tpu.memory_space<hbm>>, %arg10: memref<64x128xf32, #tpu.memory_space<vmem>>, %arg11: memref<64xi32, #tpu.memory_space<vmem>>, %arg12: memref<64x128xf32, #tpu.memory_space<vmem>>, %arg13: memref<64xi32, #tpu.memory_space<vmem>>, %arg14: memref<56x128xf32, #tpu.memory_space<vmem>>, %arg15: memref<56xi32, #tpu.memory_space<vmem>>, %arg16: memref<!tpu.dma_semaphore, #tpu.memory_space<semaphore_mem>>, %arg17: memref<!tpu.dma_semaphore, #tpu.memory_space<semaphore_mem>>, %arg18: memref<!tpu.dma_semaphore, #tpu.memory_space<semaphore_mem>>, %arg19: memref<12544x128xf32, #tpu.memory_space<vmem_shared>>) attributes {dimension_semantics = [#tpu.dimension_semantics<core_parallel>, #tpu.dimension_semantics<subcore_parallel>], iteration_bounds = array<i64: 2, 16>, scalar_prefetch = 0 : i64, scratch_operands = 10 : i64, tpu.core_type = #tpu.core_type<sc_vector_subcore>, window_params = [{transform_indices = #map}, {transform_indices = #map1}, {transform_indices = #map1}, {transform_indices = #map1}, {transform_indices = #map1}, {transform_indices = #map1}, {transform_indices = #map}, {transform_indices = #map}]} {
    %mul3A = arith.constant 2 : i32
    %mul3A_0 = arith.muli %arg0, %mul3A : i32
    %mul3A_1 = arith.constant 12504 : i32
    %mul3A_2 = arith.muli %mul3A_0, %mul3A_1 : i32
    %add3A = arith.constant 0 : i32
    %add3A_3 = arith.addi %mul3A_2, %add3A : i32
    %eq3A = arith.constant 1 : i32
    %eq3A_4 = arith.cmpi eq, %arg0, %eq3A : i32
    %and3A = arith.constant false
    %and3A_5 = arith.andi %eq3A_4, %and3A : i1
    %jit3A = arith.constant 12488 : i32
    %jit3A_6 = arith.constant 12504 : i32
    %select_n3A = arith.select %and3A_5, %jit3A, %jit3A_6 : i32
    "tpu.region"() ({
      %run_scoped3A = tpu.sem_alloc : memref<!tpu.dma_semaphore, #tpu.memory_space<semaphore_mem>>
      tpu.enqueue_dma source(%arg8 : memref<56x128xf32, #tpu.memory_space<hbm>>) target(%arg14 : memref<56x128xf32, #tpu.memory_space<vmem>>) target_semaphore(%run_scoped3A : memref<!tpu.dma_semaphore, #tpu.memory_space<semaphore_mem>>)
      tpu.wait_dma2 semaphore(%run_scoped3A : memref<!tpu.dma_semaphore, #tpu.memory_space<semaphore_mem>>) src(%arg8 : memref<56x128xf32, #tpu.memory_space<hbm>>) dst(%arg14 : memref<56x128xf32, #tpu.memory_space<vmem>>)
      tpu.yield
    }) : () -> ()
    %scan3A = arith.constant 0 : i32
    %scan3A_7 = arith.constant 0 : i32
    %scan3A_8 = arith.constant 14 : i32
    %scan3A_9 = arith.addi %scan3A_7, %scan3A_8 : i32
    %scan3A_10 = arith.constant 1 : i32
    scf.for %scan3A_79 = %scan3A_7 to %scan3A_9 step %scan3A_10  : i32 {
      %mul3A_80 = arith.constant 784 : i32
      %mul3A_81 = arith.muli %arg1, %mul3A_80 : i32
      %mul3A_82 = arith.constant 56 : i32
      %mul3A_83 = arith.muli %scan3A_79, %mul3A_82 : i32
      %add3A_84 = arith.addi %mul3A_81, %mul3A_83 : i32
      %multiple_of3A = tpu.assume_multiple %add3A_84, 8 : i32
      "tpu.region"() ({
        %run_scoped3A = tpu.sem_alloc : memref<!tpu.dma_semaphore, #tpu.memory_space<semaphore_mem>>
        %dma_start3A = tpu.memref_slice %arg7[%multiple_of3A] : memref<12544xi32, #tpu.memory_space<hbm>> -> memref<56xi32, #tpu.memory_space<hbm>>
        %dma_start3A_85 = tpu.memref_slice %arg7[%multiple_of3A] : memref<12544xi32, #tpu.memory_space<hbm>> -> memref<56xi32, #tpu.memory_space<hbm>>
        tpu.enqueue_dma source(%dma_start3A_85 : memref<56xi32, #tpu.memory_space<hbm>>) target(%arg15 : memref<56xi32, #tpu.memory_space<vmem>>) target_semaphore(%run_scoped3A : memref<!tpu.dma_semaphore, #tpu.memory_space<semaphore_mem>>)
        %dma_wait3A = tpu.memref_slice %arg7[%multiple_of3A] : memref<12544xi32, #tpu.memory_space<hbm>> -> memref<56xi32, #tpu.memory_space<hbm>>
        %dma_wait3A_86 = tpu.memref_slice %arg7[%multiple_of3A] : memref<12544xi32, #tpu.memory_space<hbm>> -> memref<56xi32, #tpu.memory_space<hbm>>
        tpu.wait_dma2 semaphore(%run_scoped3A : memref<!tpu.dma_semaphore, #tpu.memory_space<semaphore_mem>>) src(%dma_wait3A_86 : memref<56xi32, #tpu.memory_space<hbm>>) dst(%arg15 : memref<56xi32, #tpu.memory_space<vmem>>)
        tpu.yield
      }) : () -> ()
      "tpu.region"() ({
        %run_scoped3A = tpu.sem_alloc : memref<!tpu.dma_semaphore, #tpu.memory_space<semaphore_mem>>
        %dma_start3A = arith.constant 0 : i32
        %dma_start3A_85 = arith.constant 0 : i32
        %dma_start3A_86 = tpu.memref_slice %arg19[%dma_start3A, %dma_start3A_85] : memref<12544x128xf32, #tpu.memory_space<vmem_shared>> -> memref<12544x128xf32, #tpu.memory_space<vmem_shared>>
        tpu.enqueue_indirect_dma source(%arg14 : memref<56x128xf32, #tpu.memory_space<vmem>>) target(%dma_start3A_86 : memref<12544x128xf32, #tpu.memory_space<vmem_shared>>) offsets(%arg15 : memref<56xi32, #tpu.memory_space<vmem>>) semaphore(%run_scoped3A : memref<!tpu.dma_semaphore, #tpu.memory_space<semaphore_mem>>)
        %dma_wait3A = arith.constant 0 : i32
        %dma_wait3A_87 = arith.constant 0 : i32
        %dma_wait3A_88 = tpu.memref_slice %arg19[%dma_wait3A, %dma_wait3A_87] : memref<12544x128xf32, #tpu.memory_space<vmem_shared>> -> memref<12544x128xf32, #tpu.memory_space<vmem_shared>>
        tpu.wait_indirect_dma semaphore(%run_scoped3A : memref<!tpu.dma_semaphore, #tpu.memory_space<semaphore_mem>>) src(%arg14 : memref<56x128xf32, #tpu.memory_space<vmem>>) dst(%dma_wait3A_88 : memref<12544x128xf32, #tpu.memory_space<vmem_shared>>)
        tpu.yield
      }) : () -> ()
    }
    %scan3A_11 = arith.constant 14 : i32
    %barrier3A = arith.constant 0 : index
    tpu.barrier barrier_id(%barrier3A)
    %add3A_12 = arith.constant 0 : i32
    %add3A_13 = arith.addi %arg1, %add3A_12 : i32
    %lt3A = arith.constant 12500 : i32
    %lt3A_14 = arith.cmpi slt, %add3A_13, %lt3A : i32
    %convert_element_type3A = arith.extui %lt3A_14 : i1 to i32
    %cond3A = arith.constant 0 : i32
    %cond3A_15 = arith.cmpi ne, %convert_element_type3A, %cond3A : i32
    scf.if %cond3A_15 {
      %mul3A_79 = arith.constant 64 : i32
      %mul3A_80 = arith.muli %add3A_13, %mul3A_79 : i32
      %multiple_of3A = tpu.assume_multiple %mul3A_80, 8 : i32
      %eq3A_81 = arith.constant 0 : i32
      %eq3A_82 = arith.cmpi eq, %arg0, %eq3A_81 : i32
      %convert_element_type3A_83 = arith.extui %eq3A_82 : i1 to i32
      %cond3A_84 = arith.constant 0 : i32
      %cond3A_85 = arith.cmpi ne, %convert_element_type3A_83, %cond3A_84 : i32
      scf.if %cond3A_85 {
        %dma_start3A_94 = tpu.memref_slice %arg3[%multiple_of3A] : memref<800000xi32, #tpu.memory_space<hbm>> -> memref<64xi32, #tpu.memory_space<hbm>>
        %dma_start3A_95 = tpu.memref_slice %arg3[%multiple_of3A] : memref<800000xi32, #tpu.memory_space<hbm>> -> memref<64xi32, #tpu.memory_space<hbm>>
        tpu.enqueue_dma source(%dma_start3A_95 : memref<64xi32, #tpu.memory_space<hbm>>) target(%arg11 : memref<64xi32, #tpu.memory_space<vmem>>) target_semaphore(%arg17 : memref<!tpu.dma_semaphore, #tpu.memory_space<semaphore_mem>>)
      } else {
      }
      %eq3A_86 = arith.constant 1 : i32
      %eq3A_87 = arith.cmpi eq, %arg0, %eq3A_86 : i32
      %convert_element_type3A_88 = arith.extui %eq3A_87 : i1 to i32
      %cond3A_89 = arith.constant 0 : i32
      %cond3A_90 = arith.cmpi ne, %convert_element_type3A_88, %cond3A_89 : i32
      scf.if %cond3A_90 {
        %dma_start3A_94 = tpu.memref_slice %arg5[%multiple_of3A] : memref<800000xi32, #tpu.memory_space<hbm>> -> memref<64xi32, #tpu.memory_space<hbm>>
        %dma_start3A_95 = tpu.memref_slice %arg5[%multiple_of3A] : memref<800000xi32, #tpu.memory_space<hbm>> -> memref<64xi32, #tpu.memory_space<hbm>>
        tpu.enqueue_dma source(%dma_start3A_95 : memref<64xi32, #tpu.memory_space<hbm>>) target(%arg11 : memref<64xi32, #tpu.memory_space<vmem>>) target_semaphore(%arg17 : memref<!tpu.dma_semaphore, #tpu.memory_space<semaphore_mem>>)
      } else {
      }
      %dma_start3A = arith.constant 0 : i32
      %dma_start3A_91 = tpu.memref_slice %arg2[%multiple_of3A, %dma_start3A] : memref<800000x128xf32, #tpu.memory_space<hbm>> -> memref<64x128xf32, #tpu.memory_space<hbm>>
      %dma_start3A_92 = arith.constant 0 : i32
      %dma_start3A_93 = tpu.memref_slice %arg2[%multiple_of3A, %dma_start3A_92] : memref<800000x128xf32, #tpu.memory_space<hbm>> -> memref<64x128xf32, #tpu.memory_space<hbm>>
      tpu.enqueue_dma source(%dma_start3A_93 : memref<64x128xf32, #tpu.memory_space<hbm>>) target(%arg10 : memref<64x128xf32, #tpu.memory_space<vmem>>) target_semaphore(%arg17 : memref<!tpu.dma_semaphore, #tpu.memory_space<semaphore_mem>>)
    } else {
    }
    %scan3A_16 = arith.constant 0 : i32
    %scan3A_17 = arith.constant 0 : i32
    %scan3A_18 = arith.constant 391 : i32
    %scan3A_19 = arith.addi %scan3A_17, %scan3A_18 : i32
    %scan3A_20 = arith.constant 1 : i32
    scf.for %scan3A_79 = %scan3A_17 to %scan3A_19 step %scan3A_20  : i32 {
      %mul3A_80 = arith.constant 2 : i32
      %mul3A_81 = arith.muli %scan3A_79, %mul3A_80 : i32
      %mul3A_82 = arith.constant 2 : i32
      %mul3A_83 = arith.muli %scan3A_79, %mul3A_82 : i32
      %add3A_84 = arith.constant 1 : i32
      %add3A_85 = arith.addi %mul3A_83, %add3A_84 : i32
      %mul3A_86 = arith.constant 16 : i32
      %mul3A_87 = arith.muli %add3A_85, %mul3A_86 : i32
      %add3A_88 = arith.addi %arg1, %mul3A_87 : i32
      %lt3A_89 = arith.constant 12500 : i32
      %lt3A_90 = arith.cmpi slt, %add3A_88, %lt3A_89 : i32
      %convert_element_type3A_91 = arith.extui %lt3A_90 : i1 to i32
      %cond3A_92 = arith.constant 0 : i32
      %cond3A_93 = arith.cmpi ne, %convert_element_type3A_91, %cond3A_92 : i32
      scf.if %cond3A_93 {
        %mul3A_120 = arith.constant 64 : i32
        %mul3A_121 = arith.muli %add3A_88, %mul3A_120 : i32
        %multiple_of3A = tpu.assume_multiple %mul3A_121, 8 : i32
        %eq3A_122 = arith.constant 0 : i32
        %eq3A_123 = arith.cmpi eq, %arg0, %eq3A_122 : i32
        %convert_element_type3A_124 = arith.extui %eq3A_123 : i1 to i32
        %cond3A_125 = arith.constant 0 : i32
        %cond3A_126 = arith.cmpi ne, %convert_element_type3A_124, %cond3A_125 : i32
        scf.if %cond3A_126 {
          %dma_start3A_135 = tpu.memref_slice %arg3[%multiple_of3A] : memref<800000xi32, #tpu.memory_space<hbm>> -> memref<64xi32, #tpu.memory_space<hbm>>
          %dma_start3A_136 = tpu.memref_slice %arg3[%multiple_of3A] : memref<800000xi32, #tpu.memory_space<hbm>> -> memref<64xi32, #tpu.memory_space<hbm>>
          tpu.enqueue_dma source(%dma_start3A_136 : memref<64xi32, #tpu.memory_space<hbm>>) target(%arg13 : memref<64xi32, #tpu.memory_space<vmem>>) target_semaphore(%arg18 : memref<!tpu.dma_semaphore, #tpu.memory_space<semaphore_mem>>)
        } else {
        }
        %eq3A_127 = arith.constant 1 : i32
        %eq3A_128 = arith.cmpi eq, %arg0, %eq3A_127 : i32
        %convert_element_type3A_129 = arith.extui %eq3A_128 : i1 to i32
        %cond3A_130 = arith.constant 0 : i32
        %cond3A_131 = arith.cmpi ne, %convert_element_type3A_129, %cond3A_130 : i32
        scf.if %cond3A_131 {
          %dma_start3A_135 = tpu.memref_slice %arg5[%multiple_of3A] : memref<800000xi32, #tpu.memory_space<hbm>> -> memref<64xi32, #tpu.memory_space<hbm>>
          %dma_start3A_136 = tpu.memref_slice %arg5[%multiple_of3A] : memref<800000xi32, #tpu.memory_space<hbm>> -> memref<64xi32, #tpu.memory_space<hbm>>
          tpu.enqueue_dma source(%dma_start3A_136 : memref<64xi32, #tpu.memory_space<hbm>>) target(%arg13 : memref<64xi32, #tpu.memory_space<vmem>>) target_semaphore(%arg18 : memref<!tpu.dma_semaphore, #tpu.memory_space<semaphore_mem>>)
        } else {
        }
        %dma_start3A = arith.constant 0 : i32
        %dma_start3A_132 = tpu.memref_slice %arg2[%multiple_of3A, %dma_start3A] : memref<800000x128xf32, #tpu.memory_space<hbm>> -> memref<64x128xf32, #tpu.memory_space<hbm>>
        %dma_start3A_133 = arith.constant 0 : i32
        %dma_start3A_134 = tpu.memref_slice %arg2[%multiple_of3A, %dma_start3A_133] : memref<800000x128xf32, #tpu.memory_space<hbm>> -> memref<64x128xf32, #tpu.memory_space<hbm>>
        tpu.enqueue_dma source(%dma_start3A_134 : memref<64x128xf32, #tpu.memory_space<hbm>>) target(%arg12 : memref<64x128xf32, #tpu.memory_space<vmem>>) target_semaphore(%arg18 : memref<!tpu.dma_semaphore, #tpu.memory_space<semaphore_mem>>)
      } else {
      }
      %mul3A_94 = arith.constant 16 : i32
      %mul3A_95 = arith.muli %mul3A_81, %mul3A_94 : i32
      %add3A_96 = arith.addi %arg1, %mul3A_95 : i32
      %lt3A_97 = arith.constant 12500 : i32
      %lt3A_98 = arith.cmpi slt, %add3A_96, %lt3A_97 : i32
      %convert_element_type3A_99 = arith.extui %lt3A_98 : i1 to i32
      %cond3A_100 = arith.constant 0 : i32
      %cond3A_101 = arith.cmpi ne, %convert_element_type3A_99, %cond3A_100 : i32
      scf.if %cond3A_101 {
        %dma_wait3A = arith.constant 0 : i32
        %dma_wait3A_120 = tpu.memref_slice %arg3[%dma_wait3A] : memref<800000xi32, #tpu.memory_space<hbm>> -> memref<64xi32, #tpu.memory_space<hbm>>
        %dma_wait3A_121 = arith.constant 0 : i32
        %dma_wait3A_122 = tpu.memref_slice %arg3[%dma_wait3A_121] : memref<800000xi32, #tpu.memory_space<hbm>> -> memref<64xi32, #tpu.memory_space<hbm>>
        tpu.wait_dma2 semaphore(%arg17 : memref<!tpu.dma_semaphore, #tpu.memory_space<semaphore_mem>>) src(%dma_wait3A_122 : memref<64xi32, #tpu.memory_space<hbm>>) dst(%arg11 : memref<64xi32, #tpu.memory_space<vmem>>)
        %dma_wait3A_123 = arith.constant 0 : i32
        %dma_wait3A_124 = arith.constant 0 : i32
        %dma_wait3A_125 = tpu.memref_slice %arg2[%dma_wait3A_123, %dma_wait3A_124] : memref<800000x128xf32, #tpu.memory_space<hbm>> -> memref<64x128xf32, #tpu.memory_space<hbm>>
        %dma_wait3A_126 = arith.constant 0 : i32
        %dma_wait3A_127 = arith.constant 0 : i32
        %dma_wait3A_128 = tpu.memref_slice %arg2[%dma_wait3A_126, %dma_wait3A_127] : memref<800000x128xf32, #tpu.memory_space<hbm>> -> memref<64x128xf32, #tpu.memory_space<hbm>>
        tpu.wait_dma2 semaphore(%arg17 : memref<!tpu.dma_semaphore, #tpu.memory_space<semaphore_mem>>) src(%dma_wait3A_128 : memref<64x128xf32, #tpu.memory_space<hbm>>) dst(%arg10 : memref<64x128xf32, #tpu.memory_space<vmem>>)
        "tpu.region"() ({
          %run_scoped3A = tpu.sem_alloc : memref<!tpu.dma_semaphore, #tpu.memory_space<semaphore_mem>>
          %dma_start3A = arith.constant 0 : i32
          %dma_start3A_129 = arith.constant 0 : i32
          %dma_start3A_130 = tpu.memref_slice %arg19[%dma_start3A, %dma_start3A_129] : memref<12544x128xf32, #tpu.memory_space<vmem_shared>> -> memref<12544x128xf32, #tpu.memory_space<vmem_shared>>
          tpu.enqueue_indirect_dma source(%arg10 : memref<64x128xf32, #tpu.memory_space<vmem>>) target(%dma_start3A_130 : memref<12544x128xf32, #tpu.memory_space<vmem_shared>>) offsets(%arg11 : memref<64xi32, #tpu.memory_space<vmem>>) semaphore(%run_scoped3A : memref<!tpu.dma_semaphore, #tpu.memory_space<semaphore_mem>>) {add = true}
          %dma_wait3A_131 = arith.constant 0 : i32
          %dma_wait3A_132 = arith.constant 0 : i32
          %dma_wait3A_133 = tpu.memref_slice %arg19[%dma_wait3A_131, %dma_wait3A_132] : memref<12544x128xf32, #tpu.memory_space<vmem_shared>> -> memref<12544x128xf32, #tpu.memory_space<vmem_shared>>
          tpu.wait_indirect_dma semaphore(%run_scoped3A : memref<!tpu.dma_semaphore, #tpu.memory_space<semaphore_mem>>) src(%arg10 : memref<64x128xf32, #tpu.memory_space<vmem>>) dst(%dma_wait3A_133 : memref<12544x128xf32, #tpu.memory_space<vmem_shared>>)
          tpu.yield
        }) : () -> ()
      } else {
      }
      %add3A_102 = arith.constant 2 : i32
      %add3A_103 = arith.addi %mul3A_81, %add3A_102 : i32
      %mul3A_104 = arith.constant 16 : i32
      %mul3A_105 = arith.muli %add3A_103, %mul3A_104 : i32
      %add3A_106 = arith.addi %arg1, %mul3A_105 : i32
      %lt3A_107 = arith.constant 12500 : i32
      %lt3A_108 = arith.cmpi slt, %add3A_106, %lt3A_107 : i32
      %convert_element_type3A_109 = arith.extui %lt3A_108 : i1 to i32
      %cond3A_110 = arith.constant 0 : i32
      %cond3A_111 = arith.cmpi ne, %convert_element_type3A_109, %cond3A_110 : i32
      scf.if %cond3A_111 {
        %mul3A_120 = arith.constant 64 : i32
        %mul3A_121 = arith.muli %add3A_106, %mul3A_120 : i32
        %multiple_of3A = tpu.assume_multiple %mul3A_121, 8 : i32
        %eq3A_122 = arith.constant 0 : i32
        %eq3A_123 = arith.cmpi eq, %arg0, %eq3A_122 : i32
        %convert_element_type3A_124 = arith.extui %eq3A_123 : i1 to i32
        %cond3A_125 = arith.constant 0 : i32
        %cond3A_126 = arith.cmpi ne, %convert_element_type3A_124, %cond3A_125 : i32
        scf.if %cond3A_126 {
          %dma_start3A_135 = tpu.memref_slice %arg3[%multiple_of3A] : memref<800000xi32, #tpu.memory_space<hbm>> -> memref<64xi32, #tpu.memory_space<hbm>>
          %dma_start3A_136 = tpu.memref_slice %arg3[%multiple_of3A] : memref<800000xi32, #tpu.memory_space<hbm>> -> memref<64xi32, #tpu.memory_space<hbm>>
          tpu.enqueue_dma source(%dma_start3A_136 : memref<64xi32, #tpu.memory_space<hbm>>) target(%arg11 : memref<64xi32, #tpu.memory_space<vmem>>) target_semaphore(%arg17 : memref<!tpu.dma_semaphore, #tpu.memory_space<semaphore_mem>>)
        } else {
        }
        %eq3A_127 = arith.constant 1 : i32
        %eq3A_128 = arith.cmpi eq, %arg0, %eq3A_127 : i32
        %convert_element_type3A_129 = arith.extui %eq3A_128 : i1 to i32
        %cond3A_130 = arith.constant 0 : i32
        %cond3A_131 = arith.cmpi ne, %convert_element_type3A_129, %cond3A_130 : i32
        scf.if %cond3A_131 {
          %dma_start3A_135 = tpu.memref_slice %arg5[%multiple_of3A] : memref<800000xi32, #tpu.memory_space<hbm>> -> memref<64xi32, #tpu.memory_space<hbm>>
          %dma_start3A_136 = tpu.memref_slice %arg5[%multiple_of3A] : memref<800000xi32, #tpu.memory_space<hbm>> -> memref<64xi32, #tpu.memory_space<hbm>>
          tpu.enqueue_dma source(%dma_start3A_136 : memref<64xi32, #tpu.memory_space<hbm>>) target(%arg11 : memref<64xi32, #tpu.memory_space<vmem>>) target_semaphore(%arg17 : memref<!tpu.dma_semaphore, #tpu.memory_space<semaphore_mem>>)
        } else {
        }
        %dma_start3A = arith.constant 0 : i32
        %dma_start3A_132 = tpu.memref_slice %arg2[%multiple_of3A, %dma_start3A] : memref<800000x128xf32, #tpu.memory_space<hbm>> -> memref<64x128xf32, #tpu.memory_space<hbm>>
        %dma_start3A_133 = arith.constant 0 : i32
        %dma_start3A_134 = tpu.memref_slice %arg2[%multiple_of3A, %dma_start3A_133] : memref<800000x128xf32, #tpu.memory_space<hbm>> -> memref<64x128xf32, #tpu.memory_space<hbm>>
        tpu.enqueue_dma source(%dma_start3A_134 : memref<64x128xf32, #tpu.memory_space<hbm>>) target(%arg10 : memref<64x128xf32, #tpu.memory_space<vmem>>) target_semaphore(%arg17 : memref<!tpu.dma_semaphore, #tpu.memory_space<semaphore_mem>>)
      } else {
      }
      %mul3A_112 = arith.constant 16 : i32
      %mul3A_113 = arith.muli %add3A_85, %mul3A_112 : i32
      %add3A_114 = arith.addi %arg1, %mul3A_113 : i32
      %lt3A_115 = arith.constant 12500 : i32
      %lt3A_116 = arith.cmpi slt, %add3A_114, %lt3A_115 : i32
      %convert_element_type3A_117 = arith.extui %lt3A_116 : i1 to i32
      %cond3A_118 = arith.constant 0 : i32
      %cond3A_119 = arith.cmpi ne, %convert_element_type3A_117, %cond3A_118 : i32
      scf.if %cond3A_119 {
        %dma_wait3A = arith.constant 0 : i32
        %dma_wait3A_120 = tpu.memref_slice %arg3[%dma_wait3A] : memref<800000xi32, #tpu.memory_space<hbm>> -> memref<64xi32, #tpu.memory_space<hbm>>
        %dma_wait3A_121 = arith.constant 0 : i32
        %dma_wait3A_122 = tpu.memref_slice %arg3[%dma_wait3A_121] : memref<800000xi32, #tpu.memory_space<hbm>> -> memref<64xi32, #tpu.memory_space<hbm>>
        tpu.wait_dma2 semaphore(%arg18 : memref<!tpu.dma_semaphore, #tpu.memory_space<semaphore_mem>>) src(%dma_wait3A_122 : memref<64xi32, #tpu.memory_space<hbm>>) dst(%arg13 : memref<64xi32, #tpu.memory_space<vmem>>)
        %dma_wait3A_123 = arith.constant 0 : i32
        %dma_wait3A_124 = arith.constant 0 : i32
        %dma_wait3A_125 = tpu.memref_slice %arg2[%dma_wait3A_123, %dma_wait3A_124] : memref<800000x128xf32, #tpu.memory_space<hbm>> -> memref<64x128xf32, #tpu.memory_space<hbm>>
        %dma_wait3A_126 = arith.constant 0 : i32
        %dma_wait3A_127 = arith.constant 0 : i32
        %dma_wait3A_128 = tpu.memref_slice %arg2[%dma_wait3A_126, %dma_wait3A_127] : memref<800000x128xf32, #tpu.memory_space<hbm>> -> memref<64x128xf32, #tpu.memory_space<hbm>>
        tpu.wait_dma2 semaphore(%arg18 : memref<!tpu.dma_semaphore, #tpu.memory_space<semaphore_mem>>) src(%dma_wait3A_128 : memref<64x128xf32, #tpu.memory_space<hbm>>) dst(%arg12 : memref<64x128xf32, #tpu.memory_space<vmem>>)
        "tpu.region"() ({
          %run_scoped3A = tpu.sem_alloc : memref<!tpu.dma_semaphore, #tpu.memory_space<semaphore_mem>>
          %dma_start3A = arith.constant 0 : i32
          %dma_start3A_129 = arith.constant 0 : i32
          %dma_start3A_130 = tpu.memref_slice %arg19[%dma_start3A, %dma_start3A_129] : memref<12544x128xf32, #tpu.memory_space<vmem_shared>> -> memref<12544x128xf32, #tpu.memory_space<vmem_shared>>
          tpu.enqueue_indirect_dma source(%arg12 : memref<64x128xf32, #tpu.memory_space<vmem>>) target(%dma_start3A_130 : memref<12544x128xf32, #tpu.memory_space<vmem_shared>>) offsets(%arg13 : memref<64xi32, #tpu.memory_space<vmem>>) semaphore(%run_scoped3A : memref<!tpu.dma_semaphore, #tpu.memory_space<semaphore_mem>>) {add = true}
          %dma_wait3A_131 = arith.constant 0 : i32
          %dma_wait3A_132 = arith.constant 0 : i32
          %dma_wait3A_133 = tpu.memref_slice %arg19[%dma_wait3A_131, %dma_wait3A_132] : memref<12544x128xf32, #tpu.memory_space<vmem_shared>> -> memref<12544x128xf32, #tpu.memory_space<vmem_shared>>
          tpu.wait_indirect_dma semaphore(%run_scoped3A : memref<!tpu.dma_semaphore, #tpu.memory_space<semaphore_mem>>) src(%arg12 : memref<64x128xf32, #tpu.memory_space<vmem>>) dst(%dma_wait3A_133 : memref<12544x128xf32, #tpu.memory_space<vmem_shared>>)
          tpu.yield
        }) : () -> ()
      } else {
      }
    }
    %scan3A_21 = arith.constant 391 : i32
    %barrier3A_22 = arith.constant 0 : index
    tpu.barrier barrier_id(%barrier3A_22)
    %lt3A_23 = arith.constant 15 : i32
    %lt3A_24 = arith.cmpi slt, %arg1, %lt3A_23 : i32
    %convert_element_type3A_25 = arith.extui %lt3A_24 : i1 to i32
    %cond3A_26 = arith.constant 0 : i32
    %cond3A_27 = arith.cmpi ne, %convert_element_type3A_25, %cond3A_26 : i32
    scf.if %cond3A_27 {
      %scan3A_79 = arith.constant 0 : i32
      %scan3A_80 = arith.constant 0 : i32
      %scan3A_81 = arith.constant 14 : i32
      %scan3A_82 = arith.addi %scan3A_80, %scan3A_81 : i32
      %scan3A_83 = arith.constant 1 : i32
      scf.for %scan3A_85 = %scan3A_80 to %scan3A_82 step %scan3A_83  : i32 {
        %mul3A_86 = arith.constant 784 : i32
        %mul3A_87 = arith.muli %arg1, %mul3A_86 : i32
        %mul3A_88 = arith.constant 56 : i32
        %mul3A_89 = arith.muli %scan3A_85, %mul3A_88 : i32
        %add3A_90 = arith.addi %mul3A_87, %mul3A_89 : i32
        %multiple_of3A = tpu.assume_multiple %add3A_90, 8 : i32
        "tpu.region"() ({
          %run_scoped3A = tpu.sem_alloc : memref<!tpu.dma_semaphore, #tpu.memory_space<semaphore_mem>>
          %dma_start3A_97 = tpu.memref_slice %arg7[%multiple_of3A] : memref<12544xi32, #tpu.memory_space<hbm>> -> memref<56xi32, #tpu.memory_space<hbm>>
          %dma_start3A_98 = tpu.memref_slice %arg7[%multiple_of3A] : memref<12544xi32, #tpu.memory_space<hbm>> -> memref<56xi32, #tpu.memory_space<hbm>>
          tpu.enqueue_dma source(%dma_start3A_98 : memref<56xi32, #tpu.memory_space<hbm>>) target(%arg15 : memref<56xi32, #tpu.memory_space<vmem>>) target_semaphore(%run_scoped3A : memref<!tpu.dma_semaphore, #tpu.memory_space<semaphore_mem>>)
          %dma_wait3A_99 = tpu.memref_slice %arg7[%multiple_of3A] : memref<12544xi32, #tpu.memory_space<hbm>> -> memref<56xi32, #tpu.memory_space<hbm>>
          %dma_wait3A_100 = tpu.memref_slice %arg7[%multiple_of3A] : memref<12544xi32, #tpu.memory_space<hbm>> -> memref<56xi32, #tpu.memory_space<hbm>>
          tpu.wait_dma2 semaphore(%run_scoped3A : memref<!tpu.dma_semaphore, #tpu.memory_space<semaphore_mem>>) src(%dma_wait3A_100 : memref<56xi32, #tpu.memory_space<hbm>>) dst(%arg15 : memref<56xi32, #tpu.memory_space<vmem>>)
          tpu.yield
        }) : () -> ()
        %dma_start3A = arith.constant 0 : i32
        %dma_start3A_91 = arith.constant 0 : i32
        %dma_start3A_92 = tpu.memref_slice %arg19[%dma_start3A, %dma_start3A_91] : memref<12544x128xf32, #tpu.memory_space<vmem_shared>> -> memref<12544x128xf32, #tpu.memory_space<vmem_shared>>
        tpu.enqueue_indirect_dma source(%dma_start3A_92 : memref<12544x128xf32, #tpu.memory_space<vmem_shared>>) target(%arg14 : memref<56x128xf32, #tpu.memory_space<vmem>>) offsets(%arg15 : memref<56xi32, #tpu.memory_space<vmem>>) semaphore(%arg16 : memref<!tpu.dma_semaphore, #tpu.memory_space<semaphore_mem>>)
        %dma_wait3A = arith.constant 0 : i32
        %dma_wait3A_93 = arith.constant 0 : i32
        %dma_wait3A_94 = tpu.memref_slice %arg19[%dma_wait3A, %dma_wait3A_93] : memref<12544x128xf32, #tpu.memory_space<vmem_shared>> -> memref<12544x128xf32, #tpu.memory_space<vmem_shared>>
        tpu.wait_indirect_dma semaphore(%arg16 : memref<!tpu.dma_semaphore, #tpu.memory_space<semaphore_mem>>) src(%dma_wait3A_94 : memref<12544x128xf32, #tpu.memory_space<vmem_shared>>) dst(%arg14 : memref<56x128xf32, #tpu.memory_space<vmem>>)
        %add3A_95 = arith.addi %add3A_3, %add3A_90 : i32
        %multiple_of3A_96 = tpu.assume_multiple %add3A_95, 8 : i32
        "tpu.region"() ({
          %run_scoped3A = tpu.sem_alloc : memref<!tpu.dma_semaphore, #tpu.memory_space<semaphore_mem>>
          %dma_start3A_97 = arith.constant 0 : i32
          %dma_start3A_98 = tpu.memref_slice %arg9[%multiple_of3A_96, %dma_start3A_97] : memref<50000x128xf32, #tpu.memory_space<hbm>> -> memref<56x128xf32, #tpu.memory_space<hbm>>
          %dma_start3A_99 = arith.constant 0 : i32
          %dma_start3A_100 = tpu.memref_slice %arg9[%multiple_of3A_96, %dma_start3A_99] : memref<50000x128xf32, #tpu.memory_space<hbm>> -> memref<56x128xf32, #tpu.memory_space<hbm>>
          tpu.enqueue_dma source(%arg14 : memref<56x128xf32, #tpu.memory_space<vmem>>) target(%dma_start3A_100 : memref<56x128xf32, #tpu.memory_space<hbm>>) target_semaphore(%run_scoped3A : memref<!tpu.dma_semaphore, #tpu.memory_space<semaphore_mem>>)
          %dma_wait3A_101 = arith.constant 0 : i32
          %dma_wait3A_102 = tpu.memref_slice %arg9[%multiple_of3A_96, %dma_wait3A_101] : memref<50000x128xf32, #tpu.memory_space<hbm>> -> memref<56x128xf32, #tpu.memory_space<hbm>>
          %dma_wait3A_103 = arith.constant 0 : i32
          %dma_wait3A_104 = tpu.memref_slice %arg9[%multiple_of3A_96, %dma_wait3A_103] : memref<50000x128xf32, #tpu.memory_space<hbm>> -> memref<56x128xf32, #tpu.memory_space<hbm>>
          tpu.wait_dma2 semaphore(%run_scoped3A : memref<!tpu.dma_semaphore, #tpu.memory_space<semaphore_mem>>) src(%arg14 : memref<56x128xf32, #tpu.memory_space<vmem>>) dst(%dma_wait3A_104 : memref<56x128xf32, #tpu.memory_space<hbm>>)
          tpu.yield
        }) : () -> ()
      }
      %scan3A_84 = arith.constant 14 : i32
    } else {
    }
    %eq3A_28 = arith.constant 15 : i32
    %eq3A_29 = arith.cmpi eq, %arg1, %eq3A_28 : i32
    %convert_element_type3A_30 = arith.extui %eq3A_29 : i1 to i32
    %cond3A_31 = arith.constant 0 : i32
    %cond3A_32 = arith.cmpi ne, %convert_element_type3A_30, %cond3A_31 : i32
    scf.if %cond3A_32 {
      %scan3A_79 = arith.constant 0 : i32
      %scan3A_80 = arith.constant 0 : i32
      %scan3A_81 = arith.constant 13 : i32
      %scan3A_82 = arith.addi %scan3A_80, %scan3A_81 : i32
      %scan3A_83 = arith.constant 1 : i32
      scf.for %scan3A_93 = %scan3A_80 to %scan3A_82 step %scan3A_83  : i32 {
        %mul3A_94 = arith.constant 784 : i32
        %mul3A_95 = arith.muli %arg1, %mul3A_94 : i32
        %mul3A_96 = arith.constant 56 : i32
        %mul3A_97 = arith.muli %scan3A_93, %mul3A_96 : i32
        %add3A_98 = arith.addi %mul3A_95, %mul3A_97 : i32
        %multiple_of3A_99 = tpu.assume_multiple %add3A_98, 8 : i32
        "tpu.region"() ({
          %run_scoped3A = tpu.sem_alloc : memref<!tpu.dma_semaphore, #tpu.memory_space<semaphore_mem>>
          %dma_start3A_108 = tpu.memref_slice %arg7[%multiple_of3A_99] : memref<12544xi32, #tpu.memory_space<hbm>> -> memref<56xi32, #tpu.memory_space<hbm>>
          %dma_start3A_109 = tpu.memref_slice %arg7[%multiple_of3A_99] : memref<12544xi32, #tpu.memory_space<hbm>> -> memref<56xi32, #tpu.memory_space<hbm>>
          tpu.enqueue_dma source(%dma_start3A_109 : memref<56xi32, #tpu.memory_space<hbm>>) target(%arg15 : memref<56xi32, #tpu.memory_space<vmem>>) target_semaphore(%run_scoped3A : memref<!tpu.dma_semaphore, #tpu.memory_space<semaphore_mem>>)
          %dma_wait3A_110 = tpu.memref_slice %arg7[%multiple_of3A_99] : memref<12544xi32, #tpu.memory_space<hbm>> -> memref<56xi32, #tpu.memory_space<hbm>>
          %dma_wait3A_111 = tpu.memref_slice %arg7[%multiple_of3A_99] : memref<12544xi32, #tpu.memory_space<hbm>> -> memref<56xi32, #tpu.memory_space<hbm>>
          tpu.wait_dma2 semaphore(%run_scoped3A : memref<!tpu.dma_semaphore, #tpu.memory_space<semaphore_mem>>) src(%dma_wait3A_111 : memref<56xi32, #tpu.memory_space<hbm>>) dst(%arg15 : memref<56xi32, #tpu.memory_space<vmem>>)
          tpu.yield
        }) : () -> ()
        %dma_start3A_100 = arith.constant 0 : i32
        %dma_start3A_101 = arith.constant 0 : i32
        %dma_start3A_102 = tpu.memref_slice %arg19[%dma_start3A_100, %dma_start3A_101] : memref<12544x128xf32, #tpu.memory_space<vmem_shared>> -> memref<12544x128xf32, #tpu.memory_space<vmem_shared>>
        tpu.enqueue_indirect_dma source(%dma_start3A_102 : memref<12544x128xf32, #tpu.memory_space<vmem_shared>>) target(%arg14 : memref<56x128xf32, #tpu.memory_space<vmem>>) offsets(%arg15 : memref<56xi32, #tpu.memory_space<vmem>>) semaphore(%arg16 : memref<!tpu.dma_semaphore, #tpu.memory_space<semaphore_mem>>)
        %dma_wait3A_103 = arith.constant 0 : i32
        %dma_wait3A_104 = arith.constant 0 : i32
        %dma_wait3A_105 = tpu.memref_slice %arg19[%dma_wait3A_103, %dma_wait3A_104] : memref<12544x128xf32, #tpu.memory_space<vmem_shared>> -> memref<12544x128xf32, #tpu.memory_space<vmem_shared>>
        tpu.wait_indirect_dma semaphore(%arg16 : memref<!tpu.dma_semaphore, #tpu.memory_space<semaphore_mem>>) src(%dma_wait3A_105 : memref<12544x128xf32, #tpu.memory_space<vmem_shared>>) dst(%arg14 : memref<56x128xf32, #tpu.memory_space<vmem>>)
        %add3A_106 = arith.addi %add3A_3, %add3A_98 : i32
        %multiple_of3A_107 = tpu.assume_multiple %add3A_106, 8 : i32
        "tpu.region"() ({
          %run_scoped3A = tpu.sem_alloc : memref<!tpu.dma_semaphore, #tpu.memory_space<semaphore_mem>>
          %dma_start3A_108 = arith.constant 0 : i32
          %dma_start3A_109 = tpu.memref_slice %arg9[%multiple_of3A_107, %dma_start3A_108] : memref<50000x128xf32, #tpu.memory_space<hbm>> -> memref<56x128xf32, #tpu.memory_space<hbm>>
          %dma_start3A_110 = arith.constant 0 : i32
          %dma_start3A_111 = tpu.memref_slice %arg9[%multiple_of3A_107, %dma_start3A_110] : memref<50000x128xf32, #tpu.memory_space<hbm>> -> memref<56x128xf32, #tpu.memory_space<hbm>>
          tpu.enqueue_dma source(%arg14 : memref<56x128xf32, #tpu.memory_space<vmem>>) target(%dma_start3A_111 : memref<56x128xf32, #tpu.memory_space<hbm>>) target_semaphore(%run_scoped3A : memref<!tpu.dma_semaphore, #tpu.memory_space<semaphore_mem>>)
          %dma_wait3A_112 = arith.constant 0 : i32
          %dma_wait3A_113 = tpu.memref_slice %arg9[%multiple_of3A_107, %dma_wait3A_112] : memref<50000x128xf32, #tpu.memory_space<hbm>> -> memref<56x128xf32, #tpu.memory_space<hbm>>
          %dma_wait3A_114 = arith.constant 0 : i32
          %dma_wait3A_115 = tpu.memref_slice %arg9[%multiple_of3A_107, %dma_wait3A_114] : memref<50000x128xf32, #tpu.memory_space<hbm>> -> memref<56x128xf32, #tpu.memory_space<hbm>>
          tpu.wait_dma2 semaphore(%run_scoped3A : memref<!tpu.dma_semaphore, #tpu.memory_space<semaphore_mem>>) src(%arg14 : memref<56x128xf32, #tpu.memory_space<vmem>>) dst(%dma_wait3A_115 : memref<56x128xf32, #tpu.memory_space<hbm>>)
          tpu.yield
        }) : () -> ()
      }
      %scan3A_84 = arith.constant 13 : i32
      %multiple_of3A = arith.constant 12488 : i32
      %multiple_of3A_85 = tpu.assume_multiple %multiple_of3A, 8 : i32
      "tpu.region"() ({
        %run_scoped3A = tpu.sem_alloc : memref<!tpu.dma_semaphore, #tpu.memory_space<semaphore_mem>>
        %dma_start3A_93 = tpu.memref_slice %arg7[%multiple_of3A_85] : memref<12544xi32, #tpu.memory_space<hbm>> -> memref<56xi32, #tpu.memory_space<hbm>>
        %dma_start3A_94 = tpu.memref_slice %arg7[%multiple_of3A_85] : memref<12544xi32, #tpu.memory_space<hbm>> -> memref<56xi32, #tpu.memory_space<hbm>>
        tpu.enqueue_dma source(%dma_start3A_94 : memref<56xi32, #tpu.memory_space<hbm>>) target(%arg15 : memref<56xi32, #tpu.memory_space<vmem>>) target_semaphore(%run_scoped3A : memref<!tpu.dma_semaphore, #tpu.memory_space<semaphore_mem>>)
        %dma_wait3A_95 = tpu.memref_slice %arg7[%multiple_of3A_85] : memref<12544xi32, #tpu.memory_space<hbm>> -> memref<56xi32, #tpu.memory_space<hbm>>
        %dma_wait3A_96 = tpu.memref_slice %arg7[%multiple_of3A_85] : memref<12544xi32, #tpu.memory_space<hbm>> -> memref<56xi32, #tpu.memory_space<hbm>>
        tpu.wait_dma2 semaphore(%run_scoped3A : memref<!tpu.dma_semaphore, #tpu.memory_space<semaphore_mem>>) src(%dma_wait3A_96 : memref<56xi32, #tpu.memory_space<hbm>>) dst(%arg15 : memref<56xi32, #tpu.memory_space<vmem>>)
        tpu.yield
      }) : () -> ()
      %dma_start3A = arith.constant 0 : i32
      %dma_start3A_86 = arith.constant 0 : i32
      %dma_start3A_87 = tpu.memref_slice %arg19[%dma_start3A, %dma_start3A_86] : memref<12544x128xf32, #tpu.memory_space<vmem_shared>> -> memref<12544x128xf32, #tpu.memory_space<vmem_shared>>
      tpu.enqueue_indirect_dma source(%dma_start3A_87 : memref<12544x128xf32, #tpu.memory_space<vmem_shared>>) target(%arg14 : memref<56x128xf32, #tpu.memory_space<vmem>>) offsets(%arg15 : memref<56xi32, #tpu.memory_space<vmem>>) semaphore(%arg16 : memref<!tpu.dma_semaphore, #tpu.memory_space<semaphore_mem>>)
      %dma_wait3A = arith.constant 0 : i32
      %dma_wait3A_88 = arith.constant 0 : i32
      %dma_wait3A_89 = tpu.memref_slice %arg19[%dma_wait3A, %dma_wait3A_88] : memref<12544x128xf32, #tpu.memory_space<vmem_shared>> -> memref<12544x128xf32, #tpu.memory_space<vmem_shared>>
      tpu.wait_indirect_dma semaphore(%arg16 : memref<!tpu.dma_semaphore, #tpu.memory_space<semaphore_mem>>) src(%dma_wait3A_89 : memref<12544x128xf32, #tpu.memory_space<vmem_shared>>) dst(%arg14 : memref<56x128xf32, #tpu.memory_space<vmem>>)
      %add3A_90 = arith.constant 12488 : i32
      %add3A_91 = arith.addi %add3A_3, %add3A_90 : i32
      %multiple_of3A_92 = tpu.assume_multiple %add3A_91, 8 : i32
      "tpu.region"() ({
        %run_scoped3A = tpu.sem_alloc : memref<!tpu.dma_semaphore, #tpu.memory_space<semaphore_mem>>
        %dma_start3A_93 = arith.constant 0 : i32
        %dma_start3A_94 = arith.constant 0 : i32
        %dma_start3A_95 = tpu.memref_slice %arg14[%dma_start3A_93, %dma_start3A_94] : memref<56x128xf32, #tpu.memory_space<vmem>> -> memref<16x128xf32, #tpu.memory_space<vmem>>
        %dma_start3A_96 = arith.constant 0 : i32
        %dma_start3A_97 = tpu.memref_slice %arg9[%multiple_of3A_92, %dma_start3A_96] : memref<50000x128xf32, #tpu.memory_space<hbm>> -> memref<16x128xf32, #tpu.memory_space<hbm>>
        %dma_start3A_98 = arith.constant 0 : i32
        %dma_start3A_99 = tpu.memref_slice %arg9[%multiple_of3A_92, %dma_start3A_98] : memref<50000x128xf32, #tpu.memory_space<hbm>> -> memref<16x128xf32, #tpu.memory_space<hbm>>
        %dma_start3A_100 = arith.constant 0 : i32
        %dma_start3A_101 = arith.constant 0 : i32
        %dma_start3A_102 = tpu.memref_slice %arg14[%dma_start3A_100, %dma_start3A_101] : memref<56x128xf32, #tpu.memory_space<vmem>> -> memref<16x128xf32, #tpu.memory_space<vmem>>
        tpu.enqueue_dma source(%dma_start3A_102 : memref<16x128xf32, #tpu.memory_space<vmem>>) target(%dma_start3A_99 : memref<16x128xf32, #tpu.memory_space<hbm>>) target_semaphore(%run_scoped3A : memref<!tpu.dma_semaphore, #tpu.memory_space<semaphore_mem>>)
        %dma_wait3A_103 = arith.constant 0 : i32
        %dma_wait3A_104 = arith.constant 0 : i32
        %dma_wait3A_105 = tpu.memref_slice %arg14[%dma_wait3A_103, %dma_wait3A_104] : memref<56x128xf32, #tpu.memory_space<vmem>> -> memref<16x128xf32, #tpu.memory_space<vmem>>
        %dma_wait3A_106 = arith.constant 0 : i32
        %dma_wait3A_107 = tpu.memref_slice %arg9[%multiple_of3A_92, %dma_wait3A_106] : memref<50000x128xf32, #tpu.memory_space<hbm>> -> memref<16x128xf32, #tpu.memory_space<hbm>>
        %dma_wait3A_108 = arith.constant 0 : i32
        %dma_wait3A_109 = tpu.memref_slice %arg9[%multiple_of3A_92, %dma_wait3A_108] : memref<50000x128xf32, #tpu.memory_space<hbm>> -> memref<16x128xf32, #tpu.memory_space<hbm>>
        %dma_wait3A_110 = arith.constant 0 : i32
        %dma_wait3A_111 = arith.constant 0 : i32
        %dma_wait3A_112 = tpu.memref_slice %arg14[%dma_wait3A_110, %dma_wait3A_111] : memref<56x128xf32, #tpu.memory_space<vmem>> -> memref<16x128xf32, #tpu.memory_space<vmem>>
        tpu.wait_dma2 semaphore(%run_scoped3A : memref<!tpu.dma_semaphore, #tpu.memory_space<semaphore_mem>>) src(%dma_wait3A_112 : memref<16x128xf32, #tpu.memory_space<vmem>>) dst(%dma_wait3A_109 : memref<16x128xf32, #tpu.memory_space<hbm>>)
        tpu.yield
      }) : () -> ()
    } else {
    }
    %barrier3A_33 = arith.constant 0 : index
    tpu.barrier barrier_id(%barrier3A_33)
    %mul3A_34 = arith.constant 2 : i32
    %mul3A_35 = arith.muli %arg0, %mul3A_34 : i32
    %mul3A_36 = arith.constant 12504 : i32
    %mul3A_37 = arith.muli %mul3A_35, %mul3A_36 : i32
    %add3A_38 = arith.constant 12504 : i32
    %add3A_39 = arith.addi %mul3A_37, %add3A_38 : i32
    %eq3A_40 = arith.constant 1 : i32
    %eq3A_41 = arith.cmpi eq, %arg0, %eq3A_40 : i32
    %and3A_42 = arith.constant true
    %and3A_43 = arith.andi %eq3A_41, %and3A_42 : i1
    %jit3A_44 = arith.constant 12488 : i32
    %jit3A_45 = arith.constant 12504 : i32
    %select_n3A_46 = arith.select %and3A_43, %jit3A_44, %jit3A_45 : i32
    "tpu.region"() ({
      %run_scoped3A = tpu.sem_alloc : memref<!tpu.dma_semaphore, #tpu.memory_space<semaphore_mem>>
      tpu.enqueue_dma source(%arg8 : memref<56x128xf32, #tpu.memory_space<hbm>>) target(%arg14 : memref<56x128xf32, #tpu.memory_space<vmem>>) target_semaphore(%run_scoped3A : memref<!tpu.dma_semaphore, #tpu.memory_space<semaphore_mem>>)
      tpu.wait_dma2 semaphore(%run_scoped3A : memref<!tpu.dma_semaphore, #tpu.memory_space<semaphore_mem>>) src(%arg8 : memref<56x128xf32, #tpu.memory_space<hbm>>) dst(%arg14 : memref<56x128xf32, #tpu.memory_space<vmem>>)
      tpu.yield
    }) : () -> ()
    %scan3A_47 = arith.constant 0 : i32
    %scan3A_48 = arith.constant 0 : i32
    %scan3A_49 = arith.constant 14 : i32
    %scan3A_50 = arith.addi %scan3A_48, %scan3A_49 : i32
    %scan3A_51 = arith.constant 1 : i32
    scf.for %scan3A_79 = %scan3A_48 to %scan3A_50 step %scan3A_51  : i32 {
      %mul3A_80 = arith.constant 784 : i32
      %mul3A_81 = arith.muli %arg1, %mul3A_80 : i32
      %mul3A_82 = arith.constant 56 : i32
      %mul3A_83 = arith.muli %scan3A_79, %mul3A_82 : i32
      %add3A_84 = arith.addi %mul3A_81, %mul3A_83 : i32
      %multiple_of3A = tpu.assume_multiple %add3A_84, 8 : i32
      "tpu.region"() ({
        %run_scoped3A = tpu.sem_alloc : memref<!tpu.dma_semaphore, #tpu.memory_space<semaphore_mem>>
        %dma_start3A = tpu.memref_slice %arg7[%multiple_of3A] : memref<12544xi32, #tpu.memory_space<hbm>> -> memref<56xi32, #tpu.memory_space<hbm>>
        %dma_start3A_85 = tpu.memref_slice %arg7[%multiple_of3A] : memref<12544xi32, #tpu.memory_space<hbm>> -> memref<56xi32, #tpu.memory_space<hbm>>
        tpu.enqueue_dma source(%dma_start3A_85 : memref<56xi32, #tpu.memory_space<hbm>>) target(%arg15 : memref<56xi32, #tpu.memory_space<vmem>>) target_semaphore(%run_scoped3A : memref<!tpu.dma_semaphore, #tpu.memory_space<semaphore_mem>>)
        %dma_wait3A = tpu.memref_slice %arg7[%multiple_of3A] : memref<12544xi32, #tpu.memory_space<hbm>> -> memref<56xi32, #tpu.memory_space<hbm>>
        %dma_wait3A_86 = tpu.memref_slice %arg7[%multiple_of3A] : memref<12544xi32, #tpu.memory_space<hbm>> -> memref<56xi32, #tpu.memory_space<hbm>>
        tpu.wait_dma2 semaphore(%run_scoped3A : memref<!tpu.dma_semaphore, #tpu.memory_space<semaphore_mem>>) src(%dma_wait3A_86 : memref<56xi32, #tpu.memory_space<hbm>>) dst(%arg15 : memref<56xi32, #tpu.memory_space<vmem>>)
        tpu.yield
      }) : () -> ()
      "tpu.region"() ({
        %run_scoped3A = tpu.sem_alloc : memref<!tpu.dma_semaphore, #tpu.memory_space<semaphore_mem>>
        %dma_start3A = arith.constant 0 : i32
        %dma_start3A_85 = arith.constant 0 : i32
        %dma_start3A_86 = tpu.memref_slice %arg19[%dma_start3A, %dma_start3A_85] : memref<12544x128xf32, #tpu.memory_space<vmem_shared>> -> memref<12544x128xf32, #tpu.memory_space<vmem_shared>>
        tpu.enqueue_indirect_dma source(%arg14 : memref<56x128xf32, #tpu.memory_space<vmem>>) target(%dma_start3A_86 : memref<12544x128xf32, #tpu.memory_space<vmem_shared>>) offsets(%arg15 : memref<56xi32, #tpu.memory_space<vmem>>) semaphore(%run_scoped3A : memref<!tpu.dma_semaphore, #tpu.memory_space<semaphore_mem>>)
        %dma_wait3A = arith.constant 0 : i32
        %dma_wait3A_87 = arith.constant 0 : i32
        %dma_wait3A_88 = tpu.memref_slice %arg19[%dma_wait3A, %dma_wait3A_87] : memref<12544x128xf32, #tpu.memory_space<vmem_shared>> -> memref<12544x128xf32, #tpu.memory_space<vmem_shared>>
        tpu.wait_indirect_dma semaphore(%run_scoped3A : memref<!tpu.dma_semaphore, #tpu.memory_space<semaphore_mem>>) src(%arg14 : memref<56x128xf32, #tpu.memory_space<vmem>>) dst(%dma_wait3A_88 : memref<12544x128xf32, #tpu.memory_space<vmem_shared>>)
        tpu.yield
      }) : () -> ()
    }
    %scan3A_52 = arith.constant 14 : i32
    %barrier3A_53 = arith.constant 0 : index
    tpu.barrier barrier_id(%barrier3A_53)
    %add3A_54 = arith.constant 0 : i32
    %add3A_55 = arith.addi %arg1, %add3A_54 : i32
    %lt3A_56 = arith.constant 12500 : i32
    %lt3A_57 = arith.cmpi slt, %add3A_55, %lt3A_56 : i32
    %convert_element_type3A_58 = arith.extui %lt3A_57 : i1 to i32
    %cond3A_59 = arith.constant 0 : i32
    %cond3A_60 = arith.cmpi ne, %convert_element_type3A_58, %cond3A_59 : i32
    scf.if %cond3A_60 {
      %mul3A_79 = arith.constant 64 : i32
      %mul3A_80 = arith.muli %add3A_55, %mul3A_79 : i32
      %multiple_of3A = tpu.assume_multiple %mul3A_80, 8 : i32
      %eq3A_81 = arith.constant 0 : i32
      %eq3A_82 = arith.cmpi eq, %arg0, %eq3A_81 : i32
      %convert_element_type3A_83 = arith.extui %eq3A_82 : i1 to i32
      %cond3A_84 = arith.constant 0 : i32
      %cond3A_85 = arith.cmpi ne, %convert_element_type3A_83, %cond3A_84 : i32
      scf.if %cond3A_85 {
        %dma_start3A_94 = tpu.memref_slice %arg4[%multiple_of3A] : memref<800000xi32, #tpu.memory_space<hbm>> -> memref<64xi32, #tpu.memory_space<hbm>>
        %dma_start3A_95 = tpu.memref_slice %arg4[%multiple_of3A] : memref<800000xi32, #tpu.memory_space<hbm>> -> memref<64xi32, #tpu.memory_space<hbm>>
        tpu.enqueue_dma source(%dma_start3A_95 : memref<64xi32, #tpu.memory_space<hbm>>) target(%arg11 : memref<64xi32, #tpu.memory_space<vmem>>) target_semaphore(%arg17 : memref<!tpu.dma_semaphore, #tpu.memory_space<semaphore_mem>>)
      } else {
      }
      %eq3A_86 = arith.constant 1 : i32
      %eq3A_87 = arith.cmpi eq, %arg0, %eq3A_86 : i32
      %convert_element_type3A_88 = arith.extui %eq3A_87 : i1 to i32
      %cond3A_89 = arith.constant 0 : i32
      %cond3A_90 = arith.cmpi ne, %convert_element_type3A_88, %cond3A_89 : i32
      scf.if %cond3A_90 {
        %dma_start3A_94 = tpu.memref_slice %arg6[%multiple_of3A] : memref<800000xi32, #tpu.memory_space<hbm>> -> memref<64xi32, #tpu.memory_space<hbm>>
        %dma_start3A_95 = tpu.memref_slice %arg6[%multiple_of3A] : memref<800000xi32, #tpu.memory_space<hbm>> -> memref<64xi32, #tpu.memory_space<hbm>>
        tpu.enqueue_dma source(%dma_start3A_95 : memref<64xi32, #tpu.memory_space<hbm>>) target(%arg11 : memref<64xi32, #tpu.memory_space<vmem>>) target_semaphore(%arg17 : memref<!tpu.dma_semaphore, #tpu.memory_space<semaphore_mem>>)
      } else {
      }
      %dma_start3A = arith.constant 0 : i32
      %dma_start3A_91 = tpu.memref_slice %arg2[%multiple_of3A, %dma_start3A] : memref<800000x128xf32, #tpu.memory_space<hbm>> -> memref<64x128xf32, #tpu.memory_space<hbm>>
      %dma_start3A_92 = arith.constant 0 : i32
      %dma_start3A_93 = tpu.memref_slice %arg2[%multiple_of3A, %dma_start3A_92] : memref<800000x128xf32, #tpu.memory_space<hbm>> -> memref<64x128xf32, #tpu.memory_space<hbm>>
      tpu.enqueue_dma source(%dma_start3A_93 : memref<64x128xf32, #tpu.memory_space<hbm>>) target(%arg10 : memref<64x128xf32, #tpu.memory_space<vmem>>) target_semaphore(%arg17 : memref<!tpu.dma_semaphore, #tpu.memory_space<semaphore_mem>>)
    } else {
    }
    %scan3A_61 = arith.constant 0 : i32
    %scan3A_62 = arith.constant 0 : i32
    %scan3A_63 = arith.constant 391 : i32
    %scan3A_64 = arith.addi %scan3A_62, %scan3A_63 : i32
    %scan3A_65 = arith.constant 1 : i32
    scf.for %scan3A_79 = %scan3A_62 to %scan3A_64 step %scan3A_65  : i32 {
      %mul3A_80 = arith.constant 2 : i32
      %mul3A_81 = arith.muli %scan3A_79, %mul3A_80 : i32
      %mul3A_82 = arith.constant 2 : i32
      %mul3A_83 = arith.muli %scan3A_79, %mul3A_82 : i32
      %add3A_84 = arith.constant 1 : i32
      %add3A_85 = arith.addi %mul3A_83, %add3A_84 : i32
      %mul3A_86 = arith.constant 16 : i32
      %mul3A_87 = arith.muli %add3A_85, %mul3A_86 : i32
      %add3A_88 = arith.addi %arg1, %mul3A_87 : i32
      %lt3A_89 = arith.constant 12500 : i32
      %lt3A_90 = arith.cmpi slt, %add3A_88, %lt3A_89 : i32
      %convert_element_type3A_91 = arith.extui %lt3A_90 : i1 to i32
      %cond3A_92 = arith.constant 0 : i32
      %cond3A_93 = arith.cmpi ne, %convert_element_type3A_91, %cond3A_92 : i32
      scf.if %cond3A_93 {
        %mul3A_120 = arith.constant 64 : i32
        %mul3A_121 = arith.muli %add3A_88, %mul3A_120 : i32
        %multiple_of3A = tpu.assume_multiple %mul3A_121, 8 : i32
        %eq3A_122 = arith.constant 0 : i32
        %eq3A_123 = arith.cmpi eq, %arg0, %eq3A_122 : i32
        %convert_element_type3A_124 = arith.extui %eq3A_123 : i1 to i32
        %cond3A_125 = arith.constant 0 : i32
        %cond3A_126 = arith.cmpi ne, %convert_element_type3A_124, %cond3A_125 : i32
        scf.if %cond3A_126 {
          %dma_start3A_135 = tpu.memref_slice %arg4[%multiple_of3A] : memref<800000xi32, #tpu.memory_space<hbm>> -> memref<64xi32, #tpu.memory_space<hbm>>
          %dma_start3A_136 = tpu.memref_slice %arg4[%multiple_of3A] : memref<800000xi32, #tpu.memory_space<hbm>> -> memref<64xi32, #tpu.memory_space<hbm>>
          tpu.enqueue_dma source(%dma_start3A_136 : memref<64xi32, #tpu.memory_space<hbm>>) target(%arg13 : memref<64xi32, #tpu.memory_space<vmem>>) target_semaphore(%arg18 : memref<!tpu.dma_semaphore, #tpu.memory_space<semaphore_mem>>)
        } else {
        }
        %eq3A_127 = arith.constant 1 : i32
        %eq3A_128 = arith.cmpi eq, %arg0, %eq3A_127 : i32
        %convert_element_type3A_129 = arith.extui %eq3A_128 : i1 to i32
        %cond3A_130 = arith.constant 0 : i32
        %cond3A_131 = arith.cmpi ne, %convert_element_type3A_129, %cond3A_130 : i32
        scf.if %cond3A_131 {
          %dma_start3A_135 = tpu.memref_slice %arg6[%multiple_of3A] : memref<800000xi32, #tpu.memory_space<hbm>> -> memref<64xi32, #tpu.memory_space<hbm>>
          %dma_start3A_136 = tpu.memref_slice %arg6[%multiple_of3A] : memref<800000xi32, #tpu.memory_space<hbm>> -> memref<64xi32, #tpu.memory_space<hbm>>
          tpu.enqueue_dma source(%dma_start3A_136 : memref<64xi32, #tpu.memory_space<hbm>>) target(%arg13 : memref<64xi32, #tpu.memory_space<vmem>>) target_semaphore(%arg18 : memref<!tpu.dma_semaphore, #tpu.memory_space<semaphore_mem>>)
        } else {
        }
        %dma_start3A = arith.constant 0 : i32
        %dma_start3A_132 = tpu.memref_slice %arg2[%multiple_of3A, %dma_start3A] : memref<800000x128xf32, #tpu.memory_space<hbm>> -> memref<64x128xf32, #tpu.memory_space<hbm>>
        %dma_start3A_133 = arith.constant 0 : i32
        %dma_start3A_134 = tpu.memref_slice %arg2[%multiple_of3A, %dma_start3A_133] : memref<800000x128xf32, #tpu.memory_space<hbm>> -> memref<64x128xf32, #tpu.memory_space<hbm>>
        tpu.enqueue_dma source(%dma_start3A_134 : memref<64x128xf32, #tpu.memory_space<hbm>>) target(%arg12 : memref<64x128xf32, #tpu.memory_space<vmem>>) target_semaphore(%arg18 : memref<!tpu.dma_semaphore, #tpu.memory_space<semaphore_mem>>)
      } else {
      }
      %mul3A_94 = arith.constant 16 : i32
      %mul3A_95 = arith.muli %mul3A_81, %mul3A_94 : i32
      %add3A_96 = arith.addi %arg1, %mul3A_95 : i32
      %lt3A_97 = arith.constant 12500 : i32
      %lt3A_98 = arith.cmpi slt, %add3A_96, %lt3A_97 : i32
      %convert_element_type3A_99 = arith.extui %lt3A_98 : i1 to i32
      %cond3A_100 = arith.constant 0 : i32
      %cond3A_101 = arith.cmpi ne, %convert_element_type3A_99, %cond3A_100 : i32
      scf.if %cond3A_101 {
        %dma_wait3A = arith.constant 0 : i32
        %dma_wait3A_120 = tpu.memref_slice %arg4[%dma_wait3A] : memref<800000xi32, #tpu.memory_space<hbm>> -> memref<64xi32, #tpu.memory_space<hbm>>
        %dma_wait3A_121 = arith.constant 0 : i32
        %dma_wait3A_122 = tpu.memref_slice %arg4[%dma_wait3A_121] : memref<800000xi32, #tpu.memory_space<hbm>> -> memref<64xi32, #tpu.memory_space<hbm>>
        tpu.wait_dma2 semaphore(%arg17 : memref<!tpu.dma_semaphore, #tpu.memory_space<semaphore_mem>>) src(%dma_wait3A_122 : memref<64xi32, #tpu.memory_space<hbm>>) dst(%arg11 : memref<64xi32, #tpu.memory_space<vmem>>)
        %dma_wait3A_123 = arith.constant 0 : i32
        %dma_wait3A_124 = arith.constant 0 : i32
        %dma_wait3A_125 = tpu.memref_slice %arg2[%dma_wait3A_123, %dma_wait3A_124] : memref<800000x128xf32, #tpu.memory_space<hbm>> -> memref<64x128xf32, #tpu.memory_space<hbm>>
        %dma_wait3A_126 = arith.constant 0 : i32
        %dma_wait3A_127 = arith.constant 0 : i32
        %dma_wait3A_128 = tpu.memref_slice %arg2[%dma_wait3A_126, %dma_wait3A_127] : memref<800000x128xf32, #tpu.memory_space<hbm>> -> memref<64x128xf32, #tpu.memory_space<hbm>>
        tpu.wait_dma2 semaphore(%arg17 : memref<!tpu.dma_semaphore, #tpu.memory_space<semaphore_mem>>) src(%dma_wait3A_128 : memref<64x128xf32, #tpu.memory_space<hbm>>) dst(%arg10 : memref<64x128xf32, #tpu.memory_space<vmem>>)
        "tpu.region"() ({
          %run_scoped3A = tpu.sem_alloc : memref<!tpu.dma_semaphore, #tpu.memory_space<semaphore_mem>>
          %dma_start3A = arith.constant 0 : i32
          %dma_start3A_129 = arith.constant 0 : i32
          %dma_start3A_130 = tpu.memref_slice %arg19[%dma_start3A, %dma_start3A_129] : memref<12544x128xf32, #tpu.memory_space<vmem_shared>> -> memref<12544x128xf32, #tpu.memory_space<vmem_shared>>
          tpu.enqueue_indirect_dma source(%arg10 : memref<64x128xf32, #tpu.memory_space<vmem>>) target(%dma_start3A_130 : memref<12544x128xf32, #tpu.memory_space<vmem_shared>>) offsets(%arg11 : memref<64xi32, #tpu.memory_space<vmem>>) semaphore(%run_scoped3A : memref<!tpu.dma_semaphore, #tpu.memory_space<semaphore_mem>>) {add = true}
          %dma_wait3A_131 = arith.constant 0 : i32
          %dma_wait3A_132 = arith.constant 0 : i32
          %dma_wait3A_133 = tpu.memref_slice %arg19[%dma_wait3A_131, %dma_wait3A_132] : memref<12544x128xf32, #tpu.memory_space<vmem_shared>> -> memref<12544x128xf32, #tpu.memory_space<vmem_shared>>
          tpu.wait_indirect_dma semaphore(%run_scoped3A : memref<!tpu.dma_semaphore, #tpu.memory_space<semaphore_mem>>) src(%arg10 : memref<64x128xf32, #tpu.memory_space<vmem>>) dst(%dma_wait3A_133 : memref<12544x128xf32, #tpu.memory_space<vmem_shared>>)
          tpu.yield
        }) : () -> ()
      } else {
      }
      %add3A_102 = arith.constant 2 : i32
      %add3A_103 = arith.addi %mul3A_81, %add3A_102 : i32
      %mul3A_104 = arith.constant 16 : i32
      %mul3A_105 = arith.muli %add3A_103, %mul3A_104 : i32
      %add3A_106 = arith.addi %arg1, %mul3A_105 : i32
      %lt3A_107 = arith.constant 12500 : i32
      %lt3A_108 = arith.cmpi slt, %add3A_106, %lt3A_107 : i32
      %convert_element_type3A_109 = arith.extui %lt3A_108 : i1 to i32
      %cond3A_110 = arith.constant 0 : i32
      %cond3A_111 = arith.cmpi ne, %convert_element_type3A_109, %cond3A_110 : i32
      scf.if %cond3A_111 {
        %mul3A_120 = arith.constant 64 : i32
        %mul3A_121 = arith.muli %add3A_106, %mul3A_120 : i32
        %multiple_of3A = tpu.assume_multiple %mul3A_121, 8 : i32
        %eq3A_122 = arith.constant 0 : i32
        %eq3A_123 = arith.cmpi eq, %arg0, %eq3A_122 : i32
        %convert_element_type3A_124 = arith.extui %eq3A_123 : i1 to i32
        %cond3A_125 = arith.constant 0 : i32
        %cond3A_126 = arith.cmpi ne, %convert_element_type3A_124, %cond3A_125 : i32
        scf.if %cond3A_126 {
          %dma_start3A_135 = tpu.memref_slice %arg4[%multiple_of3A] : memref<800000xi32, #tpu.memory_space<hbm>> -> memref<64xi32, #tpu.memory_space<hbm>>
          %dma_start3A_136 = tpu.memref_slice %arg4[%multiple_of3A] : memref<800000xi32, #tpu.memory_space<hbm>> -> memref<64xi32, #tpu.memory_space<hbm>>
          tpu.enqueue_dma source(%dma_start3A_136 : memref<64xi32, #tpu.memory_space<hbm>>) target(%arg11 : memref<64xi32, #tpu.memory_space<vmem>>) target_semaphore(%arg17 : memref<!tpu.dma_semaphore, #tpu.memory_space<semaphore_mem>>)
        } else {
        }
        %eq3A_127 = arith.constant 1 : i32
        %eq3A_128 = arith.cmpi eq, %arg0, %eq3A_127 : i32
        %convert_element_type3A_129 = arith.extui %eq3A_128 : i1 to i32
        %cond3A_130 = arith.constant 0 : i32
        %cond3A_131 = arith.cmpi ne, %convert_element_type3A_129, %cond3A_130 : i32
        scf.if %cond3A_131 {
          %dma_start3A_135 = tpu.memref_slice %arg6[%multiple_of3A] : memref<800000xi32, #tpu.memory_space<hbm>> -> memref<64xi32, #tpu.memory_space<hbm>>
          %dma_start3A_136 = tpu.memref_slice %arg6[%multiple_of3A] : memref<800000xi32, #tpu.memory_space<hbm>> -> memref<64xi32, #tpu.memory_space<hbm>>
          tpu.enqueue_dma source(%dma_start3A_136 : memref<64xi32, #tpu.memory_space<hbm>>) target(%arg11 : memref<64xi32, #tpu.memory_space<vmem>>) target_semaphore(%arg17 : memref<!tpu.dma_semaphore, #tpu.memory_space<semaphore_mem>>)
        } else {
        }
        %dma_start3A = arith.constant 0 : i32
        %dma_start3A_132 = tpu.memref_slice %arg2[%multiple_of3A, %dma_start3A] : memref<800000x128xf32, #tpu.memory_space<hbm>> -> memref<64x128xf32, #tpu.memory_space<hbm>>
        %dma_start3A_133 = arith.constant 0 : i32
        %dma_start3A_134 = tpu.memref_slice %arg2[%multiple_of3A, %dma_start3A_133] : memref<800000x128xf32, #tpu.memory_space<hbm>> -> memref<64x128xf32, #tpu.memory_space<hbm>>
        tpu.enqueue_dma source(%dma_start3A_134 : memref<64x128xf32, #tpu.memory_space<hbm>>) target(%arg10 : memref<64x128xf32, #tpu.memory_space<vmem>>) target_semaphore(%arg17 : memref<!tpu.dma_semaphore, #tpu.memory_space<semaphore_mem>>)
      } else {
      }
      %mul3A_112 = arith.constant 16 : i32
      %mul3A_113 = arith.muli %add3A_85, %mul3A_112 : i32
      %add3A_114 = arith.addi %arg1, %mul3A_113 : i32
      %lt3A_115 = arith.constant 12500 : i32
      %lt3A_116 = arith.cmpi slt, %add3A_114, %lt3A_115 : i32
      %convert_element_type3A_117 = arith.extui %lt3A_116 : i1 to i32
      %cond3A_118 = arith.constant 0 : i32
      %cond3A_119 = arith.cmpi ne, %convert_element_type3A_117, %cond3A_118 : i32
      scf.if %cond3A_119 {
        %dma_wait3A = arith.constant 0 : i32
        %dma_wait3A_120 = tpu.memref_slice %arg4[%dma_wait3A] : memref<800000xi32, #tpu.memory_space<hbm>> -> memref<64xi32, #tpu.memory_space<hbm>>
        %dma_wait3A_121 = arith.constant 0 : i32
        %dma_wait3A_122 = tpu.memref_slice %arg4[%dma_wait3A_121] : memref<800000xi32, #tpu.memory_space<hbm>> -> memref<64xi32, #tpu.memory_space<hbm>>
        tpu.wait_dma2 semaphore(%arg18 : memref<!tpu.dma_semaphore, #tpu.memory_space<semaphore_mem>>) src(%dma_wait3A_122 : memref<64xi32, #tpu.memory_space<hbm>>) dst(%arg13 : memref<64xi32, #tpu.memory_space<vmem>>)
        %dma_wait3A_123 = arith.constant 0 : i32
        %dma_wait3A_124 = arith.constant 0 : i32
        %dma_wait3A_125 = tpu.memref_slice %arg2[%dma_wait3A_123, %dma_wait3A_124] : memref<800000x128xf32, #tpu.memory_space<hbm>> -> memref<64x128xf32, #tpu.memory_space<hbm>>
        %dma_wait3A_126 = arith.constant 0 : i32
        %dma_wait3A_127 = arith.constant 0 : i32
        %dma_wait3A_128 = tpu.memref_slice %arg2[%dma_wait3A_126, %dma_wait3A_127] : memref<800000x128xf32, #tpu.memory_space<hbm>> -> memref<64x128xf32, #tpu.memory_space<hbm>>
        tpu.wait_dma2 semaphore(%arg18 : memref<!tpu.dma_semaphore, #tpu.memory_space<semaphore_mem>>) src(%dma_wait3A_128 : memref<64x128xf32, #tpu.memory_space<hbm>>) dst(%arg12 : memref<64x128xf32, #tpu.memory_space<vmem>>)
        "tpu.region"() ({
          %run_scoped3A = tpu.sem_alloc : memref<!tpu.dma_semaphore, #tpu.memory_space<semaphore_mem>>
          %dma_start3A = arith.constant 0 : i32
          %dma_start3A_129 = arith.constant 0 : i32
          %dma_start3A_130 = tpu.memref_slice %arg19[%dma_start3A, %dma_start3A_129] : memref<12544x128xf32, #tpu.memory_space<vmem_shared>> -> memref<12544x128xf32, #tpu.memory_space<vmem_shared>>
          tpu.enqueue_indirect_dma source(%arg12 : memref<64x128xf32, #tpu.memory_space<vmem>>) target(%dma_start3A_130 : memref<12544x128xf32, #tpu.memory_space<vmem_shared>>) offsets(%arg13 : memref<64xi32, #tpu.memory_space<vmem>>) semaphore(%run_scoped3A : memref<!tpu.dma_semaphore, #tpu.memory_space<semaphore_mem>>) {add = true}
          %dma_wait3A_131 = arith.constant 0 : i32
          %dma_wait3A_132 = arith.constant 0 : i32
          %dma_wait3A_133 = tpu.memref_slice %arg19[%dma_wait3A_131, %dma_wait3A_132] : memref<12544x128xf32, #tpu.memory_space<vmem_shared>> -> memref<12544x128xf32, #tpu.memory_space<vmem_shared>>
          tpu.wait_indirect_dma semaphore(%run_scoped3A : memref<!tpu.dma_semaphore, #tpu.memory_space<semaphore_mem>>) src(%arg12 : memref<64x128xf32, #tpu.memory_space<vmem>>) dst(%dma_wait3A_133 : memref<12544x128xf32, #tpu.memory_space<vmem_shared>>)
          tpu.yield
        }) : () -> ()
      } else {
      }
    }
    %scan3A_66 = arith.constant 391 : i32
    %barrier3A_67 = arith.constant 0 : index
    tpu.barrier barrier_id(%barrier3A_67)
    %lt3A_68 = arith.constant 15 : i32
    %lt3A_69 = arith.cmpi slt, %arg1, %lt3A_68 : i32
    %convert_element_type3A_70 = arith.extui %lt3A_69 : i1 to i32
    %cond3A_71 = arith.constant 0 : i32
    %cond3A_72 = arith.cmpi ne, %convert_element_type3A_70, %cond3A_71 : i32
    scf.if %cond3A_72 {
      %scan3A_79 = arith.constant 0 : i32
      %scan3A_80 = arith.constant 0 : i32
      %scan3A_81 = arith.constant 14 : i32
      %scan3A_82 = arith.addi %scan3A_80, %scan3A_81 : i32
      %scan3A_83 = arith.constant 1 : i32
      scf.for %scan3A_85 = %scan3A_80 to %scan3A_82 step %scan3A_83  : i32 {
        %mul3A_86 = arith.constant 784 : i32
        %mul3A_87 = arith.muli %arg1, %mul3A_86 : i32
        %mul3A_88 = arith.constant 56 : i32
        %mul3A_89 = arith.muli %scan3A_85, %mul3A_88 : i32
        %add3A_90 = arith.addi %mul3A_87, %mul3A_89 : i32
        %multiple_of3A = tpu.assume_multiple %add3A_90, 8 : i32
        "tpu.region"() ({
          %run_scoped3A = tpu.sem_alloc : memref<!tpu.dma_semaphore, #tpu.memory_space<semaphore_mem>>
          %dma_start3A_97 = tpu.memref_slice %arg7[%multiple_of3A] : memref<12544xi32, #tpu.memory_space<hbm>> -> memref<56xi32, #tpu.memory_space<hbm>>
          %dma_start3A_98 = tpu.memref_slice %arg7[%multiple_of3A] : memref<12544xi32, #tpu.memory_space<hbm>> -> memref<56xi32, #tpu.memory_space<hbm>>
          tpu.enqueue_dma source(%dma_start3A_98 : memref<56xi32, #tpu.memory_space<hbm>>) target(%arg15 : memref<56xi32, #tpu.memory_space<vmem>>) target_semaphore(%run_scoped3A : memref<!tpu.dma_semaphore, #tpu.memory_space<semaphore_mem>>)
          %dma_wait3A_99 = tpu.memref_slice %arg7[%multiple_of3A] : memref<12544xi32, #tpu.memory_space<hbm>> -> memref<56xi32, #tpu.memory_space<hbm>>
          %dma_wait3A_100 = tpu.memref_slice %arg7[%multiple_of3A] : memref<12544xi32, #tpu.memory_space<hbm>> -> memref<56xi32, #tpu.memory_space<hbm>>
          tpu.wait_dma2 semaphore(%run_scoped3A : memref<!tpu.dma_semaphore, #tpu.memory_space<semaphore_mem>>) src(%dma_wait3A_100 : memref<56xi32, #tpu.memory_space<hbm>>) dst(%arg15 : memref<56xi32, #tpu.memory_space<vmem>>)
          tpu.yield
        }) : () -> ()
        %dma_start3A = arith.constant 0 : i32
        %dma_start3A_91 = arith.constant 0 : i32
        %dma_start3A_92 = tpu.memref_slice %arg19[%dma_start3A, %dma_start3A_91] : memref<12544x128xf32, #tpu.memory_space<vmem_shared>> -> memref<12544x128xf32, #tpu.memory_space<vmem_shared>>
        tpu.enqueue_indirect_dma source(%dma_start3A_92 : memref<12544x128xf32, #tpu.memory_space<vmem_shared>>) target(%arg14 : memref<56x128xf32, #tpu.memory_space<vmem>>) offsets(%arg15 : memref<56xi32, #tpu.memory_space<vmem>>) semaphore(%arg16 : memref<!tpu.dma_semaphore, #tpu.memory_space<semaphore_mem>>)
        %dma_wait3A = arith.constant 0 : i32
        %dma_wait3A_93 = arith.constant 0 : i32
        %dma_wait3A_94 = tpu.memref_slice %arg19[%dma_wait3A, %dma_wait3A_93] : memref<12544x128xf32, #tpu.memory_space<vmem_shared>> -> memref<12544x128xf32, #tpu.memory_space<vmem_shared>>
        tpu.wait_indirect_dma semaphore(%arg16 : memref<!tpu.dma_semaphore, #tpu.memory_space<semaphore_mem>>) src(%dma_wait3A_94 : memref<12544x128xf32, #tpu.memory_space<vmem_shared>>) dst(%arg14 : memref<56x128xf32, #tpu.memory_space<vmem>>)
        %add3A_95 = arith.addi %add3A_39, %add3A_90 : i32
        %multiple_of3A_96 = tpu.assume_multiple %add3A_95, 8 : i32
        "tpu.region"() ({
          %run_scoped3A = tpu.sem_alloc : memref<!tpu.dma_semaphore, #tpu.memory_space<semaphore_mem>>
          %dma_start3A_97 = arith.constant 0 : i32
          %dma_start3A_98 = tpu.memref_slice %arg9[%multiple_of3A_96, %dma_start3A_97] : memref<50000x128xf32, #tpu.memory_space<hbm>> -> memref<56x128xf32, #tpu.memory_space<hbm>>
          %dma_start3A_99 = arith.constant 0 : i32
          %dma_start3A_100 = tpu.memref_slice %arg9[%multiple_of3A_96, %dma_start3A_99] : memref<50000x128xf32, #tpu.memory_space<hbm>> -> memref<56x128xf32, #tpu.memory_space<hbm>>
          tpu.enqueue_dma source(%arg14 : memref<56x128xf32, #tpu.memory_space<vmem>>) target(%dma_start3A_100 : memref<56x128xf32, #tpu.memory_space<hbm>>) target_semaphore(%run_scoped3A : memref<!tpu.dma_semaphore, #tpu.memory_space<semaphore_mem>>)
          %dma_wait3A_101 = arith.constant 0 : i32
          %dma_wait3A_102 = tpu.memref_slice %arg9[%multiple_of3A_96, %dma_wait3A_101] : memref<50000x128xf32, #tpu.memory_space<hbm>> -> memref<56x128xf32, #tpu.memory_space<hbm>>
          %dma_wait3A_103 = arith.constant 0 : i32
          %dma_wait3A_104 = tpu.memref_slice %arg9[%multiple_of3A_96, %dma_wait3A_103] : memref<50000x128xf32, #tpu.memory_space<hbm>> -> memref<56x128xf32, #tpu.memory_space<hbm>>
          tpu.wait_dma2 semaphore(%run_scoped3A : memref<!tpu.dma_semaphore, #tpu.memory_space<semaphore_mem>>) src(%arg14 : memref<56x128xf32, #tpu.memory_space<vmem>>) dst(%dma_wait3A_104 : memref<56x128xf32, #tpu.memory_space<hbm>>)
          tpu.yield
        }) : () -> ()
      }
      %scan3A_84 = arith.constant 14 : i32
    } else {
    }
    %eq3A_73 = arith.constant 15 : i32
    %eq3A_74 = arith.cmpi eq, %arg1, %eq3A_73 : i32
    %convert_element_type3A_75 = arith.extui %eq3A_74 : i1 to i32
    %cond3A_76 = arith.constant 0 : i32
    %cond3A_77 = arith.cmpi ne, %convert_element_type3A_75, %cond3A_76 : i32
    scf.if %cond3A_77 {
      %scan3A_79 = arith.constant 0 : i32
      %scan3A_80 = arith.constant 0 : i32
      %scan3A_81 = arith.constant 13 : i32
      %scan3A_82 = arith.addi %scan3A_80, %scan3A_81 : i32
      %scan3A_83 = arith.constant 1 : i32
      scf.for %scan3A_95 = %scan3A_80 to %scan3A_82 step %scan3A_83  : i32 {
        %mul3A_96 = arith.constant 784 : i32
        %mul3A_97 = arith.muli %arg1, %mul3A_96 : i32
        %mul3A_98 = arith.constant 56 : i32
        %mul3A_99 = arith.muli %scan3A_95, %mul3A_98 : i32
        %add3A_100 = arith.addi %mul3A_97, %mul3A_99 : i32
        %multiple_of3A_101 = tpu.assume_multiple %add3A_100, 8 : i32
        "tpu.region"() ({
          %run_scoped3A = tpu.sem_alloc : memref<!tpu.dma_semaphore, #tpu.memory_space<semaphore_mem>>
          %dma_start3A_110 = tpu.memref_slice %arg7[%multiple_of3A_101] : memref<12544xi32, #tpu.memory_space<hbm>> -> memref<56xi32, #tpu.memory_space<hbm>>
          %dma_start3A_111 = tpu.memref_slice %arg7[%multiple_of3A_101] : memref<12544xi32, #tpu.memory_space<hbm>> -> memref<56xi32, #tpu.memory_space<hbm>>
          tpu.enqueue_dma source(%dma_start3A_111 : memref<56xi32, #tpu.memory_space<hbm>>) target(%arg15 : memref<56xi32, #tpu.memory_space<vmem>>) target_semaphore(%run_scoped3A : memref<!tpu.dma_semaphore, #tpu.memory_space<semaphore_mem>>)
          %dma_wait3A_112 = tpu.memref_slice %arg7[%multiple_of3A_101] : memref<12544xi32, #tpu.memory_space<hbm>> -> memref<56xi32, #tpu.memory_space<hbm>>
          %dma_wait3A_113 = tpu.memref_slice %arg7[%multiple_of3A_101] : memref<12544xi32, #tpu.memory_space<hbm>> -> memref<56xi32, #tpu.memory_space<hbm>>
          tpu.wait_dma2 semaphore(%run_scoped3A : memref<!tpu.dma_semaphore, #tpu.memory_space<semaphore_mem>>) src(%dma_wait3A_113 : memref<56xi32, #tpu.memory_space<hbm>>) dst(%arg15 : memref<56xi32, #tpu.memory_space<vmem>>)
          tpu.yield
        }) : () -> ()
        %dma_start3A_102 = arith.constant 0 : i32
        %dma_start3A_103 = arith.constant 0 : i32
        %dma_start3A_104 = tpu.memref_slice %arg19[%dma_start3A_102, %dma_start3A_103] : memref<12544x128xf32, #tpu.memory_space<vmem_shared>> -> memref<12544x128xf32, #tpu.memory_space<vmem_shared>>
        tpu.enqueue_indirect_dma source(%dma_start3A_104 : memref<12544x128xf32, #tpu.memory_space<vmem_shared>>) target(%arg14 : memref<56x128xf32, #tpu.memory_space<vmem>>) offsets(%arg15 : memref<56xi32, #tpu.memory_space<vmem>>) semaphore(%arg16 : memref<!tpu.dma_semaphore, #tpu.memory_space<semaphore_mem>>)
        %dma_wait3A_105 = arith.constant 0 : i32
        %dma_wait3A_106 = arith.constant 0 : i32
        %dma_wait3A_107 = tpu.memref_slice %arg19[%dma_wait3A_105, %dma_wait3A_106] : memref<12544x128xf32, #tpu.memory_space<vmem_shared>> -> memref<12544x128xf32, #tpu.memory_space<vmem_shared>>
        tpu.wait_indirect_dma semaphore(%arg16 : memref<!tpu.dma_semaphore, #tpu.memory_space<semaphore_mem>>) src(%dma_wait3A_107 : memref<12544x128xf32, #tpu.memory_space<vmem_shared>>) dst(%arg14 : memref<56x128xf32, #tpu.memory_space<vmem>>)
        %add3A_108 = arith.addi %add3A_39, %add3A_100 : i32
        %multiple_of3A_109 = tpu.assume_multiple %add3A_108, 8 : i32
        "tpu.region"() ({
          %run_scoped3A = tpu.sem_alloc : memref<!tpu.dma_semaphore, #tpu.memory_space<semaphore_mem>>
          %dma_start3A_110 = arith.constant 0 : i32
          %dma_start3A_111 = tpu.memref_slice %arg9[%multiple_of3A_109, %dma_start3A_110] : memref<50000x128xf32, #tpu.memory_space<hbm>> -> memref<56x128xf32, #tpu.memory_space<hbm>>
          %dma_start3A_112 = arith.constant 0 : i32
          %dma_start3A_113 = tpu.memref_slice %arg9[%multiple_of3A_109, %dma_start3A_112] : memref<50000x128xf32, #tpu.memory_space<hbm>> -> memref<56x128xf32, #tpu.memory_space<hbm>>
          tpu.enqueue_dma source(%arg14 : memref<56x128xf32, #tpu.memory_space<vmem>>) target(%dma_start3A_113 : memref<56x128xf32, #tpu.memory_space<hbm>>) target_semaphore(%run_scoped3A : memref<!tpu.dma_semaphore, #tpu.memory_space<semaphore_mem>>)
          %dma_wait3A_114 = arith.constant 0 : i32
          %dma_wait3A_115 = tpu.memref_slice %arg9[%multiple_of3A_109, %dma_wait3A_114] : memref<50000x128xf32, #tpu.memory_space<hbm>> -> memref<56x128xf32, #tpu.memory_space<hbm>>
          %dma_wait3A_116 = arith.constant 0 : i32
          %dma_wait3A_117 = tpu.memref_slice %arg9[%multiple_of3A_109, %dma_wait3A_116] : memref<50000x128xf32, #tpu.memory_space<hbm>> -> memref<56x128xf32, #tpu.memory_space<hbm>>
          tpu.wait_dma2 semaphore(%run_scoped3A : memref<!tpu.dma_semaphore, #tpu.memory_space<semaphore_mem>>) src(%arg14 : memref<56x128xf32, #tpu.memory_space<vmem>>) dst(%dma_wait3A_117 : memref<56x128xf32, #tpu.memory_space<hbm>>)
          tpu.yield
        }) : () -> ()
      }
      %scan3A_84 = arith.constant 13 : i32
      %multiple_of3A = arith.constant 12488 : i32
      %multiple_of3A_85 = tpu.assume_multiple %multiple_of3A, 8 : i32
      "tpu.region"() ({
        %run_scoped3A = tpu.sem_alloc : memref<!tpu.dma_semaphore, #tpu.memory_space<semaphore_mem>>
        %dma_start3A_95 = tpu.memref_slice %arg7[%multiple_of3A_85] : memref<12544xi32, #tpu.memory_space<hbm>> -> memref<56xi32, #tpu.memory_space<hbm>>
        %dma_start3A_96 = tpu.memref_slice %arg7[%multiple_of3A_85] : memref<12544xi32, #tpu.memory_space<hbm>> -> memref<56xi32, #tpu.memory_space<hbm>>
        tpu.enqueue_dma source(%dma_start3A_96 : memref<56xi32, #tpu.memory_space<hbm>>) target(%arg15 : memref<56xi32, #tpu.memory_space<vmem>>) target_semaphore(%run_scoped3A : memref<!tpu.dma_semaphore, #tpu.memory_space<semaphore_mem>>)
        %dma_wait3A_97 = tpu.memref_slice %arg7[%multiple_of3A_85] : memref<12544xi32, #tpu.memory_space<hbm>> -> memref<56xi32, #tpu.memory_space<hbm>>
        %dma_wait3A_98 = tpu.memref_slice %arg7[%multiple_of3A_85] : memref<12544xi32, #tpu.memory_space<hbm>> -> memref<56xi32, #tpu.memory_space<hbm>>
        tpu.wait_dma2 semaphore(%run_scoped3A : memref<!tpu.dma_semaphore, #tpu.memory_space<semaphore_mem>>) src(%dma_wait3A_98 : memref<56xi32, #tpu.memory_space<hbm>>) dst(%arg15 : memref<56xi32, #tpu.memory_space<vmem>>)
        tpu.yield
      }) : () -> ()
      %dma_start3A = arith.constant 0 : i32
      %dma_start3A_86 = arith.constant 0 : i32
      %dma_start3A_87 = tpu.memref_slice %arg19[%dma_start3A, %dma_start3A_86] : memref<12544x128xf32, #tpu.memory_space<vmem_shared>> -> memref<12544x128xf32, #tpu.memory_space<vmem_shared>>
      tpu.enqueue_indirect_dma source(%dma_start3A_87 : memref<12544x128xf32, #tpu.memory_space<vmem_shared>>) target(%arg14 : memref<56x128xf32, #tpu.memory_space<vmem>>) offsets(%arg15 : memref<56xi32, #tpu.memory_space<vmem>>) semaphore(%arg16 : memref<!tpu.dma_semaphore, #tpu.memory_space<semaphore_mem>>)
      %dma_wait3A = arith.constant 0 : i32
      %dma_wait3A_88 = arith.constant 0 : i32
      %dma_wait3A_89 = tpu.memref_slice %arg19[%dma_wait3A, %dma_wait3A_88] : memref<12544x128xf32, #tpu.memory_space<vmem_shared>> -> memref<12544x128xf32, #tpu.memory_space<vmem_shared>>
      tpu.wait_indirect_dma semaphore(%arg16 : memref<!tpu.dma_semaphore, #tpu.memory_space<semaphore_mem>>) src(%dma_wait3A_89 : memref<12544x128xf32, #tpu.memory_space<vmem_shared>>) dst(%arg14 : memref<56x128xf32, #tpu.memory_space<vmem>>)
      %eq3A_90 = arith.constant 0 : i32
      %eq3A_91 = arith.cmpi eq, %arg0, %eq3A_90 : i32
      %convert_element_type3A_92 = arith.extui %eq3A_91 : i1 to i32
      %cond3A_93 = arith.constant 0 : i32
      %cond3A_94 = arith.cmpi ne, %convert_element_type3A_92, %cond3A_93 : i32
      scf.if %cond3A_94 {
        %add3A_95 = arith.constant 12488 : i32
        %add3A_96 = arith.addi %add3A_39, %add3A_95 : i32
        %multiple_of3A_97 = tpu.assume_multiple %add3A_96, 8 : i32
        "tpu.region"() ({
          %run_scoped3A = tpu.sem_alloc : memref<!tpu.dma_semaphore, #tpu.memory_space<semaphore_mem>>
          %dma_start3A_98 = arith.constant 0 : i32
          %dma_start3A_99 = arith.constant 0 : i32
          %dma_start3A_100 = tpu.memref_slice %arg14[%dma_start3A_98, %dma_start3A_99] : memref<56x128xf32, #tpu.memory_space<vmem>> -> memref<16x128xf32, #tpu.memory_space<vmem>>
          %dma_start3A_101 = arith.constant 0 : i32
          %dma_start3A_102 = tpu.memref_slice %arg9[%multiple_of3A_97, %dma_start3A_101] : memref<50000x128xf32, #tpu.memory_space<hbm>> -> memref<16x128xf32, #tpu.memory_space<hbm>>
          %dma_start3A_103 = arith.constant 0 : i32
          %dma_start3A_104 = tpu.memref_slice %arg9[%multiple_of3A_97, %dma_start3A_103] : memref<50000x128xf32, #tpu.memory_space<hbm>> -> memref<16x128xf32, #tpu.memory_space<hbm>>
          %dma_start3A_105 = arith.constant 0 : i32
          %dma_start3A_106 = arith.constant 0 : i32
          %dma_start3A_107 = tpu.memref_slice %arg14[%dma_start3A_105, %dma_start3A_106] : memref<56x128xf32, #tpu.memory_space<vmem>> -> memref<16x128xf32, #tpu.memory_space<vmem>>
          tpu.enqueue_dma source(%dma_start3A_107 : memref<16x128xf32, #tpu.memory_space<vmem>>) target(%dma_start3A_104 : memref<16x128xf32, #tpu.memory_space<hbm>>) target_semaphore(%run_scoped3A : memref<!tpu.dma_semaphore, #tpu.memory_space<semaphore_mem>>)
          %dma_wait3A_108 = arith.constant 0 : i32
          %dma_wait3A_109 = arith.constant 0 : i32
          %dma_wait3A_110 = tpu.memref_slice %arg14[%dma_wait3A_108, %dma_wait3A_109] : memref<56x128xf32, #tpu.memory_space<vmem>> -> memref<16x128xf32, #tpu.memory_space<vmem>>
          %dma_wait3A_111 = arith.constant 0 : i32
          %dma_wait3A_112 = tpu.memref_slice %arg9[%multiple_of3A_97, %dma_wait3A_111] : memref<50000x128xf32, #tpu.memory_space<hbm>> -> memref<16x128xf32, #tpu.memory_space<hbm>>
          %dma_wait3A_113 = arith.constant 0 : i32
          %dma_wait3A_114 = tpu.memref_slice %arg9[%multiple_of3A_97, %dma_wait3A_113] : memref<50000x128xf32, #tpu.memory_space<hbm>> -> memref<16x128xf32, #tpu.memory_space<hbm>>
          %dma_wait3A_115 = arith.constant 0 : i32
          %dma_wait3A_116 = arith.constant 0 : i32
          %dma_wait3A_117 = tpu.memref_slice %arg14[%dma_wait3A_115, %dma_wait3A_116] : memref<56x128xf32, #tpu.memory_space<vmem>> -> memref<16x128xf32, #tpu.memory_space<vmem>>
          tpu.wait_dma2 semaphore(%run_scoped3A : memref<!tpu.dma_semaphore, #tpu.memory_space<semaphore_mem>>) src(%dma_wait3A_117 : memref<16x128xf32, #tpu.memory_space<vmem>>) dst(%dma_wait3A_114 : memref<16x128xf32, #tpu.memory_space<hbm>>)
          tpu.yield
        }) : () -> ()
      } else {
      }
    } else {
    }
    %barrier3A_78 = arith.constant 0 : index
    tpu.barrier barrier_id(%barrier3A_78)
    return
  }
}

#map = affine_map<(d0, d1) -> (0, 0)>
#map1 = affine_map<(d0, d1) -> (0)>
module attributes {stable_mosaic.version = 14 : i64} {
  func.func @_sc_gather(%arg0: i32, %arg1: i32, %arg2: memref<50000x128xf32, #tpu.memory_space<hbm>>, %arg3: memref<800000xi32, #tpu.memory_space<hbm>>, %arg4: memref<800000xi32, #tpu.memory_space<hbm>>, %arg5: memref<800000x64xf32, #tpu.memory_space<hbm>>, %arg6: memref<128xi32, #tpu.memory_space<vmem>>, %arg7: memref<128xi32, #tpu.memory_space<vmem>>, %arg8: memref<128x128xf32, #tpu.memory_space<vmem>>, %arg9: memref<128x128xf32, #tpu.memory_space<vmem>>, %arg10: memref<128xi32, #tpu.memory_space<vmem>>, %arg11: memref<128xi32, #tpu.memory_space<vmem>>, %arg12: memref<128x128xf32, #tpu.memory_space<vmem>>, %arg13: memref<128x128xf32, #tpu.memory_space<vmem>>, %arg14: memref<128x64xf32, #tpu.memory_space<vmem>>, %arg15: memref<!tpu.dma_semaphore, #tpu.memory_space<semaphore_mem>>, %arg16: memref<!tpu.dma_semaphore, #tpu.memory_space<semaphore_mem>>) attributes {dimension_semantics = [#tpu.dimension_semantics<core_parallel>, #tpu.dimension_semantics<subcore_parallel>], iteration_bounds = array<i64: 2, 16>, scalar_prefetch = 0 : i64, scratch_operands = 11 : i64, tpu.core_type = #tpu.core_type<sc_vector_subcore>, window_params = [{transform_indices = #map}, {transform_indices = #map1}, {transform_indices = #map1}, {transform_indices = #map}]} {
    %mul3A = arith.constant 2 : i32
    %mul3A_0 = arith.muli %arg1, %mul3A : i32
    %add3A = arith.addi %mul3A_0, %arg0 : i32
    %add3A_1 = arith.constant 0 : i32
    %add3A_2 = arith.addi %add3A, %add3A_1 : i32
    %lt3A = arith.constant 6250 : i32
    %lt3A_3 = arith.cmpi slt, %add3A_2, %lt3A : i32
    %convert_element_type3A = arith.extui %lt3A_3 : i1 to i32
    %cond3A = arith.constant 0 : i32
    %cond3A_4 = arith.cmpi ne, %convert_element_type3A, %cond3A : i32
    scf.if %cond3A_4 {
      %mul3A_10 = arith.constant 128 : i32
      %mul3A_11 = arith.muli %add3A_2, %mul3A_10 : i32
      %multiple_of3A = tpu.assume_multiple %mul3A_11, 8 : i32
      "tpu.region"() ({
        %run_scoped3A = tpu.sem_alloc : memref<!tpu.dma_semaphore, #tpu.memory_space<semaphore_mem>>
        %dma_start3A_17 = tpu.memref_slice %arg3[%multiple_of3A] : memref<800000xi32, #tpu.memory_space<hbm>> -> memref<128xi32, #tpu.memory_space<hbm>>
        %dma_start3A_18 = tpu.memref_slice %arg3[%multiple_of3A] : memref<800000xi32, #tpu.memory_space<hbm>> -> memref<128xi32, #tpu.memory_space<hbm>>
        tpu.enqueue_dma source(%dma_start3A_18 : memref<128xi32, #tpu.memory_space<hbm>>) target(%arg6 : memref<128xi32, #tpu.memory_space<vmem>>) target_semaphore(%run_scoped3A : memref<!tpu.dma_semaphore, #tpu.memory_space<semaphore_mem>>)
        %dma_wait3A = tpu.memref_slice %arg3[%multiple_of3A] : memref<800000xi32, #tpu.memory_space<hbm>> -> memref<128xi32, #tpu.memory_space<hbm>>
        %dma_wait3A_19 = tpu.memref_slice %arg3[%multiple_of3A] : memref<800000xi32, #tpu.memory_space<hbm>> -> memref<128xi32, #tpu.memory_space<hbm>>
        tpu.wait_dma2 semaphore(%run_scoped3A : memref<!tpu.dma_semaphore, #tpu.memory_space<semaphore_mem>>) src(%dma_wait3A_19 : memref<128xi32, #tpu.memory_space<hbm>>) dst(%arg6 : memref<128xi32, #tpu.memory_space<vmem>>)
        tpu.yield
      }) : () -> ()
      "tpu.region"() ({
        %run_scoped3A = tpu.sem_alloc : memref<!tpu.dma_semaphore, #tpu.memory_space<semaphore_mem>>
        %dma_start3A_17 = tpu.memref_slice %arg4[%multiple_of3A] : memref<800000xi32, #tpu.memory_space<hbm>> -> memref<128xi32, #tpu.memory_space<hbm>>
        %dma_start3A_18 = tpu.memref_slice %arg4[%multiple_of3A] : memref<800000xi32, #tpu.memory_space<hbm>> -> memref<128xi32, #tpu.memory_space<hbm>>
        tpu.enqueue_dma source(%dma_start3A_18 : memref<128xi32, #tpu.memory_space<hbm>>) target(%arg7 : memref<128xi32, #tpu.memory_space<vmem>>) target_semaphore(%run_scoped3A : memref<!tpu.dma_semaphore, #tpu.memory_space<semaphore_mem>>)
        %dma_wait3A = tpu.memref_slice %arg4[%multiple_of3A] : memref<800000xi32, #tpu.memory_space<hbm>> -> memref<128xi32, #tpu.memory_space<hbm>>
        %dma_wait3A_19 = tpu.memref_slice %arg4[%multiple_of3A] : memref<800000xi32, #tpu.memory_space<hbm>> -> memref<128xi32, #tpu.memory_space<hbm>>
        tpu.wait_dma2 semaphore(%run_scoped3A : memref<!tpu.dma_semaphore, #tpu.memory_space<semaphore_mem>>) src(%dma_wait3A_19 : memref<128xi32, #tpu.memory_space<hbm>>) dst(%arg7 : memref<128xi32, #tpu.memory_space<vmem>>)
        tpu.yield
      }) : () -> ()
      %dma_start3A = arith.constant 0 : i32
      %dma_start3A_12 = arith.constant 0 : i32
      %dma_start3A_13 = tpu.memref_slice %arg2[%dma_start3A, %dma_start3A_12] : memref<50000x128xf32, #tpu.memory_space<hbm>> -> memref<50000x128xf32, #tpu.memory_space<hbm>>
      tpu.enqueue_indirect_dma source(%dma_start3A_13 : memref<50000x128xf32, #tpu.memory_space<hbm>>) target(%arg8 : memref<128x128xf32, #tpu.memory_space<vmem>>) offsets(%arg6 : memref<128xi32, #tpu.memory_space<vmem>>) semaphore(%arg15 : memref<!tpu.dma_semaphore, #tpu.memory_space<semaphore_mem>>)
      %dma_start3A_14 = arith.constant 0 : i32
      %dma_start3A_15 = arith.constant 0 : i32
      %dma_start3A_16 = tpu.memref_slice %arg2[%dma_start3A_14, %dma_start3A_15] : memref<50000x128xf32, #tpu.memory_space<hbm>> -> memref<50000x128xf32, #tpu.memory_space<hbm>>
      tpu.enqueue_indirect_dma source(%dma_start3A_16 : memref<50000x128xf32, #tpu.memory_space<hbm>>) target(%arg9 : memref<128x128xf32, #tpu.memory_space<vmem>>) offsets(%arg7 : memref<128xi32, #tpu.memory_space<vmem>>) semaphore(%arg15 : memref<!tpu.dma_semaphore, #tpu.memory_space<semaphore_mem>>)
    } else {
    }
    %scan3A = arith.constant 0 : i32
    %scan3A_5 = arith.constant 0 : i32
    %scan3A_6 = arith.constant 98 : i32
    %scan3A_7 = arith.addi %scan3A_5, %scan3A_6 : i32
    %scan3A_8 = arith.constant 1 : i32
    scf.for %scan3A_10 = %scan3A_5 to %scan3A_7 step %scan3A_8  : i32 {
      %mul3A_11 = arith.constant 2 : i32
      %mul3A_12 = arith.muli %scan3A_10, %mul3A_11 : i32
      %mul3A_13 = arith.constant 2 : i32
      %mul3A_14 = arith.muli %scan3A_10, %mul3A_13 : i32
      %add3A_15 = arith.constant 1 : i32
      %add3A_16 = arith.addi %mul3A_14, %add3A_15 : i32
      %mul3A_17 = arith.constant 32 : i32
      %mul3A_18 = arith.muli %add3A_16, %mul3A_17 : i32
      %add3A_19 = arith.addi %add3A, %mul3A_18 : i32
      %lt3A_20 = arith.constant 6250 : i32
      %lt3A_21 = arith.cmpi slt, %add3A_19, %lt3A_20 : i32
      %convert_element_type3A_22 = arith.extui %lt3A_21 : i1 to i32
      %cond3A_23 = arith.constant 0 : i32
      %cond3A_24 = arith.cmpi ne, %convert_element_type3A_22, %cond3A_23 : i32
      scf.if %cond3A_24 {
        %mul3A_51 = arith.constant 128 : i32
        %mul3A_52 = arith.muli %add3A_19, %mul3A_51 : i32
        %multiple_of3A = tpu.assume_multiple %mul3A_52, 8 : i32
        "tpu.region"() ({
          %run_scoped3A = tpu.sem_alloc : memref<!tpu.dma_semaphore, #tpu.memory_space<semaphore_mem>>
          %dma_start3A_58 = tpu.memref_slice %arg3[%multiple_of3A] : memref<800000xi32, #tpu.memory_space<hbm>> -> memref<128xi32, #tpu.memory_space<hbm>>
          %dma_start3A_59 = tpu.memref_slice %arg3[%multiple_of3A] : memref<800000xi32, #tpu.memory_space<hbm>> -> memref<128xi32, #tpu.memory_space<hbm>>
          tpu.enqueue_dma source(%dma_start3A_59 : memref<128xi32, #tpu.memory_space<hbm>>) target(%arg10 : memref<128xi32, #tpu.memory_space<vmem>>) target_semaphore(%run_scoped3A : memref<!tpu.dma_semaphore, #tpu.memory_space<semaphore_mem>>)
          %dma_wait3A = tpu.memref_slice %arg3[%multiple_of3A] : memref<800000xi32, #tpu.memory_space<hbm>> -> memref<128xi32, #tpu.memory_space<hbm>>
          %dma_wait3A_60 = tpu.memref_slice %arg3[%multiple_of3A] : memref<800000xi32, #tpu.memory_space<hbm>> -> memref<128xi32, #tpu.memory_space<hbm>>
          tpu.wait_dma2 semaphore(%run_scoped3A : memref<!tpu.dma_semaphore, #tpu.memory_space<semaphore_mem>>) src(%dma_wait3A_60 : memref<128xi32, #tpu.memory_space<hbm>>) dst(%arg10 : memref<128xi32, #tpu.memory_space<vmem>>)
          tpu.yield
        }) : () -> ()
        "tpu.region"() ({
          %run_scoped3A = tpu.sem_alloc : memref<!tpu.dma_semaphore, #tpu.memory_space<semaphore_mem>>
          %dma_start3A_58 = tpu.memref_slice %arg4[%multiple_of3A] : memref<800000xi32, #tpu.memory_space<hbm>> -> memref<128xi32, #tpu.memory_space<hbm>>
          %dma_start3A_59 = tpu.memref_slice %arg4[%multiple_of3A] : memref<800000xi32, #tpu.memory_space<hbm>> -> memref<128xi32, #tpu.memory_space<hbm>>
          tpu.enqueue_dma source(%dma_start3A_59 : memref<128xi32, #tpu.memory_space<hbm>>) target(%arg11 : memref<128xi32, #tpu.memory_space<vmem>>) target_semaphore(%run_scoped3A : memref<!tpu.dma_semaphore, #tpu.memory_space<semaphore_mem>>)
          %dma_wait3A = tpu.memref_slice %arg4[%multiple_of3A] : memref<800000xi32, #tpu.memory_space<hbm>> -> memref<128xi32, #tpu.memory_space<hbm>>
          %dma_wait3A_60 = tpu.memref_slice %arg4[%multiple_of3A] : memref<800000xi32, #tpu.memory_space<hbm>> -> memref<128xi32, #tpu.memory_space<hbm>>
          tpu.wait_dma2 semaphore(%run_scoped3A : memref<!tpu.dma_semaphore, #tpu.memory_space<semaphore_mem>>) src(%dma_wait3A_60 : memref<128xi32, #tpu.memory_space<hbm>>) dst(%arg11 : memref<128xi32, #tpu.memory_space<vmem>>)
          tpu.yield
        }) : () -> ()
        %dma_start3A = arith.constant 0 : i32
        %dma_start3A_53 = arith.constant 0 : i32
        %dma_start3A_54 = tpu.memref_slice %arg2[%dma_start3A, %dma_start3A_53] : memref<50000x128xf32, #tpu.memory_space<hbm>> -> memref<50000x128xf32, #tpu.memory_space<hbm>>
        tpu.enqueue_indirect_dma source(%dma_start3A_54 : memref<50000x128xf32, #tpu.memory_space<hbm>>) target(%arg12 : memref<128x128xf32, #tpu.memory_space<vmem>>) offsets(%arg10 : memref<128xi32, #tpu.memory_space<vmem>>) semaphore(%arg16 : memref<!tpu.dma_semaphore, #tpu.memory_space<semaphore_mem>>)
        %dma_start3A_55 = arith.constant 0 : i32
        %dma_start3A_56 = arith.constant 0 : i32
        %dma_start3A_57 = tpu.memref_slice %arg2[%dma_start3A_55, %dma_start3A_56] : memref<50000x128xf32, #tpu.memory_space<hbm>> -> memref<50000x128xf32, #tpu.memory_space<hbm>>
        tpu.enqueue_indirect_dma source(%dma_start3A_57 : memref<50000x128xf32, #tpu.memory_space<hbm>>) target(%arg13 : memref<128x128xf32, #tpu.memory_space<vmem>>) offsets(%arg11 : memref<128xi32, #tpu.memory_space<vmem>>) semaphore(%arg16 : memref<!tpu.dma_semaphore, #tpu.memory_space<semaphore_mem>>)
      } else {
      }
      %mul3A_25 = arith.constant 32 : i32
      %mul3A_26 = arith.muli %mul3A_12, %mul3A_25 : i32
      %add3A_27 = arith.addi %add3A, %mul3A_26 : i32
      %lt3A_28 = arith.constant 6250 : i32
      %lt3A_29 = arith.cmpi slt, %add3A_27, %lt3A_28 : i32
      %convert_element_type3A_30 = arith.extui %lt3A_29 : i1 to i32
      %cond3A_31 = arith.constant 0 : i32
      %cond3A_32 = arith.cmpi ne, %convert_element_type3A_30, %cond3A_31 : i32
      scf.if %cond3A_32 {
        %mul3A_51 = arith.constant 128 : i32
        %mul3A_52 = arith.muli %add3A_27, %mul3A_51 : i32
        %multiple_of3A = tpu.assume_multiple %mul3A_52, 8 : i32
        %dma_wait3A = arith.constant 0 : i32
        %dma_wait3A_53 = arith.constant 0 : i32
        %dma_wait3A_54 = tpu.memref_slice %arg2[%dma_wait3A, %dma_wait3A_53] : memref<50000x128xf32, #tpu.memory_space<hbm>> -> memref<128x128xf32, #tpu.memory_space<hbm>>
        %dma_wait3A_55 = arith.constant 0 : i32
        %dma_wait3A_56 = arith.constant 0 : i32
        %dma_wait3A_57 = tpu.memref_slice %arg2[%dma_wait3A_55, %dma_wait3A_56] : memref<50000x128xf32, #tpu.memory_space<hbm>> -> memref<128x128xf32, #tpu.memory_space<hbm>>
        tpu.wait_dma2 semaphore(%arg15 : memref<!tpu.dma_semaphore, #tpu.memory_space<semaphore_mem>>) src(%dma_wait3A_57 : memref<128x128xf32, #tpu.memory_space<hbm>>) dst(%arg8 : memref<128x128xf32, #tpu.memory_space<vmem>>)
        %dma_wait3A_58 = arith.constant 0 : i32
        %dma_wait3A_59 = arith.constant 0 : i32
        %dma_wait3A_60 = tpu.memref_slice %arg2[%dma_wait3A_58, %dma_wait3A_59] : memref<50000x128xf32, #tpu.memory_space<hbm>> -> memref<128x128xf32, #tpu.memory_space<hbm>>
        %dma_wait3A_61 = arith.constant 0 : i32
        %dma_wait3A_62 = arith.constant 0 : i32
        %dma_wait3A_63 = tpu.memref_slice %arg2[%dma_wait3A_61, %dma_wait3A_62] : memref<50000x128xf32, #tpu.memory_space<hbm>> -> memref<128x128xf32, #tpu.memory_space<hbm>>
        tpu.wait_dma2 semaphore(%arg15 : memref<!tpu.dma_semaphore, #tpu.memory_space<semaphore_mem>>) src(%dma_wait3A_63 : memref<128x128xf32, #tpu.memory_space<hbm>>) dst(%arg9 : memref<128x128xf32, #tpu.memory_space<vmem>>)
        %scan3A_64 = arith.constant 0 : i32
        %scan3A_65 = arith.constant 0 : i32
        %scan3A_66 = arith.constant 128 : i32
        %scan3A_67 = arith.addi %scan3A_65, %scan3A_66 : i32
        %scan3A_68 = arith.constant 1 : i32
        scf.for %scan3A_70 = %scan3A_65 to %scan3A_67 step %scan3A_68  : i32 {
          %get3A = arith.constant 0 : i32
          %get3A_71 = tpu.memref_slice %arg8[%scan3A_70, %get3A] : memref<128x128xf32, #tpu.memory_space<vmem>> -> memref<1x128xf32, #tpu.memory_space<vmem>>
          %get3A_72 = tpu.memref_squeeze %get3A_71 : memref<1x128xf32, #tpu.memory_space<vmem>> -> memref<128xf32, #tpu.memory_space<vmem>>
          %get3A_73 = arith.constant 0 : index
          %get3A_74 = tpu.vector_load %get3A_72[%get3A_73] {strides = array<i32>} : memref<128xf32, #tpu.memory_space<vmem>>, vector<16xf32>,
          %get3A_75 = vector.shape_cast %get3A_74 : vector<16xf32> to vector<16xf32>
          %get3A_76 = arith.constant 0 : i32
          %get3A_77 = tpu.memref_slice %arg9[%scan3A_70, %get3A_76] : memref<128x128xf32, #tpu.memory_space<vmem>> -> memref<1x128xf32, #tpu.memory_space<vmem>>
          %get3A_78 = tpu.memref_squeeze %get3A_77 : memref<1x128xf32, #tpu.memory_space<vmem>> -> memref<128xf32, #tpu.memory_space<vmem>>
          %get3A_79 = arith.constant 64 : index
          %get3A_80 = tpu.vector_load %get3A_78[%get3A_79] {strides = array<i32>} : memref<128xf32, #tpu.memory_space<vmem>>, vector<16xf32>,
          %get3A_81 = vector.shape_cast %get3A_80 : vector<16xf32> to vector<16xf32>
          %add3A_82 = arith.addf %get3A_75, %get3A_81 : vector<16xf32>
          %swap3A = arith.constant 0 : i32
          %swap3A_83 = tpu.memref_slice %arg14[%scan3A_70, %swap3A] : memref<128x64xf32, #tpu.memory_space<vmem>> -> memref<1x64xf32, #tpu.memory_space<vmem>>
          %swap3A_84 = tpu.memref_squeeze %swap3A_83 : memref<1x64xf32, #tpu.memory_space<vmem>> -> memref<64xf32, #tpu.memory_space<vmem>>
          %swap3A_85 = arith.constant 0 : index
          %swap3A_86 = tpu.vector_load %swap3A_84[%swap3A_85] {strides = array<i32>} : memref<64xf32, #tpu.memory_space<vmem>>, vector<16xf32>,
          %swap3A_87 = vector.shape_cast %swap3A_86 : vector<16xf32> to vector<16xf32>
          %swap3A_88 = vector.shape_cast %add3A_82 : vector<16xf32> to vector<16xf32>
          tpu.vector_store %swap3A_84[%swap3A_85], %swap3A_88 {strides = array<i32>} : memref<64xf32, #tpu.memory_space<vmem>>, vector<16xf32>,
          %get3A_89 = arith.constant 0 : i32
          %get3A_90 = tpu.memref_slice %arg8[%scan3A_70, %get3A_89] : memref<128x128xf32, #tpu.memory_space<vmem>> -> memref<1x128xf32, #tpu.memory_space<vmem>>
          %get3A_91 = tpu.memref_squeeze %get3A_90 : memref<1x128xf32, #tpu.memory_space<vmem>> -> memref<128xf32, #tpu.memory_space<vmem>>
          %get3A_92 = arith.constant 16 : index
          %get3A_93 = tpu.vector_load %get3A_91[%get3A_92] {strides = array<i32>} : memref<128xf32, #tpu.memory_space<vmem>>, vector<16xf32>,
          %get3A_94 = vector.shape_cast %get3A_93 : vector<16xf32> to vector<16xf32>
          %get3A_95 = arith.constant 0 : i32
          %get3A_96 = tpu.memref_slice %arg9[%scan3A_70, %get3A_95] : memref<128x128xf32, #tpu.memory_space<vmem>> -> memref<1x128xf32, #tpu.memory_space<vmem>>
          %get3A_97 = tpu.memref_squeeze %get3A_96 : memref<1x128xf32, #tpu.memory_space<vmem>> -> memref<128xf32, #tpu.memory_space<vmem>>
          %get3A_98 = arith.constant 80 : index
          %get3A_99 = tpu.vector_load %get3A_97[%get3A_98] {strides = array<i32>} : memref<128xf32, #tpu.memory_space<vmem>>, vector<16xf32>,
          %get3A_100 = vector.shape_cast %get3A_99 : vector<16xf32> to vector<16xf32>
          %add3A_101 = arith.addf %get3A_94, %get3A_100 : vector<16xf32>
          %swap3A_102 = arith.constant 0 : i32
          %swap3A_103 = tpu.memref_slice %arg14[%scan3A_70, %swap3A_102] : memref<128x64xf32, #tpu.memory_space<vmem>> -> memref<1x64xf32, #tpu.memory_space<vmem>>
          %swap3A_104 = tpu.memref_squeeze %swap3A_103 : memref<1x64xf32, #tpu.memory_space<vmem>> -> memref<64xf32, #tpu.memory_space<vmem>>
          %swap3A_105 = arith.constant 16 : index
          %swap3A_106 = tpu.vector_load %swap3A_104[%swap3A_105] {strides = array<i32>} : memref<64xf32, #tpu.memory_space<vmem>>, vector<16xf32>,
          %swap3A_107 = vector.shape_cast %swap3A_106 : vector<16xf32> to vector<16xf32>
          %swap3A_108 = vector.shape_cast %add3A_101 : vector<16xf32> to vector<16xf32>
          tpu.vector_store %swap3A_104[%swap3A_105], %swap3A_108 {strides = array<i32>} : memref<64xf32, #tpu.memory_space<vmem>>, vector<16xf32>,
          %get3A_109 = arith.constant 0 : i32
          %get3A_110 = tpu.memref_slice %arg8[%scan3A_70, %get3A_109] : memref<128x128xf32, #tpu.memory_space<vmem>> -> memref<1x128xf32, #tpu.memory_space<vmem>>
          %get3A_111 = tpu.memref_squeeze %get3A_110 : memref<1x128xf32, #tpu.memory_space<vmem>> -> memref<128xf32, #tpu.memory_space<vmem>>
          %get3A_112 = arith.constant 32 : index
          %get3A_113 = tpu.vector_load %get3A_111[%get3A_112] {strides = array<i32>} : memref<128xf32, #tpu.memory_space<vmem>>, vector<16xf32>,
          %get3A_114 = vector.shape_cast %get3A_113 : vector<16xf32> to vector<16xf32>
          %get3A_115 = arith.constant 0 : i32
          %get3A_116 = tpu.memref_slice %arg9[%scan3A_70, %get3A_115] : memref<128x128xf32, #tpu.memory_space<vmem>> -> memref<1x128xf32, #tpu.memory_space<vmem>>
          %get3A_117 = tpu.memref_squeeze %get3A_116 : memref<1x128xf32, #tpu.memory_space<vmem>> -> memref<128xf32, #tpu.memory_space<vmem>>
          %get3A_118 = arith.constant 96 : index
          %get3A_119 = tpu.vector_load %get3A_117[%get3A_118] {strides = array<i32>} : memref<128xf32, #tpu.memory_space<vmem>>, vector<16xf32>,
          %get3A_120 = vector.shape_cast %get3A_119 : vector<16xf32> to vector<16xf32>
          %add3A_121 = arith.addf %get3A_114, %get3A_120 : vector<16xf32>
          %swap3A_122 = arith.constant 0 : i32
          %swap3A_123 = tpu.memref_slice %arg14[%scan3A_70, %swap3A_122] : memref<128x64xf32, #tpu.memory_space<vmem>> -> memref<1x64xf32, #tpu.memory_space<vmem>>
          %swap3A_124 = tpu.memref_squeeze %swap3A_123 : memref<1x64xf32, #tpu.memory_space<vmem>> -> memref<64xf32, #tpu.memory_space<vmem>>
          %swap3A_125 = arith.constant 32 : index
          %swap3A_126 = tpu.vector_load %swap3A_124[%swap3A_125] {strides = array<i32>} : memref<64xf32, #tpu.memory_space<vmem>>, vector<16xf32>,
          %swap3A_127 = vector.shape_cast %swap3A_126 : vector<16xf32> to vector<16xf32>
          %swap3A_128 = vector.shape_cast %add3A_121 : vector<16xf32> to vector<16xf32>
          tpu.vector_store %swap3A_124[%swap3A_125], %swap3A_128 {strides = array<i32>} : memref<64xf32, #tpu.memory_space<vmem>>, vector<16xf32>,
          %get3A_129 = arith.constant 0 : i32
          %get3A_130 = tpu.memref_slice %arg8[%scan3A_70, %get3A_129] : memref<128x128xf32, #tpu.memory_space<vmem>> -> memref<1x128xf32, #tpu.memory_space<vmem>>
          %get3A_131 = tpu.memref_squeeze %get3A_130 : memref<1x128xf32, #tpu.memory_space<vmem>> -> memref<128xf32, #tpu.memory_space<vmem>>
          %get3A_132 = arith.constant 48 : index
          %get3A_133 = tpu.vector_load %get3A_131[%get3A_132] {strides = array<i32>} : memref<128xf32, #tpu.memory_space<vmem>>, vector<16xf32>,
          %get3A_134 = vector.shape_cast %get3A_133 : vector<16xf32> to vector<16xf32>
          %get3A_135 = arith.constant 0 : i32
          %get3A_136 = tpu.memref_slice %arg9[%scan3A_70, %get3A_135] : memref<128x128xf32, #tpu.memory_space<vmem>> -> memref<1x128xf32, #tpu.memory_space<vmem>>
          %get3A_137 = tpu.memref_squeeze %get3A_136 : memref<1x128xf32, #tpu.memory_space<vmem>> -> memref<128xf32, #tpu.memory_space<vmem>>
          %get3A_138 = arith.constant 112 : index
          %get3A_139 = tpu.vector_load %get3A_137[%get3A_138] {strides = array<i32>} : memref<128xf32, #tpu.memory_space<vmem>>, vector<16xf32>,
          %get3A_140 = vector.shape_cast %get3A_139 : vector<16xf32> to vector<16xf32>
          %add3A_141 = arith.addf %get3A_134, %get3A_140 : vector<16xf32>
          %swap3A_142 = arith.constant 0 : i32
          %swap3A_143 = tpu.memref_slice %arg14[%scan3A_70, %swap3A_142] : memref<128x64xf32, #tpu.memory_space<vmem>> -> memref<1x64xf32, #tpu.memory_space<vmem>>
          %swap3A_144 = tpu.memref_squeeze %swap3A_143 : memref<1x64xf32, #tpu.memory_space<vmem>> -> memref<64xf32, #tpu.memory_space<vmem>>
          %swap3A_145 = arith.constant 48 : index
          %swap3A_146 = tpu.vector_load %swap3A_144[%swap3A_145] {strides = array<i32>} : memref<64xf32, #tpu.memory_space<vmem>>, vector<16xf32>,
          %swap3A_147 = vector.shape_cast %swap3A_146 : vector<16xf32> to vector<16xf32>
          %swap3A_148 = vector.shape_cast %add3A_141 : vector<16xf32> to vector<16xf32>
          tpu.vector_store %swap3A_144[%swap3A_145], %swap3A_148 {strides = array<i32>} : memref<64xf32, #tpu.memory_space<vmem>>, vector<16xf32>,
        }
        %scan3A_69 = arith.constant 128 : i32
        "tpu.region"() ({
          %run_scoped3A = tpu.sem_alloc : memref<!tpu.dma_semaphore, #tpu.memory_space<semaphore_mem>>
          %dma_start3A = arith.constant 0 : i32
          %dma_start3A_70 = tpu.memref_slice %arg5[%multiple_of3A, %dma_start3A] : memref<800000x64xf32, #tpu.memory_space<hbm>> -> memref<128x64xf32, #tpu.memory_space<hbm>>
          %dma_start3A_71 = arith.constant 0 : i32
          %dma_start3A_72 = tpu.memref_slice %arg5[%multiple_of3A, %dma_start3A_71] : memref<800000x64xf32, #tpu.memory_space<hbm>> -> memref<128x64xf32, #tpu.memory_space<hbm>>
          tpu.enqueue_dma source(%arg14 : memref<128x64xf32, #tpu.memory_space<vmem>>) target(%dma_start3A_72 : memref<128x64xf32, #tpu.memory_space<hbm>>) target_semaphore(%run_scoped3A : memref<!tpu.dma_semaphore, #tpu.memory_space<semaphore_mem>>)
          %dma_wait3A_73 = arith.constant 0 : i32
          %dma_wait3A_74 = tpu.memref_slice %arg5[%multiple_of3A, %dma_wait3A_73] : memref<800000x64xf32, #tpu.memory_space<hbm>> -> memref<128x64xf32, #tpu.memory_space<hbm>>
          %dma_wait3A_75 = arith.constant 0 : i32
          %dma_wait3A_76 = tpu.memref_slice %arg5[%multiple_of3A, %dma_wait3A_75] : memref<800000x64xf32, #tpu.memory_space<hbm>> -> memref<128x64xf32, #tpu.memory_space<hbm>>
          tpu.wait_dma2 semaphore(%run_scoped3A : memref<!tpu.dma_semaphore, #tpu.memory_space<semaphore_mem>>) src(%arg14 : memref<128x64xf32, #tpu.memory_space<vmem>>) dst(%dma_wait3A_76 : memref<128x64xf32, #tpu.memory_space<hbm>>)
          tpu.yield
        }) : () -> ()
      } else {
      }
      %add3A_33 = arith.constant 2 : i32
      %add3A_34 = arith.addi %mul3A_12, %add3A_33 : i32
      %mul3A_35 = arith.constant 32 : i32
      %mul3A_36 = arith.muli %add3A_34, %mul3A_35 : i32
      %add3A_37 = arith.addi %add3A, %mul3A_36 : i32
      %lt3A_38 = arith.constant 6250 : i32
      %lt3A_39 = arith.cmpi slt, %add3A_37, %lt3A_38 : i32
      %convert_element_type3A_40 = arith.extui %lt3A_39 : i1 to i32
      %cond3A_41 = arith.constant 0 : i32
      %cond3A_42 = arith.cmpi ne, %convert_element_type3A_40, %cond3A_41 : i32
      scf.if %cond3A_42 {
        %mul3A_51 = arith.constant 128 : i32
        %mul3A_52 = arith.muli %add3A_37, %mul3A_51 : i32
        %multiple_of3A = tpu.assume_multiple %mul3A_52, 8 : i32
        "tpu.region"() ({
          %run_scoped3A = tpu.sem_alloc : memref<!tpu.dma_semaphore, #tpu.memory_space<semaphore_mem>>
          %dma_start3A_58 = tpu.memref_slice %arg3[%multiple_of3A] : memref<800000xi32, #tpu.memory_space<hbm>> -> memref<128xi32, #tpu.memory_space<hbm>>
          %dma_start3A_59 = tpu.memref_slice %arg3[%multiple_of3A] : memref<800000xi32, #tpu.memory_space<hbm>> -> memref<128xi32, #tpu.memory_space<hbm>>
          tpu.enqueue_dma source(%dma_start3A_59 : memref<128xi32, #tpu.memory_space<hbm>>) target(%arg6 : memref<128xi32, #tpu.memory_space<vmem>>) target_semaphore(%run_scoped3A : memref<!tpu.dma_semaphore, #tpu.memory_space<semaphore_mem>>)
          %dma_wait3A = tpu.memref_slice %arg3[%multiple_of3A] : memref<800000xi32, #tpu.memory_space<hbm>> -> memref<128xi32, #tpu.memory_space<hbm>>
          %dma_wait3A_60 = tpu.memref_slice %arg3[%multiple_of3A] : memref<800000xi32, #tpu.memory_space<hbm>> -> memref<128xi32, #tpu.memory_space<hbm>>
          tpu.wait_dma2 semaphore(%run_scoped3A : memref<!tpu.dma_semaphore, #tpu.memory_space<semaphore_mem>>) src(%dma_wait3A_60 : memref<128xi32, #tpu.memory_space<hbm>>) dst(%arg6 : memref<128xi32, #tpu.memory_space<vmem>>)
          tpu.yield
        }) : () -> ()
        "tpu.region"() ({
          %run_scoped3A = tpu.sem_alloc : memref<!tpu.dma_semaphore, #tpu.memory_space<semaphore_mem>>
          %dma_start3A_58 = tpu.memref_slice %arg4[%multiple_of3A] : memref<800000xi32, #tpu.memory_space<hbm>> -> memref<128xi32, #tpu.memory_space<hbm>>
          %dma_start3A_59 = tpu.memref_slice %arg4[%multiple_of3A] : memref<800000xi32, #tpu.memory_space<hbm>> -> memref<128xi32, #tpu.memory_space<hbm>>
          tpu.enqueue_dma source(%dma_start3A_59 : memref<128xi32, #tpu.memory_space<hbm>>) target(%arg7 : memref<128xi32, #tpu.memory_space<vmem>>) target_semaphore(%run_scoped3A : memref<!tpu.dma_semaphore, #tpu.memory_space<semaphore_mem>>)
          %dma_wait3A = tpu.memref_slice %arg4[%multiple_of3A] : memref<800000xi32, #tpu.memory_space<hbm>> -> memref<128xi32, #tpu.memory_space<hbm>>
          %dma_wait3A_60 = tpu.memref_slice %arg4[%multiple_of3A] : memref<800000xi32, #tpu.memory_space<hbm>> -> memref<128xi32, #tpu.memory_space<hbm>>
          tpu.wait_dma2 semaphore(%run_scoped3A : memref<!tpu.dma_semaphore, #tpu.memory_space<semaphore_mem>>) src(%dma_wait3A_60 : memref<128xi32, #tpu.memory_space<hbm>>) dst(%arg7 : memref<128xi32, #tpu.memory_space<vmem>>)
          tpu.yield
        }) : () -> ()
        %dma_start3A = arith.constant 0 : i32
        %dma_start3A_53 = arith.constant 0 : i32
        %dma_start3A_54 = tpu.memref_slice %arg2[%dma_start3A, %dma_start3A_53] : memref<50000x128xf32, #tpu.memory_space<hbm>> -> memref<50000x128xf32, #tpu.memory_space<hbm>>
        tpu.enqueue_indirect_dma source(%dma_start3A_54 : memref<50000x128xf32, #tpu.memory_space<hbm>>) target(%arg8 : memref<128x128xf32, #tpu.memory_space<vmem>>) offsets(%arg6 : memref<128xi32, #tpu.memory_space<vmem>>) semaphore(%arg15 : memref<!tpu.dma_semaphore, #tpu.memory_space<semaphore_mem>>)
        %dma_start3A_55 = arith.constant 0 : i32
        %dma_start3A_56 = arith.constant 0 : i32
        %dma_start3A_57 = tpu.memref_slice %arg2[%dma_start3A_55, %dma_start3A_56] : memref<50000x128xf32, #tpu.memory_space<hbm>> -> memref<50000x128xf32, #tpu.memory_space<hbm>>
        tpu.enqueue_indirect_dma source(%dma_start3A_57 : memref<50000x128xf32, #tpu.memory_space<hbm>>) target(%arg9 : memref<128x128xf32, #tpu.memory_space<vmem>>) offsets(%arg7 : memref<128xi32, #tpu.memory_space<vmem>>) semaphore(%arg15 : memref<!tpu.dma_semaphore, #tpu.memory_space<semaphore_mem>>)
      } else {
      }
      %mul3A_43 = arith.constant 32 : i32
      %mul3A_44 = arith.muli %add3A_16, %mul3A_43 : i32
      %add3A_45 = arith.addi %add3A, %mul3A_44 : i32
      %lt3A_46 = arith.constant 6250 : i32
      %lt3A_47 = arith.cmpi slt, %add3A_45, %lt3A_46 : i32
      %convert_element_type3A_48 = arith.extui %lt3A_47 : i1 to i32
      %cond3A_49 = arith.constant 0 : i32
      %cond3A_50 = arith.cmpi ne, %convert_element_type3A_48, %cond3A_49 : i32
      scf.if %cond3A_50 {
        %mul3A_51 = arith.constant 128 : i32
        %mul3A_52 = arith.muli %add3A_45, %mul3A_51 : i32
        %multiple_of3A = tpu.assume_multiple %mul3A_52, 8 : i32
        %dma_wait3A = arith.constant 0 : i32
        %dma_wait3A_53 = arith.constant 0 : i32
        %dma_wait3A_54 = tpu.memref_slice %arg2[%dma_wait3A, %dma_wait3A_53] : memref<50000x128xf32, #tpu.memory_space<hbm>> -> memref<128x128xf32, #tpu.memory_space<hbm>>
        %dma_wait3A_55 = arith.constant 0 : i32
        %dma_wait3A_56 = arith.constant 0 : i32
        %dma_wait3A_57 = tpu.memref_slice %arg2[%dma_wait3A_55, %dma_wait3A_56] : memref<50000x128xf32, #tpu.memory_space<hbm>> -> memref<128x128xf32, #tpu.memory_space<hbm>>
        tpu.wait_dma2 semaphore(%arg16 : memref<!tpu.dma_semaphore, #tpu.memory_space<semaphore_mem>>) src(%dma_wait3A_57 : memref<128x128xf32, #tpu.memory_space<hbm>>) dst(%arg12 : memref<128x128xf32, #tpu.memory_space<vmem>>)
        %dma_wait3A_58 = arith.constant 0 : i32
        %dma_wait3A_59 = arith.constant 0 : i32
        %dma_wait3A_60 = tpu.memref_slice %arg2[%dma_wait3A_58, %dma_wait3A_59] : memref<50000x128xf32, #tpu.memory_space<hbm>> -> memref<128x128xf32, #tpu.memory_space<hbm>>
        %dma_wait3A_61 = arith.constant 0 : i32
        %dma_wait3A_62 = arith.constant 0 : i32
        %dma_wait3A_63 = tpu.memref_slice %arg2[%dma_wait3A_61, %dma_wait3A_62] : memref<50000x128xf32, #tpu.memory_space<hbm>> -> memref<128x128xf32, #tpu.memory_space<hbm>>
        tpu.wait_dma2 semaphore(%arg16 : memref<!tpu.dma_semaphore, #tpu.memory_space<semaphore_mem>>) src(%dma_wait3A_63 : memref<128x128xf32, #tpu.memory_space<hbm>>) dst(%arg13 : memref<128x128xf32, #tpu.memory_space<vmem>>)
        %scan3A_64 = arith.constant 0 : i32
        %scan3A_65 = arith.constant 0 : i32
        %scan3A_66 = arith.constant 128 : i32
        %scan3A_67 = arith.addi %scan3A_65, %scan3A_66 : i32
        %scan3A_68 = arith.constant 1 : i32
        scf.for %scan3A_70 = %scan3A_65 to %scan3A_67 step %scan3A_68  : i32 {
          %get3A = arith.constant 0 : i32
          %get3A_71 = tpu.memref_slice %arg12[%scan3A_70, %get3A] : memref<128x128xf32, #tpu.memory_space<vmem>> -> memref<1x128xf32, #tpu.memory_space<vmem>>
          %get3A_72 = tpu.memref_squeeze %get3A_71 : memref<1x128xf32, #tpu.memory_space<vmem>> -> memref<128xf32, #tpu.memory_space<vmem>>
          %get3A_73 = arith.constant 0 : index
          %get3A_74 = tpu.vector_load %get3A_72[%get3A_73] {strides = array<i32>} : memref<128xf32, #tpu.memory_space<vmem>>, vector<16xf32>,
          %get3A_75 = vector.shape_cast %get3A_74 : vector<16xf32> to vector<16xf32>
          %get3A_76 = arith.constant 0 : i32
          %get3A_77 = tpu.memref_slice %arg13[%scan3A_70, %get3A_76] : memref<128x128xf32, #tpu.memory_space<vmem>> -> memref<1x128xf32, #tpu.memory_space<vmem>>
          %get3A_78 = tpu.memref_squeeze %get3A_77 : memref<1x128xf32, #tpu.memory_space<vmem>> -> memref<128xf32, #tpu.memory_space<vmem>>
          %get3A_79 = arith.constant 64 : index
          %get3A_80 = tpu.vector_load %get3A_78[%get3A_79] {strides = array<i32>} : memref<128xf32, #tpu.memory_space<vmem>>, vector<16xf32>,
          %get3A_81 = vector.shape_cast %get3A_80 : vector<16xf32> to vector<16xf32>
          %add3A_82 = arith.addf %get3A_75, %get3A_81 : vector<16xf32>
          %swap3A = arith.constant 0 : i32
          %swap3A_83 = tpu.memref_slice %arg14[%scan3A_70, %swap3A] : memref<128x64xf32, #tpu.memory_space<vmem>> -> memref<1x64xf32, #tpu.memory_space<vmem>>
          %swap3A_84 = tpu.memref_squeeze %swap3A_83 : memref<1x64xf32, #tpu.memory_space<vmem>> -> memref<64xf32, #tpu.memory_space<vmem>>
          %swap3A_85 = arith.constant 0 : index
          %swap3A_86 = tpu.vector_load %swap3A_84[%swap3A_85] {strides = array<i32>} : memref<64xf32, #tpu.memory_space<vmem>>, vector<16xf32>,
          %swap3A_87 = vector.shape_cast %swap3A_86 : vector<16xf32> to vector<16xf32>
          %swap3A_88 = vector.shape_cast %add3A_82 : vector<16xf32> to vector<16xf32>
          tpu.vector_store %swap3A_84[%swap3A_85], %swap3A_88 {strides = array<i32>} : memref<64xf32, #tpu.memory_space<vmem>>, vector<16xf32>,
          %get3A_89 = arith.constant 0 : i32
          %get3A_90 = tpu.memref_slice %arg12[%scan3A_70, %get3A_89] : memref<128x128xf32, #tpu.memory_space<vmem>> -> memref<1x128xf32, #tpu.memory_space<vmem>>
          %get3A_91 = tpu.memref_squeeze %get3A_90 : memref<1x128xf32, #tpu.memory_space<vmem>> -> memref<128xf32, #tpu.memory_space<vmem>>
          %get3A_92 = arith.constant 16 : index
          %get3A_93 = tpu.vector_load %get3A_91[%get3A_92] {strides = array<i32>} : memref<128xf32, #tpu.memory_space<vmem>>, vector<16xf32>,
          %get3A_94 = vector.shape_cast %get3A_93 : vector<16xf32> to vector<16xf32>
          %get3A_95 = arith.constant 0 : i32
          %get3A_96 = tpu.memref_slice %arg13[%scan3A_70, %get3A_95] : memref<128x128xf32, #tpu.memory_space<vmem>> -> memref<1x128xf32, #tpu.memory_space<vmem>>
          %get3A_97 = tpu.memref_squeeze %get3A_96 : memref<1x128xf32, #tpu.memory_space<vmem>> -> memref<128xf32, #tpu.memory_space<vmem>>
          %get3A_98 = arith.constant 80 : index
          %get3A_99 = tpu.vector_load %get3A_97[%get3A_98] {strides = array<i32>} : memref<128xf32, #tpu.memory_space<vmem>>, vector<16xf32>,
          %get3A_100 = vector.shape_cast %get3A_99 : vector<16xf32> to vector<16xf32>
          %add3A_101 = arith.addf %get3A_94, %get3A_100 : vector<16xf32>
          %swap3A_102 = arith.constant 0 : i32
          %swap3A_103 = tpu.memref_slice %arg14[%scan3A_70, %swap3A_102] : memref<128x64xf32, #tpu.memory_space<vmem>> -> memref<1x64xf32, #tpu.memory_space<vmem>>
          %swap3A_104 = tpu.memref_squeeze %swap3A_103 : memref<1x64xf32, #tpu.memory_space<vmem>> -> memref<64xf32, #tpu.memory_space<vmem>>
          %swap3A_105 = arith.constant 16 : index
          %swap3A_106 = tpu.vector_load %swap3A_104[%swap3A_105] {strides = array<i32>} : memref<64xf32, #tpu.memory_space<vmem>>, vector<16xf32>,
          %swap3A_107 = vector.shape_cast %swap3A_106 : vector<16xf32> to vector<16xf32>
          %swap3A_108 = vector.shape_cast %add3A_101 : vector<16xf32> to vector<16xf32>
          tpu.vector_store %swap3A_104[%swap3A_105], %swap3A_108 {strides = array<i32>} : memref<64xf32, #tpu.memory_space<vmem>>, vector<16xf32>,
          %get3A_109 = arith.constant 0 : i32
          %get3A_110 = tpu.memref_slice %arg12[%scan3A_70, %get3A_109] : memref<128x128xf32, #tpu.memory_space<vmem>> -> memref<1x128xf32, #tpu.memory_space<vmem>>
          %get3A_111 = tpu.memref_squeeze %get3A_110 : memref<1x128xf32, #tpu.memory_space<vmem>> -> memref<128xf32, #tpu.memory_space<vmem>>
          %get3A_112 = arith.constant 32 : index
          %get3A_113 = tpu.vector_load %get3A_111[%get3A_112] {strides = array<i32>} : memref<128xf32, #tpu.memory_space<vmem>>, vector<16xf32>,
          %get3A_114 = vector.shape_cast %get3A_113 : vector<16xf32> to vector<16xf32>
          %get3A_115 = arith.constant 0 : i32
          %get3A_116 = tpu.memref_slice %arg13[%scan3A_70, %get3A_115] : memref<128x128xf32, #tpu.memory_space<vmem>> -> memref<1x128xf32, #tpu.memory_space<vmem>>
          %get3A_117 = tpu.memref_squeeze %get3A_116 : memref<1x128xf32, #tpu.memory_space<vmem>> -> memref<128xf32, #tpu.memory_space<vmem>>
          %get3A_118 = arith.constant 96 : index
          %get3A_119 = tpu.vector_load %get3A_117[%get3A_118] {strides = array<i32>} : memref<128xf32, #tpu.memory_space<vmem>>, vector<16xf32>,
          %get3A_120 = vector.shape_cast %get3A_119 : vector<16xf32> to vector<16xf32>
          %add3A_121 = arith.addf %get3A_114, %get3A_120 : vector<16xf32>
          %swap3A_122 = arith.constant 0 : i32
          %swap3A_123 = tpu.memref_slice %arg14[%scan3A_70, %swap3A_122] : memref<128x64xf32, #tpu.memory_space<vmem>> -> memref<1x64xf32, #tpu.memory_space<vmem>>
          %swap3A_124 = tpu.memref_squeeze %swap3A_123 : memref<1x64xf32, #tpu.memory_space<vmem>> -> memref<64xf32, #tpu.memory_space<vmem>>
          %swap3A_125 = arith.constant 32 : index
          %swap3A_126 = tpu.vector_load %swap3A_124[%swap3A_125] {strides = array<i32>} : memref<64xf32, #tpu.memory_space<vmem>>, vector<16xf32>,
          %swap3A_127 = vector.shape_cast %swap3A_126 : vector<16xf32> to vector<16xf32>
          %swap3A_128 = vector.shape_cast %add3A_121 : vector<16xf32> to vector<16xf32>
          tpu.vector_store %swap3A_124[%swap3A_125], %swap3A_128 {strides = array<i32>} : memref<64xf32, #tpu.memory_space<vmem>>, vector<16xf32>,
          %get3A_129 = arith.constant 0 : i32
          %get3A_130 = tpu.memref_slice %arg12[%scan3A_70, %get3A_129] : memref<128x128xf32, #tpu.memory_space<vmem>> -> memref<1x128xf32, #tpu.memory_space<vmem>>
          %get3A_131 = tpu.memref_squeeze %get3A_130 : memref<1x128xf32, #tpu.memory_space<vmem>> -> memref<128xf32, #tpu.memory_space<vmem>>
          %get3A_132 = arith.constant 48 : index
          %get3A_133 = tpu.vector_load %get3A_131[%get3A_132] {strides = array<i32>} : memref<128xf32, #tpu.memory_space<vmem>>, vector<16xf32>,
          %get3A_134 = vector.shape_cast %get3A_133 : vector<16xf32> to vector<16xf32>
          %get3A_135 = arith.constant 0 : i32
          %get3A_136 = tpu.memref_slice %arg13[%scan3A_70, %get3A_135] : memref<128x128xf32, #tpu.memory_space<vmem>> -> memref<1x128xf32, #tpu.memory_space<vmem>>
          %get3A_137 = tpu.memref_squeeze %get3A_136 : memref<1x128xf32, #tpu.memory_space<vmem>> -> memref<128xf32, #tpu.memory_space<vmem>>
          %get3A_138 = arith.constant 112 : index
          %get3A_139 = tpu.vector_load %get3A_137[%get3A_138] {strides = array<i32>} : memref<128xf32, #tpu.memory_space<vmem>>, vector<16xf32>,
          %get3A_140 = vector.shape_cast %get3A_139 : vector<16xf32> to vector<16xf32>
          %add3A_141 = arith.addf %get3A_134, %get3A_140 : vector<16xf32>
          %swap3A_142 = arith.constant 0 : i32
          %swap3A_143 = tpu.memref_slice %arg14[%scan3A_70, %swap3A_142] : memref<128x64xf32, #tpu.memory_space<vmem>> -> memref<1x64xf32, #tpu.memory_space<vmem>>
          %swap3A_144 = tpu.memref_squeeze %swap3A_143 : memref<1x64xf32, #tpu.memory_space<vmem>> -> memref<64xf32, #tpu.memory_space<vmem>>
          %swap3A_145 = arith.constant 48 : index
          %swap3A_146 = tpu.vector_load %swap3A_144[%swap3A_145] {strides = array<i32>} : memref<64xf32, #tpu.memory_space<vmem>>, vector<16xf32>,
          %swap3A_147 = vector.shape_cast %swap3A_146 : vector<16xf32> to vector<16xf32>
          %swap3A_148 = vector.shape_cast %add3A_141 : vector<16xf32> to vector<16xf32>
          tpu.vector_store %swap3A_144[%swap3A_145], %swap3A_148 {strides = array<i32>} : memref<64xf32, #tpu.memory_space<vmem>>, vector<16xf32>,
        }
        %scan3A_69 = arith.constant 128 : i32
        "tpu.region"() ({
          %run_scoped3A = tpu.sem_alloc : memref<!tpu.dma_semaphore, #tpu.memory_space<semaphore_mem>>
          %dma_start3A = arith.constant 0 : i32
          %dma_start3A_70 = tpu.memref_slice %arg5[%multiple_of3A, %dma_start3A] : memref<800000x64xf32, #tpu.memory_space<hbm>> -> memref<128x64xf32, #tpu.memory_space<hbm>>
          %dma_start3A_71 = arith.constant 0 : i32
          %dma_start3A_72 = tpu.memref_slice %arg5[%multiple_of3A, %dma_start3A_71] : memref<800000x64xf32, #tpu.memory_space<hbm>> -> memref<128x64xf32, #tpu.memory_space<hbm>>
          tpu.enqueue_dma source(%arg14 : memref<128x64xf32, #tpu.memory_space<vmem>>) target(%dma_start3A_72 : memref<128x64xf32, #tpu.memory_space<hbm>>) target_semaphore(%run_scoped3A : memref<!tpu.dma_semaphore, #tpu.memory_space<semaphore_mem>>)
          %dma_wait3A_73 = arith.constant 0 : i32
          %dma_wait3A_74 = tpu.memref_slice %arg5[%multiple_of3A, %dma_wait3A_73] : memref<800000x64xf32, #tpu.memory_space<hbm>> -> memref<128x64xf32, #tpu.memory_space<hbm>>
          %dma_wait3A_75 = arith.constant 0 : i32
          %dma_wait3A_76 = tpu.memref_slice %arg5[%multiple_of3A, %dma_wait3A_75] : memref<800000x64xf32, #tpu.memory_space<hbm>> -> memref<128x64xf32, #tpu.memory_space<hbm>>
          tpu.wait_dma2 semaphore(%run_scoped3A : memref<!tpu.dma_semaphore, #tpu.memory_space<semaphore_mem>>) src(%arg14 : memref<128x64xf32, #tpu.memory_space<vmem>>) dst(%dma_wait3A_76 : memref<128x64xf32, #tpu.memory_space<hbm>>)
          tpu.yield
        }) : () -> ()
      } else {
      }
    }
    %scan3A_9 = arith.constant 98 : i32
    return
  }
}

module attributes {stable_mosaic.version = 14 : i64} {
  func.func @_node_pre_body(%arg0: i32, %arg1: memref<2000x64xf32, #tpu.memory_space<vmem>>, %arg2: memref<2000x4xf32, #tpu.memory_space<vmem>>, %arg3: memref<4x64x64xf32, #tpu.memory_space<vmem>>, %arg4: memref<64x128xf32, #tpu.memory_space<vmem>>, %arg5: memref<2000x128xf32, #tpu.memory_space<vmem>>, %arg6: memref<2000x64xf32, #tpu.memory_space<vmem>>) attributes {dimension_semantics = [#tpu.dimension_semantics<arbitrary>], iteration_bounds = array<i64: 25>, scalar_prefetch = 0 : i64, scratch_operands = 0 : i64, tpu.core_type = #tpu.core_type<tc>, window_params = [{transform_indices = @transform_0, window_bounds = array<i64: 2000, 64>}, {transform_indices = @transform_1, window_bounds = array<i64: 2000, 4>}, {pipeline_mode = #tpu.pipeline_mode<synchronous>, transform_indices = @transform_2, window_bounds = array<i64: 4, 64, 64>}, {pipeline_mode = #tpu.pipeline_mode<synchronous>, transform_indices = @transform_3, window_bounds = array<i64: 64, 128>}, {transform_indices = @transform_4, window_bounds = array<i64: 2000, 128>}, {transform_indices = @transform_5, window_bounds = array<i64: 2000, 64>}]} {
    %get3A = arith.constant 0 : index
    %get3A_0 = arith.constant 0 : index
    %get3A_1 = vector.load %arg1[%get3A, %get3A_0] : memref<2000x64xf32, #tpu.memory_space<vmem>>, vector<2000x64xf32>
    %get3A_2 = arith.constant 0 : index
    %get3A_3 = arith.constant 0 : index
    %get3A_4 = vector.load %arg2[%get3A_2, %get3A_3] : memref<2000x4xf32, #tpu.memory_space<vmem>>, vector<2000x4xf32>
    %get3A_5 = arith.constant 0 : index
    %get3A_6 = arith.constant 0 : index
    %get3A_7 = vector.load %arg4[%get3A_5, %get3A_6] : memref<64x128xf32, #tpu.memory_space<vmem>>, vector<64x128xf32>
    %dot_general3A = arith.constant dense<0.000000e+00> : vector<2000x128xf32>
    %dot_general3A_8 = tpu.matmul %get3A_1, %get3A_7, %dot_general3A {dimension_numbers = #tpu.dot_dimension_numbers<[1], [0], [0], [1], [0, 0, 1, 1], [], []>, transpose_lhs_hint = false} : vector<2000x64xf32>, vector<64x128xf32>, vector<2000x128xf32> -> vector<2000x128xf32>
    %swap3A = arith.constant 0 : index
    %swap3A_9 = arith.constant 0 : index
    %swap3A_10 = vector.load %arg5[%swap3A, %swap3A_9] : memref<2000x128xf32, #tpu.memory_space<vmem>>, vector<2000x128xf32>
    tpu.vector_store %arg5[%swap3A, %swap3A_9], %dot_general3A_8 {strides = array<i32>} : memref<2000x128xf32, #tpu.memory_space<vmem>>, vector<2000x128xf32>,
    %slice3A = vector.extract_strided_slice %get3A_4 {offsets = [0, 0], sizes = [2000, 1], strides = [1, 1]} : vector<2000x4xf32> to vector<2000x1xf32>
    %get3A_11 = arith.constant 0 : index
    %get3A_12 = arith.constant 0 : index
    %get3A_13 = arith.constant 0 : index
    %get3A_14 = vector.load %arg3[%get3A_11, %get3A_12, %get3A_13] : memref<4x64x64xf32, #tpu.memory_space<vmem>>, vector<1x64x64xf32>
    %get3A_15 = vector.shape_cast %get3A_14 : vector<1x64x64xf32> to vector<64x64xf32>
    %dot_general3A_16 = arith.constant dense<0.000000e+00> : vector<2000x64xf32>
    %dot_general3A_17 = tpu.matmul %get3A_1, %get3A_15, %dot_general3A_16 {dimension_numbers = #tpu.dot_dimension_numbers<[1], [0], [0], [1], [0, 0, 1, 1], [], []>, transpose_lhs_hint = false} : vector<2000x64xf32>, vector<64x64xf32>, vector<2000x64xf32> -> vector<2000x64xf32>
    %mul3A = vector.broadcast %slice3A : vector<2000x1xf32> to vector<2000x64xf32>
    %mul3A_18 = arith.mulf %mul3A, %dot_general3A_17 : vector<2000x64xf32>
    %slice3A_19 = vector.extract_strided_slice %get3A_4 {offsets = [0, 1], sizes = [2000, 1], strides = [1, 1]} : vector<2000x4xf32> to vector<2000x1xf32>
    %get3A_20 = arith.constant 1 : index
    %get3A_21 = arith.constant 0 : index
    %get3A_22 = arith.constant 0 : index
    %get3A_23 = vector.load %arg3[%get3A_20, %get3A_21, %get3A_22] : memref<4x64x64xf32, #tpu.memory_space<vmem>>, vector<1x64x64xf32>
    %get3A_24 = vector.shape_cast %get3A_23 : vector<1x64x64xf32> to vector<64x64xf32>
    %dot_general3A_25 = arith.constant dense<0.000000e+00> : vector<2000x64xf32>
    %dot_general3A_26 = tpu.matmul %get3A_1, %get3A_24, %dot_general3A_25 {dimension_numbers = #tpu.dot_dimension_numbers<[1], [0], [0], [1], [0, 0, 1, 1], [], []>, transpose_lhs_hint = false} : vector<2000x64xf32>, vector<64x64xf32>, vector<2000x64xf32> -> vector<2000x64xf32>
    %mul3A_27 = vector.broadcast %slice3A_19 : vector<2000x1xf32> to vector<2000x64xf32>
    %mul3A_28 = arith.mulf %mul3A_27, %dot_general3A_26 : vector<2000x64xf32>
    %add3A = arith.addf %mul3A_18, %mul3A_28 : vector<2000x64xf32>
    %slice3A_29 = vector.extract_strided_slice %get3A_4 {offsets = [0, 2], sizes = [2000, 1], strides = [1, 1]} : vector<2000x4xf32> to vector<2000x1xf32>
    %get3A_30 = arith.constant 2 : index
    %get3A_31 = arith.constant 0 : index
    %get3A_32 = arith.constant 0 : index
    %get3A_33 = vector.load %arg3[%get3A_30, %get3A_31, %get3A_32] : memref<4x64x64xf32, #tpu.memory_space<vmem>>, vector<1x64x64xf32>
    %get3A_34 = vector.shape_cast %get3A_33 : vector<1x64x64xf32> to vector<64x64xf32>
    %dot_general3A_35 = arith.constant dense<0.000000e+00> : vector<2000x64xf32>
    %dot_general3A_36 = tpu.matmul %get3A_1, %get3A_34, %dot_general3A_35 {dimension_numbers = #tpu.dot_dimension_numbers<[1], [0], [0], [1], [0, 0, 1, 1], [], []>, transpose_lhs_hint = false} : vector<2000x64xf32>, vector<64x64xf32>, vector<2000x64xf32> -> vector<2000x64xf32>
    %mul3A_37 = vector.broadcast %slice3A_29 : vector<2000x1xf32> to vector<2000x64xf32>
    %mul3A_38 = arith.mulf %mul3A_37, %dot_general3A_36 : vector<2000x64xf32>
    %add3A_39 = arith.addf %add3A, %mul3A_38 : vector<2000x64xf32>
    %slice3A_40 = vector.extract_strided_slice %get3A_4 {offsets = [0, 3], sizes = [2000, 1], strides = [1, 1]} : vector<2000x4xf32> to vector<2000x1xf32>
    %get3A_41 = arith.constant 3 : index
    %get3A_42 = arith.constant 0 : index
    %get3A_43 = arith.constant 0 : index
    %get3A_44 = vector.load %arg3[%get3A_41, %get3A_42, %get3A_43] : memref<4x64x64xf32, #tpu.memory_space<vmem>>, vector<1x64x64xf32>
    %get3A_45 = vector.shape_cast %get3A_44 : vector<1x64x64xf32> to vector<64x64xf32>
    %dot_general3A_46 = arith.constant dense<0.000000e+00> : vector<2000x64xf32>
    %dot_general3A_47 = tpu.matmul %get3A_1, %get3A_45, %dot_general3A_46 {dimension_numbers = #tpu.dot_dimension_numbers<[1], [0], [0], [1], [0, 0, 1, 1], [], []>, transpose_lhs_hint = false} : vector<2000x64xf32>, vector<64x64xf32>, vector<2000x64xf32> -> vector<2000x64xf32>
    %mul3A_48 = vector.broadcast %slice3A_40 : vector<2000x1xf32> to vector<2000x64xf32>
    %mul3A_49 = arith.mulf %mul3A_48, %dot_general3A_47 : vector<2000x64xf32>
    %add3A_50 = arith.addf %add3A_39, %mul3A_49 : vector<2000x64xf32>
    %swap3A_51 = arith.constant 0 : index
    %swap3A_52 = arith.constant 0 : index
    %swap3A_53 = vector.load %arg6[%swap3A_51, %swap3A_52] : memref<2000x64xf32, #tpu.memory_space<vmem>>, vector<2000x64xf32>
    tpu.vector_store %arg6[%swap3A_51, %swap3A_52], %add3A_50 {strides = array<i32>} : memref<2000x64xf32, #tpu.memory_space<vmem>>, vector<2000x64xf32>,
    return
  }
  func.func @transform_0(%arg0: i32) -> (i32, i32) {
    %c0_i32 = arith.constant 0 : i32
    %c0_i32_0 = arith.constant 0 : i32
    return %arg0, %c0_i32 : i32, i32
  }
  func.func @transform_1(%arg0: i32) -> (i32, i32) {
    %c0_i32 = arith.constant 0 : i32
    %c0_i32_0 = arith.constant 0 : i32
    return %arg0, %c0_i32 : i32, i32
  }
  func.func @transform_2(%arg0: i32) -> (i32, i32, i32) {
    %c0_i32 = arith.constant 0 : i32
    %c0_i32_0 = arith.constant 0 : i32
    %c0_i32_1 = arith.constant 0 : i32
    %c0_i32_2 = arith.constant 0 : i32
    return %c0_i32, %c0_i32_0, %c0_i32_1 : i32, i32, i32
  }
  func.func @transform_3(%arg0: i32) -> (i32, i32) {
    %c0_i32 = arith.constant 0 : i32
    %c0_i32_0 = arith.constant 0 : i32
    %c0_i32_1 = arith.constant 0 : i32
    return %c0_i32, %c0_i32_0 : i32, i32
  }
  func.func @transform_4(%arg0: i32) -> (i32, i32) {
    %c0_i32 = arith.constant 0 : i32
    %c0_i32_0 = arith.constant 0 : i32
    return %arg0, %c0_i32 : i32, i32
  }
  func.func @transform_5(%arg0: i32) -> (i32, i32) {
    %c0_i32 = arith.constant 0 : i32
    %c0_i32_0 = arith.constant 0 : i32
    return %arg0, %c0_i32 : i32, i32
  }
}

module attributes {stable_mosaic.version = 14 : i64} {
  func.func @_qidx_body(%arg0: i32, %arg1: memref<3125x256xi32, #tpu.memory_space<vmem>>, %arg2: memref<3125x256xi32, #tpu.memory_space<vmem>>, %arg3: memref<3125x256xi32, #tpu.memory_space<vmem>>, %arg4: memref<3125x256xi32, #tpu.memory_space<vmem>>, %arg5: memref<3125x256xi32, #tpu.memory_space<vmem>>) attributes {dimension_semantics = [#tpu.dimension_semantics<arbitrary>], iteration_bounds = array<i64: 1>, scalar_prefetch = 0 : i64, scratch_operands = 0 : i64, tpu.core_type = #tpu.core_type<tc>, window_params = [{pipeline_mode = #tpu.pipeline_mode<synchronous>, transform_indices = @transform_0, window_bounds = array<i64: 3125, 256>}, {pipeline_mode = #tpu.pipeline_mode<synchronous>, transform_indices = @transform_1, window_bounds = array<i64: 3125, 256>}, {pipeline_mode = #tpu.pipeline_mode<synchronous>, transform_indices = @transform_2, window_bounds = array<i64: 3125, 256>}, {pipeline_mode = #tpu.pipeline_mode<synchronous>, transform_indices = @transform_3, window_bounds = array<i64: 3125, 256>}, {pipeline_mode = #tpu.pipeline_mode<synchronous>, transform_indices = @transform_4, window_bounds = array<i64: 3125, 256>}]} {
    %get3A = arith.constant 0 : index
    %get3A_0 = arith.constant 0 : index
    %get3A_1 = vector.load %arg1[%get3A, %get3A_0] : memref<3125x256xi32, #tpu.memory_space<vmem>>, vector<3125x256xi32>
    %rem3A = arith.constant 40 : i32
    %rem3A_2 = vector.broadcast %rem3A : i32 to vector<3125x256xi32>
    %rem3A_3 = arith.remsi %get3A_1, %rem3A_2 : vector<3125x256xi32>
    %add3A = arith.constant 12504 : i32
    %add3A_4 = vector.broadcast %add3A : i32 to vector<3125x256xi32>
    %add3A_5 = arith.addi %add3A_4, %rem3A_3 : vector<3125x256xi32>
    %sub3A = arith.constant 0 : i32
    %sub3A_6 = vector.broadcast %sub3A : i32 to vector<3125x256xi32>
    %sub3A_7 = arith.subi %get3A_1, %sub3A_6 : vector<3125x256xi32>
    %ge3A = arith.constant 0 : i32
    %ge3A_8 = vector.broadcast %ge3A : i32 to vector<3125x256xi32>
    %ge3A_9 = arith.cmpi sge, %sub3A_7, %ge3A_8 : vector<3125x256xi32>
    %lt3A = arith.constant 12504 : i32
    %lt3A_10 = vector.broadcast %lt3A : i32 to vector<3125x256xi32>
    %lt3A_11 = arith.cmpi slt, %sub3A_7, %lt3A_10 : vector<3125x256xi32>
    %and3A = arith.andi %ge3A_9, %lt3A_11 : vector<3125x256xi1>
    %select_n3A = arith.select %and3A, %sub3A_7, %add3A_5 : vector<3125x256xi1>, vector<3125x256xi32>
    %swap3A = arith.constant 0 : index
    %swap3A_12 = arith.constant 0 : index
    %swap3A_13 = vector.load %arg2[%swap3A, %swap3A_12] : memref<3125x256xi32, #tpu.memory_space<vmem>>, vector<3125x256xi32>
    tpu.vector_store %arg2[%swap3A, %swap3A_12], %select_n3A {strides = array<i32>} : memref<3125x256xi32, #tpu.memory_space<vmem>>, vector<3125x256xi32>,
    %sub3A_14 = arith.constant 12504 : i32
    %sub3A_15 = vector.broadcast %sub3A_14 : i32 to vector<3125x256xi32>
    %sub3A_16 = arith.subi %get3A_1, %sub3A_15 : vector<3125x256xi32>
    %ge3A_17 = arith.constant 0 : i32
    %ge3A_18 = vector.broadcast %ge3A_17 : i32 to vector<3125x256xi32>
    %ge3A_19 = arith.cmpi sge, %sub3A_16, %ge3A_18 : vector<3125x256xi32>
    %lt3A_20 = arith.constant 12504 : i32
    %lt3A_21 = vector.broadcast %lt3A_20 : i32 to vector<3125x256xi32>
    %lt3A_22 = arith.cmpi slt, %sub3A_16, %lt3A_21 : vector<3125x256xi32>
    %and3A_23 = arith.andi %ge3A_19, %lt3A_22 : vector<3125x256xi1>
    %select_n3A_24 = arith.select %and3A_23, %sub3A_16, %add3A_5 : vector<3125x256xi1>, vector<3125x256xi32>
    %swap3A_25 = arith.constant 0 : index
    %swap3A_26 = arith.constant 0 : index
    %swap3A_27 = vector.load %arg3[%swap3A_25, %swap3A_26] : memref<3125x256xi32, #tpu.memory_space<vmem>>, vector<3125x256xi32>
    tpu.vector_store %arg3[%swap3A_25, %swap3A_26], %select_n3A_24 {strides = array<i32>} : memref<3125x256xi32, #tpu.memory_space<vmem>>, vector<3125x256xi32>,
    %sub3A_28 = arith.constant 25008 : i32
    %sub3A_29 = vector.broadcast %sub3A_28 : i32 to vector<3125x256xi32>
    %sub3A_30 = arith.subi %get3A_1, %sub3A_29 : vector<3125x256xi32>
    %ge3A_31 = arith.constant 0 : i32
    %ge3A_32 = vector.broadcast %ge3A_31 : i32 to vector<3125x256xi32>
    %ge3A_33 = arith.cmpi sge, %sub3A_30, %ge3A_32 : vector<3125x256xi32>
    %lt3A_34 = arith.constant 12504 : i32
    %lt3A_35 = vector.broadcast %lt3A_34 : i32 to vector<3125x256xi32>
    %lt3A_36 = arith.cmpi slt, %sub3A_30, %lt3A_35 : vector<3125x256xi32>
    %and3A_37 = arith.andi %ge3A_33, %lt3A_36 : vector<3125x256xi1>
    %select_n3A_38 = arith.select %and3A_37, %sub3A_30, %add3A_5 : vector<3125x256xi1>, vector<3125x256xi32>
    %swap3A_39 = arith.constant 0 : index
    %swap3A_40 = arith.constant 0 : index
    %swap3A_41 = vector.load %arg4[%swap3A_39, %swap3A_40] : memref<3125x256xi32, #tpu.memory_space<vmem>>, vector<3125x256xi32>
    tpu.vector_store %arg4[%swap3A_39, %swap3A_40], %select_n3A_38 {strides = array<i32>} : memref<3125x256xi32, #tpu.memory_space<vmem>>, vector<3125x256xi32>,
    %sub3A_42 = arith.constant 37512 : i32
    %sub3A_43 = vector.broadcast %sub3A_42 : i32 to vector<3125x256xi32>
    %sub3A_44 = arith.subi %get3A_1, %sub3A_43 : vector<3125x256xi32>
    %ge3A_45 = arith.constant 0 : i32
    %ge3A_46 = vector.broadcast %ge3A_45 : i32 to vector<3125x256xi32>
    %ge3A_47 = arith.cmpi sge, %sub3A_44, %ge3A_46 : vector<3125x256xi32>
    %lt3A_48 = arith.constant 12488 : i32
    %lt3A_49 = vector.broadcast %lt3A_48 : i32 to vector<3125x256xi32>
    %lt3A_50 = arith.cmpi slt, %sub3A_44, %lt3A_49 : vector<3125x256xi32>
    %and3A_51 = arith.andi %ge3A_47, %lt3A_50 : vector<3125x256xi1>
    %select_n3A_52 = arith.select %and3A_51, %sub3A_44, %add3A_5 : vector<3125x256xi1>, vector<3125x256xi32>
    %swap3A_53 = arith.constant 0 : index
    %swap3A_54 = arith.constant 0 : index
    %swap3A_55 = vector.load %arg5[%swap3A_53, %swap3A_54] : memref<3125x256xi32, #tpu.memory_space<vmem>>, vector<3125x256xi32>
    tpu.vector_store %arg5[%swap3A_53, %swap3A_54], %select_n3A_52 {strides = array<i32>} : memref<3125x256xi32, #tpu.memory_space<vmem>>, vector<3125x256xi32>,
    return
  }
  func.func @transform_0(%arg0: i32) -> (i32, i32) {
    %c0_i32 = arith.constant 0 : i32
    %c0_i32_0 = arith.constant 0 : i32
    %c0_i32_1 = arith.constant 0 : i32
    return %c0_i32, %c0_i32_0 : i32, i32
  }
  func.func @transform_1(%arg0: i32) -> (i32, i32) {
    %c0_i32 = arith.constant 0 : i32
    %c0_i32_0 = arith.constant 0 : i32
    %c0_i32_1 = arith.constant 0 : i32
    return %c0_i32, %c0_i32_0 : i32, i32
  }
  func.func @transform_2(%arg0: i32) -> (i32, i32) {
    %c0_i32 = arith.constant 0 : i32
    %c0_i32_0 = arith.constant 0 : i32
    %c0_i32_1 = arith.constant 0 : i32
    return %c0_i32, %c0_i32_0 : i32, i32
  }
  func.func @transform_3(%arg0: i32) -> (i32, i32) {
    %c0_i32 = arith.constant 0 : i32
    %c0_i32_0 = arith.constant 0 : i32
    %c0_i32_1 = arith.constant 0 : i32
    return %c0_i32, %c0_i32_0 : i32, i32
  }
  func.func @transform_4(%arg0: i32) -> (i32, i32) {
    %c0_i32 = arith.constant 0 : i32
    %c0_i32_0 = arith.constant 0 : i32
    %c0_i32_1 = arith.constant 0 : i32
    return %c0_i32, %c0_i32_0 : i32, i32
  }
}

module attributes {stable_mosaic.version = 14 : i64} {
  func.func @_edge_body(%arg0: i32, %arg1: memref<2000x64xf32, #tpu.memory_space<vmem>>, %arg2: memref<2000x64xf32, #tpu.memory_space<vmem>>, %arg3: memref<2000x1xf32, #tpu.memory_space<vmem>>, %arg4: memref<2000x64xf32, #tpu.memory_space<vmem>>, %arg5: memref<64x64xf32, #tpu.memory_space<vmem>>, %arg6: memref<64x64xf32, #tpu.memory_space<vmem>>, %arg7: memref<1x64xf32, #tpu.memory_space<vmem>>, %arg8: memref<64x64xf32, #tpu.memory_space<vmem>>, %arg9: memref<1x64xf32, #tpu.memory_space<vmem>>, %arg10: memref<64x64xf32, #tpu.memory_space<vmem>>, %arg11: memref<1x64xf32, #tpu.memory_space<vmem>>, %arg12: memref<2000x128xf32, #tpu.memory_space<vmem>>) attributes {dimension_semantics = [#tpu.dimension_semantics<arbitrary>], iteration_bounds = array<i64: 400>, scalar_prefetch = 0 : i64, scratch_operands = 0 : i64, tpu.core_type = #tpu.core_type<tc>, window_params = [{transform_indices = @transform_0, window_bounds = array<i64: 2000, 64>}, {transform_indices = @transform_1, window_bounds = array<i64: 2000, 64>}, {transform_indices = @transform_2, window_bounds = array<i64: 2000, 1>}, {transform_indices = @transform_3, window_bounds = array<i64: 2000, 64>}, {pipeline_mode = #tpu.pipeline_mode<synchronous>, transform_indices = @transform_4, window_bounds = array<i64: 64, 64>}, {pipeline_mode = #tpu.pipeline_mode<synchronous>, transform_indices = @transform_5, window_bounds = array<i64: 64, 64>}, {pipeline_mode = #tpu.pipeline_mode<synchronous>, transform_indices = @transform_6, window_bounds = array<i64: 1, 64>}, {pipeline_mode = #tpu.pipeline_mode<synchronous>, transform_indices = @transform_7, window_bounds = array<i64: 64, 64>}, {pipeline_mode = #tpu.pipeline_mode<synchronous>, transform_indices = @transform_8, window_bounds = array<i64: 1, 64>}, {pipeline_mode = #tpu.pipeline_mode<synchronous>, transform_indices = @transform_9, window_bounds = array<i64: 64, 64>}, {pipeline_mode = #tpu.pipeline_mode<synchronous>, transform_indices = @transform_10, window_bounds = array<i64: 1, 64>}, {transform_indices = @transform_11, window_bounds = array<i64: 2000, 128>}]} {
    %get3A = arith.constant 0 : index
    %get3A_0 = arith.constant 0 : index
    %get3A_1 = vector.load %arg1[%get3A, %get3A_0] : memref<2000x64xf32, #tpu.memory_space<vmem>>, vector<2000x64xf32>
    %get3A_2 = arith.constant 0 : index
    %get3A_3 = arith.constant 0 : index
    %get3A_4 = vector.load %arg2[%get3A_2, %get3A_3] : memref<2000x64xf32, #tpu.memory_space<vmem>>, vector<2000x64xf32>
    %get3A_5 = arith.constant 0 : index
    %get3A_6 = arith.constant 0 : index
    %get3A_7 = vector.load %arg5[%get3A_5, %get3A_6] : memref<64x64xf32, #tpu.memory_space<vmem>>, vector<64x64xf32>
    %dot_general3A = arith.constant dense<0.000000e+00> : vector<2000x64xf32>
    %dot_general3A_8 = tpu.matmul %get3A_4, %get3A_7, %dot_general3A {dimension_numbers = #tpu.dot_dimension_numbers<[1], [0], [0], [1], [0, 0, 1, 1], [], []>, transpose_lhs_hint = false} : vector<2000x64xf32>, vector<64x64xf32>, vector<2000x64xf32> -> vector<2000x64xf32>
    %add3A = arith.addf %get3A_1, %dot_general3A_8 : vector<2000x64xf32>
    %get3A_9 = arith.constant 0 : index
    %get3A_10 = arith.constant 0 : index
    %get3A_11 = vector.load %arg3[%get3A_9, %get3A_10] : memref<2000x1xf32, #tpu.memory_space<vmem>>, vector<2000x1xf32>
    %mul3A = vector.broadcast %get3A_11 : vector<2000x1xf32> to vector<2000x64xf32>
    %mul3A_12 = arith.mulf %add3A, %mul3A : vector<2000x64xf32>
    %logistic3A = arith.negf %mul3A_12 : vector<2000x64xf32>
    %logistic3A_13 = math.exp %logistic3A : vector<2000x64xf32>
    %logistic3A_14 = arith.constant 1.000000e+00 : f32
    %logistic3A_15 = vector.broadcast %logistic3A_14 : f32 to vector<2000x64xf32>
    %logistic3A_16 = arith.addf %logistic3A_15, %logistic3A_13 : vector<2000x64xf32>
    %logistic3A_17 = arith.divf %logistic3A_15, %logistic3A_16 : vector<2000x64xf32>
    %mul3A_18 = arith.mulf %mul3A_12, %logistic3A_17 : vector<2000x64xf32>
    %get3A_19 = arith.constant 0 : index
    %get3A_20 = arith.constant 0 : index
    %get3A_21 = vector.load %arg4[%get3A_19, %get3A_20] : memref<2000x64xf32, #tpu.memory_space<vmem>>, vector<2000x64xf32>
    %get3A_22 = arith.constant 0 : index
    %get3A_23 = arith.constant 0 : index
    %get3A_24 = vector.load %arg6[%get3A_22, %get3A_23] : memref<64x64xf32, #tpu.memory_space<vmem>>, vector<64x64xf32>
    %dot_general3A_25 = arith.constant dense<0.000000e+00> : vector<2000x64xf32>
    %dot_general3A_26 = tpu.matmul %get3A_21, %get3A_24, %dot_general3A_25 {dimension_numbers = #tpu.dot_dimension_numbers<[1], [0], [0], [1], [0, 0, 1, 1], [], []>, transpose_lhs_hint = false} : vector<2000x64xf32>, vector<64x64xf32>, vector<2000x64xf32> -> vector<2000x64xf32>
    %get3A_27 = arith.constant 0 : index
    %get3A_28 = arith.constant 0 : index
    %get3A_29 = vector.load %arg7[%get3A_27, %get3A_28] : memref<1x64xf32, #tpu.memory_space<vmem>>, vector<1x64xf32>
    %add3A_30 = vector.broadcast %get3A_29 : vector<1x64xf32> to vector<2000x64xf32>
    %add3A_31 = arith.addf %dot_general3A_26, %add3A_30 : vector<2000x64xf32>
    %logistic3A_32 = arith.negf %add3A_31 : vector<2000x64xf32>
    %logistic3A_33 = math.exp %logistic3A_32 : vector<2000x64xf32>
    %logistic3A_34 = arith.constant 1.000000e+00 : f32
    %logistic3A_35 = vector.broadcast %logistic3A_34 : f32 to vector<2000x64xf32>
    %logistic3A_36 = arith.addf %logistic3A_35, %logistic3A_33 : vector<2000x64xf32>
    %logistic3A_37 = arith.divf %logistic3A_35, %logistic3A_36 : vector<2000x64xf32>
    %mul3A_38 = arith.mulf %add3A_31, %logistic3A_37 : vector<2000x64xf32>
    %get3A_39 = arith.constant 0 : index
    %get3A_40 = arith.constant 0 : index
    %get3A_41 = vector.load %arg8[%get3A_39, %get3A_40] : memref<64x64xf32, #tpu.memory_space<vmem>>, vector<64x64xf32>
    %dot_general3A_42 = arith.constant dense<0.000000e+00> : vector<2000x64xf32>
    %dot_general3A_43 = tpu.matmul %mul3A_38, %get3A_41, %dot_general3A_42 {dimension_numbers = #tpu.dot_dimension_numbers<[1], [0], [0], [1], [0, 0, 1, 1], [], []>, transpose_lhs_hint = false} : vector<2000x64xf32>, vector<64x64xf32>, vector<2000x64xf32> -> vector<2000x64xf32>
    %get3A_44 = arith.constant 0 : index
    %get3A_45 = arith.constant 0 : index
    %get3A_46 = vector.load %arg9[%get3A_44, %get3A_45] : memref<1x64xf32, #tpu.memory_space<vmem>>, vector<1x64xf32>
    %add3A_47 = vector.broadcast %get3A_46 : vector<1x64xf32> to vector<2000x64xf32>
    %add3A_48 = arith.addf %dot_general3A_43, %add3A_47 : vector<2000x64xf32>
    %logistic3A_49 = arith.negf %add3A_48 : vector<2000x64xf32>
    %logistic3A_50 = math.exp %logistic3A_49 : vector<2000x64xf32>
    %logistic3A_51 = arith.constant 1.000000e+00 : f32
    %logistic3A_52 = vector.broadcast %logistic3A_51 : f32 to vector<2000x64xf32>
    %logistic3A_53 = arith.addf %logistic3A_52, %logistic3A_50 : vector<2000x64xf32>
    %logistic3A_54 = arith.divf %logistic3A_52, %logistic3A_53 : vector<2000x64xf32>
    %mul3A_55 = arith.mulf %add3A_48, %logistic3A_54 : vector<2000x64xf32>
    %get3A_56 = arith.constant 0 : index
    %get3A_57 = arith.constant 0 : index
    %get3A_58 = vector.load %arg10[%get3A_56, %get3A_57] : memref<64x64xf32, #tpu.memory_space<vmem>>, vector<64x64xf32>
    %dot_general3A_59 = arith.constant dense<0.000000e+00> : vector<2000x64xf32>
    %dot_general3A_60 = tpu.matmul %mul3A_55, %get3A_58, %dot_general3A_59 {dimension_numbers = #tpu.dot_dimension_numbers<[1], [0], [0], [1], [0, 0, 1, 1], [], []>, transpose_lhs_hint = false} : vector<2000x64xf32>, vector<64x64xf32>, vector<2000x64xf32> -> vector<2000x64xf32>
    %get3A_61 = arith.constant 0 : index
    %get3A_62 = arith.constant 0 : index
    %get3A_63 = vector.load %arg11[%get3A_61, %get3A_62] : memref<1x64xf32, #tpu.memory_space<vmem>>, vector<1x64xf32>
    %add3A_64 = vector.broadcast %get3A_63 : vector<1x64xf32> to vector<2000x64xf32>
    %add3A_65 = arith.addf %dot_general3A_60, %add3A_64 : vector<2000x64xf32>
    %mul3A_66 = arith.mulf %mul3A_18, %add3A_65 : vector<2000x64xf32>
    %broadcast_in_dim3A = arith.constant 1.000000e+00 : f32
    %broadcast_in_dim3A_67 = vector.broadcast %broadcast_in_dim3A : f32 to vector<2000x1xf32>
    %broadcast_in_dim3A_68 = arith.constant 0.000000e+00 : f32
    %broadcast_in_dim3A_69 = vector.broadcast %broadcast_in_dim3A_68 : f32 to vector<2000x63xf32>
    %concatenate3A = tpu.concatenate %mul3A_66, %broadcast_in_dim3A_67, %broadcast_in_dim3A_69 in 1 : vector<2000x64xf32>, vector<2000x1xf32>, vector<2000x63xf32> -> vector<2000x128xf32>
    %swap3A = arith.constant 0 : index
    %swap3A_70 = arith.constant 0 : index
    %swap3A_71 = vector.load %arg12[%swap3A, %swap3A_70] : memref<2000x128xf32, #tpu.memory_space<vmem>>, vector<2000x128xf32>
    tpu.vector_store %arg12[%swap3A, %swap3A_70], %concatenate3A {strides = array<i32>} : memref<2000x128xf32, #tpu.memory_space<vmem>>, vector<2000x128xf32>,
    return
  }
  func.func @transform_0(%arg0: i32) -> (i32, i32) {
    %c0_i32 = arith.constant 0 : i32
    %c0_i32_0 = arith.constant 0 : i32
    return %arg0, %c0_i32 : i32, i32
  }
  func.func @transform_1(%arg0: i32) -> (i32, i32) {
    %c0_i32 = arith.constant 0 : i32
    %c0_i32_0 = arith.constant 0 : i32
    return %arg0, %c0_i32 : i32, i32
  }
  func.func @transform_2(%arg0: i32) -> (i32, i32) {
    %c0_i32 = arith.constant 0 : i32
    %c0_i32_0 = arith.constant 0 : i32
    return %arg0, %c0_i32 : i32, i32
  }
  func.func @transform_3(%arg0: i32) -> (i32, i32) {
    %c0_i32 = arith.constant 0 : i32
    %c0_i32_0 = arith.constant 0 : i32
    return %arg0, %c0_i32 : i32, i32
  }
  func.func @transform_4(%arg0: i32) -> (i32, i32) {
    %c0_i32 = arith.constant 0 : i32
    %c0_i32_0 = arith.constant 0 : i32
    %c0_i32_1 = arith.constant 0 : i32
    return %c0_i32, %c0_i32_0 : i32, i32
  }
  func.func @transform_5(%arg0: i32) -> (i32, i32) {
    %c0_i32 = arith.constant 0 : i32
    %c0_i32_0 = arith.constant 0 : i32
    %c0_i32_1 = arith.constant 0 : i32
    return %c0_i32, %c0_i32_0 : i32, i32
  }
  func.func @transform_6(%arg0: i32) -> (i32, i32) {
    %c0_i32 = arith.constant 0 : i32
    %c0_i32_0 = arith.constant 0 : i32
    %c0_i32_1 = arith.constant 0 : i32
    return %c0_i32, %c0_i32_0 : i32, i32
  }
  func.func @transform_7(%arg0: i32) -> (i32, i32) {
    %c0_i32 = arith.constant 0 : i32
    %c0_i32_0 = arith.constant 0 : i32
    %c0_i32_1 = arith.constant 0 : i32
    return %c0_i32, %c0_i32_0 : i32, i32
  }
  func.func @transform_8(%arg0: i32) -> (i32, i32) {
    %c0_i32 = arith.constant 0 : i32
    %c0_i32_0 = arith.constant 0 : i32
    %c0_i32_1 = arith.constant 0 : i32
    return %c0_i32, %c0_i32_0 : i32, i32
  }
  func.func @transform_9(%arg0: i32) -> (i32, i32) {
    %c0_i32 = arith.constant 0 : i32
    %c0_i32_0 = arith.constant 0 : i32
    %c0_i32_1 = arith.constant 0 : i32
    return %c0_i32, %c0_i32_0 : i32, i32
  }
  func.func @transform_10(%arg0: i32) -> (i32, i32) {
    %c0_i32 = arith.constant 0 : i32
    %c0_i32_0 = arith.constant 0 : i32
    %c0_i32_1 = arith.constant 0 : i32
    return %c0_i32, %c0_i32_0 : i32, i32
  }
  func.func @transform_11(%arg0: i32) -> (i32, i32) {
    %c0_i32 = arith.constant 0 : i32
    %c0_i32_0 = arith.constant 0 : i32
    return %arg0, %c0_i32 : i32, i32
  }
}

module attributes {stable_mosaic.version = 14 : i64} {
  func.func @_node_post_body(%arg0: i32, %arg1: memref<2000x128xf32, #tpu.memory_space<vmem>>, %arg2: memref<2000x64xf32, #tpu.memory_space<vmem>>, %arg3: memref<64x64xf32, #tpu.memory_space<vmem>>, %arg4: memref<2000x64xf32, #tpu.memory_space<vmem>>, %arg5: memref<1x64xf32, #tpu.memory_space<vmem>>, %arg6: memref<1x1xf32, #tpu.memory_space<vmem>>) attributes {dimension_semantics = [#tpu.dimension_semantics<arbitrary>], iteration_bounds = array<i64: 25>, scalar_prefetch = 0 : i64, scratch_operands = 0 : i64, tpu.core_type = #tpu.core_type<tc>, window_params = [{transform_indices = @transform_0, window_bounds = array<i64: 2000, 128>}, {transform_indices = @transform_1, window_bounds = array<i64: 2000, 64>}, {pipeline_mode = #tpu.pipeline_mode<synchronous>, transform_indices = @transform_2, window_bounds = array<i64: 64, 64>}, {transform_indices = @transform_3, window_bounds = array<i64: 2000, 64>}, {pipeline_mode = #tpu.pipeline_mode<synchronous>, transform_indices = @transform_4, window_bounds = array<i64: 1, 64>}, {pipeline_mode = #tpu.pipeline_mode<synchronous>, transform_indices = @transform_5, window_bounds = array<i64: 1, 1>}]} {
    %get3A = arith.constant 0 : index
    %get3A_0 = arith.constant 64 : index
    %get3A_1 = vector.load %arg1[%get3A, %get3A_0] : memref<2000x128xf32, #tpu.memory_space<vmem>>, vector<2000x1xf32>
    %max3A = arith.constant 1.000000e+00 : f32
    %max3A_2 = vector.broadcast %max3A : f32 to vector<2000x1xf32>
    %max3A_3 = arith.maximumf %get3A_1, %max3A_2 : vector<2000x1xf32>
    %get3A_4 = arith.constant 0 : index
    %get3A_5 = arith.constant 0 : index
    %get3A_6 = vector.load %arg1[%get3A_4, %get3A_5] : memref<2000x128xf32, #tpu.memory_space<vmem>>, vector<2000x64xf32>
    %div3A = vector.broadcast %max3A_3 : vector<2000x1xf32> to vector<2000x64xf32>
    %div3A_7 = arith.divf %get3A_6, %div3A : vector<2000x64xf32>
    %get3A_8 = arith.constant 0 : index
    %get3A_9 = arith.constant 0 : index
    %get3A_10 = vector.load %arg3[%get3A_8, %get3A_9] : memref<64x64xf32, #tpu.memory_space<vmem>>, vector<64x64xf32>
    %dot_general3A = arith.constant dense<0.000000e+00> : vector<2000x64xf32>
    %dot_general3A_11 = tpu.matmul %div3A_7, %get3A_10, %dot_general3A {dimension_numbers = #tpu.dot_dimension_numbers<[1], [0], [0], [1], [0, 0, 1, 1], [], []>, transpose_lhs_hint = false} : vector<2000x64xf32>, vector<64x64xf32>, vector<2000x64xf32> -> vector<2000x64xf32>
    %get3A_12 = arith.constant 0 : index
    %get3A_13 = arith.constant 0 : index
    %get3A_14 = vector.load %arg2[%get3A_12, %get3A_13] : memref<2000x64xf32, #tpu.memory_space<vmem>>, vector<2000x64xf32>
    %add3A = arith.addf %dot_general3A_11, %get3A_14 : vector<2000x64xf32>
    %swap3A = arith.constant 0 : index
    %swap3A_15 = arith.constant 0 : index
    %swap3A_16 = vector.load %arg4[%swap3A, %swap3A_15] : memref<2000x64xf32, #tpu.memory_space<vmem>>, vector<2000x64xf32>
    tpu.vector_store %arg4[%swap3A, %swap3A_15], %add3A {strides = array<i32>} : memref<2000x64xf32, #tpu.memory_space<vmem>>, vector<2000x64xf32>,
    %eq3A = arith.constant 0 : i32
    %eq3A_17 = arith.cmpi eq, %arg0, %eq3A : i32
    %convert_element_type3A = arith.extui %eq3A_17 : i1 to i32
    %cond3A = arith.constant 0 : i32
    %cond3A_18 = arith.cmpi ne, %convert_element_type3A, %cond3A : i32
    scf.if %cond3A_18 {
      %broadcast_in_dim3A_39 = arith.constant 0.000000e+00 : f32
      %broadcast_in_dim3A_40 = vector.broadcast %broadcast_in_dim3A_39 : f32 to vector<1x64xf32>
      %swap3A_41 = arith.constant 0 : index
      %swap3A_42 = arith.constant 0 : index
      %swap3A_43 = vector.load %arg5[%swap3A_41, %swap3A_42] : memref<1x64xf32, #tpu.memory_space<vmem>>, vector<1x64xf32>
      tpu.vector_store %arg5[%swap3A_41, %swap3A_42], %broadcast_in_dim3A_40 {strides = array<i32>} : memref<1x64xf32, #tpu.memory_space<vmem>>, vector<1x64xf32>,
      %broadcast_in_dim3A_44 = arith.constant 0.000000e+00 : f32
      %broadcast_in_dim3A_45 = vector.broadcast %broadcast_in_dim3A_44 : f32 to vector<1x1xf32>
      %swap3A_46 = arith.constant 0 : index
      %swap3A_47 = arith.constant 0 : index
      %swap3A_48 = vector.load %arg6[%swap3A_46, %swap3A_47] : memref<1x1xf32, #tpu.memory_space<vmem>>, vector<1x1xf32>
      tpu.vector_store %arg6[%swap3A_46, %swap3A_47], %broadcast_in_dim3A_45 {strides = array<i32>} : memref<1x1xf32, #tpu.memory_space<vmem>>, vector<1x1xf32>,
    } else {
    }
    %get3A_19 = arith.constant 0 : index
    %get3A_20 = arith.constant 0 : index
    %get3A_21 = vector.load %arg5[%get3A_19, %get3A_20] : memref<1x64xf32, #tpu.memory_space<vmem>>, vector<1x64xf32>
    %reduce_sum3A = arith.constant dense<0.000000e+00> : vector<64xf32>
    %reduce_sum3A_22 = vector.multi_reduction <add>, %add3A, %reduce_sum3A [0] : vector<2000x64xf32> to vector<64xf32>
    %broadcast_in_dim3A = vector.shape_cast %reduce_sum3A_22 : vector<64xf32> to vector<1x64xf32>
    %add3A_23 = arith.addf %get3A_21, %broadcast_in_dim3A : vector<1x64xf32>
    %swap3A_24 = arith.constant 0 : index
    %swap3A_25 = arith.constant 0 : index
    %swap3A_26 = vector.load %arg5[%swap3A_24, %swap3A_25] : memref<1x64xf32, #tpu.memory_space<vmem>>, vector<1x64xf32>
    tpu.vector_store %arg5[%swap3A_24, %swap3A_25], %add3A_23 {strides = array<i32>} : memref<1x64xf32, #tpu.memory_space<vmem>>, vector<1x64xf32>,
    %get3A_27 = arith.constant 0 : index
    %get3A_28 = arith.constant 0 : index
    %get3A_29 = vector.load %arg6[%get3A_27, %get3A_28] : memref<1x1xf32, #tpu.memory_space<vmem>>, vector<1x1xf32>
    %mul3A = arith.mulf %add3A, %add3A : vector<2000x64xf32>
    %reduce_sum3A_30 = vector.shape_cast %mul3A : vector<2000x64xf32> to vector<1x2000x64xf32>
    %reduce_sum3A_31 = arith.constant dense<0.000000e+00> : vector<1xf32>
    %reduce_sum3A_32 = vector.multi_reduction <add>, %reduce_sum3A_30, %reduce_sum3A_31 [1, 2] : vector<1x2000x64xf32> to vector<1xf32>
    %reduce_sum3A_33 = vector.shape_cast %reduce_sum3A_32 : vector<1xf32> to vector<1x1x1xf32>
    %reduce_sum3A_34 = vector.extract %reduce_sum3A_33[0, 0, 0] : f32 from vector<1x1x1xf32>
    %reshape3A = vector.broadcast %reduce_sum3A_34 : f32 to vector<1x1xf32>
    %add3A_35 = arith.addf %get3A_29, %reshape3A : vector<1x1xf32>
    %swap3A_36 = arith.constant 0 : index
    %swap3A_37 = arith.constant 0 : index
    %swap3A_38 = vector.load %arg6[%swap3A_36, %swap3A_37] : memref<1x1xf32, #tpu.memory_space<vmem>>, vector<1x1xf32>
    tpu.vector_store %arg6[%swap3A_36, %swap3A_37], %add3A_35 {strides = array<i32>} : memref<1x1xf32, #tpu.memory_space<vmem>>, vector<1x1xf32>,
    return
  }
  func.func @transform_0(%arg0: i32) -> (i32, i32) {
    %c0_i32 = arith.constant 0 : i32
    %c0_i32_0 = arith.constant 0 : i32
    return %arg0, %c0_i32 : i32, i32
  }
  func.func @transform_1(%arg0: i32) -> (i32, i32) {
    %c0_i32 = arith.constant 0 : i32
    %c0_i32_0 = arith.constant 0 : i32
    return %arg0, %c0_i32 : i32, i32
  }
  func.func @transform_2(%arg0: i32) -> (i32, i32) {
    %c0_i32 = arith.constant 0 : i32
    %c0_i32_0 = arith.constant 0 : i32
    %c0_i32_1 = arith.constant 0 : i32
    return %c0_i32, %c0_i32_0 : i32, i32
  }
  func.func @transform_3(%arg0: i32) -> (i32, i32) {
    %c0_i32 = arith.constant 0 : i32
    %c0_i32_0 = arith.constant 0 : i32
    return %arg0, %c0_i32 : i32, i32
  }
  func.func @transform_4(%arg0: i32) -> (i32, i32) {
    %c0_i32 = arith.constant 0 : i32
    %c0_i32_0 = arith.constant 0 : i32
    %c0_i32_1 = arith.constant 0 : i32
    return %c0_i32, %c0_i32_0 : i32, i32
  }
  func.func @transform_5(%arg0: i32) -> (i32, i32) {
    %c0_i32 = arith.constant 0 : i32
    %c0_i32_0 = arith.constant 0 : i32
    %c0_i32_1 = arith.constant 0 : i32
    return %c0_i32, %c0_i32_0 : i32, i32
  }
}

module attributes {stable_mosaic.version = 14 : i64} {
  func.func @_ln_body(%arg0: i32, %arg1: memref<2000x64xf32, #tpu.memory_space<vmem>>, %arg2: memref<1x64xf32, #tpu.memory_space<vmem>>, %arg3: memref<1x1xf32, #tpu.memory_space<vmem>>, %arg4: memref<1x64xf32, #tpu.memory_space<vmem>>, %arg5: memref<1x64xf32, #tpu.memory_space<vmem>>, %arg6: memref<2000x64xf32, #tpu.memory_space<vmem>>) attributes {dimension_semantics = [#tpu.dimension_semantics<arbitrary>], iteration_bounds = array<i64: 25>, scalar_prefetch = 0 : i64, scratch_operands = 0 : i64, tpu.core_type = #tpu.core_type<tc>, window_params = [{transform_indices = @transform_0, window_bounds = array<i64: 2000, 64>}, {pipeline_mode = #tpu.pipeline_mode<synchronous>, transform_indices = @transform_1, window_bounds = array<i64: 1, 64>}, {pipeline_mode = #tpu.pipeline_mode<synchronous>, transform_indices = @transform_2, window_bounds = array<i64: 1, 1>}, {pipeline_mode = #tpu.pipeline_mode<synchronous>, transform_indices = @transform_3, window_bounds = array<i64: 1, 64>}, {pipeline_mode = #tpu.pipeline_mode<synchronous>, transform_indices = @transform_4, window_bounds = array<i64: 1, 64>}, {transform_indices = @transform_5, window_bounds = array<i64: 2000, 64>}]} {
    %get3A = arith.constant 0 : index
    %get3A_0 = arith.constant 0 : index
    %get3A_1 = vector.load %arg2[%get3A, %get3A_0] : memref<1x64xf32, #tpu.memory_space<vmem>>, vector<1x64xf32>
    %div3A = arith.constant 5.000000e+04 : f32
    %div3A_2 = vector.broadcast %div3A : f32 to vector<1x64xf32>
    %div3A_3 = arith.divf %get3A_1, %div3A_2 : vector<1x64xf32>
    %get3A_4 = arith.constant 0 : index
    %get3A_5 = arith.constant 0 : index
    %get3A_6 = vector.load %arg3[%get3A_4, %get3A_5] : memref<1x1xf32, #tpu.memory_space<vmem>>, vector<1x1xf32>
    %get3A_7 = vector.extract %get3A_6[0, 0] : f32 from vector<1x1xf32>
    %div3A_8 = arith.constant 3.200000e+06 : f32
    %div3A_9 = arith.divf %get3A_7, %div3A_8 : f32
    %mul3A = arith.mulf %div3A_3, %div3A_3 : vector<1x64xf32>
    %reduce_sum3A = vector.shape_cast %mul3A : vector<1x64xf32> to vector<1x1x64xf32>
    %reduce_sum3A_10 = arith.constant dense<0.000000e+00> : vector<1xf32>
    %reduce_sum3A_11 = vector.multi_reduction <add>, %reduce_sum3A, %reduce_sum3A_10 [1, 2] : vector<1x1x64xf32> to vector<1xf32>
    %reduce_sum3A_12 = vector.shape_cast %reduce_sum3A_11 : vector<1xf32> to vector<1x1x1xf32>
    %reduce_sum3A_13 = vector.extract %reduce_sum3A_12[0, 0, 0] : f32 from vector<1x1x1xf32>
    %div3A_14 = arith.constant 6.400000e+01 : f32
    %div3A_15 = arith.divf %reduce_sum3A_13, %div3A_14 : f32
    %sub3A = arith.subf %div3A_9, %div3A_15 : f32
    %add3A = arith.constant 9.99999974E-6 : f32
    %add3A_16 = arith.addf %sub3A, %add3A : f32
    %rsqrt3A = math.rsqrt %add3A_16 : f32
    %get3A_17 = arith.constant 0 : index
    %get3A_18 = arith.constant 0 : index
    %get3A_19 = vector.load %arg1[%get3A_17, %get3A_18] : memref<2000x64xf32, #tpu.memory_space<vmem>>, vector<2000x64xf32>
    %sub3A_20 = vector.broadcast %div3A_3 : vector<1x64xf32> to vector<2000x64xf32>
    %sub3A_21 = arith.subf %get3A_19, %sub3A_20 : vector<2000x64xf32>
    %mul3A_22 = vector.broadcast %rsqrt3A : f32 to vector<2000x64xf32>
    %mul3A_23 = arith.mulf %sub3A_21, %mul3A_22 : vector<2000x64xf32>
    %get3A_24 = arith.constant 0 : index
    %get3A_25 = arith.constant 0 : index
    %get3A_26 = vector.load %arg4[%get3A_24, %get3A_25] : memref<1x64xf32, #tpu.memory_space<vmem>>, vector<1x64xf32>
    %mul3A_27 = vector.broadcast %get3A_26 : vector<1x64xf32> to vector<2000x64xf32>
    %mul3A_28 = arith.mulf %mul3A_23, %mul3A_27 : vector<2000x64xf32>
    %get3A_29 = arith.constant 0 : index
    %get3A_30 = arith.constant 0 : index
    %get3A_31 = vector.load %arg5[%get3A_29, %get3A_30] : memref<1x64xf32, #tpu.memory_space<vmem>>, vector<1x64xf32>
    %add3A_32 = vector.broadcast %get3A_31 : vector<1x64xf32> to vector<2000x64xf32>
    %add3A_33 = arith.addf %mul3A_28, %add3A_32 : vector<2000x64xf32>
    %swap3A = arith.constant 0 : index
    %swap3A_34 = arith.constant 0 : index
    %swap3A_35 = vector.load %arg6[%swap3A, %swap3A_34] : memref<2000x64xf32, #tpu.memory_space<vmem>>, vector<2000x64xf32>
    tpu.vector_store %arg6[%swap3A, %swap3A_34], %add3A_33 {strides = array<i32>} : memref<2000x64xf32, #tpu.memory_space<vmem>>, vector<2000x64xf32>,
    return
  }
  func.func @transform_0(%arg0: i32) -> (i32, i32) {
    %c0_i32 = arith.constant 0 : i32
    %c0_i32_0 = arith.constant 0 : i32
    return %arg0, %c0_i32 : i32, i32
  }
  func.func @transform_1(%arg0: i32) -> (i32, i32) {
    %c0_i32 = arith.constant 0 : i32
    %c0_i32_0 = arith.constant 0 : i32
    %c0_i32_1 = arith.constant 0 : i32
    return %c0_i32, %c0_i32_0 : i32, i32
  }
  func.func @transform_2(%arg0: i32) -> (i32, i32) {
    %c0_i32 = arith.constant 0 : i32
    %c0_i32_0 = arith.constant 0 : i32
    %c0_i32_1 = arith.constant 0 : i32
    return %c0_i32, %c0_i32_0 : i32, i32
  }
  func.func @transform_3(%arg0: i32) -> (i32, i32) {
    %c0_i32 = arith.constant 0 : i32
    %c0_i32_0 = arith.constant 0 : i32
    %c0_i32_1 = arith.constant 0 : i32
    return %c0_i32, %c0_i32_0 : i32, i32
  }
  func.func @transform_4(%arg0: i32) -> (i32, i32) {
    %c0_i32 = arith.constant 0 : i32
    %c0_i32_0 = arith.constant 0 : i32
    %c0_i32_1 = arith.constant 0 : i32
    return %c0_i32, %c0_i32_0 : i32, i32
  }
  func.func @transform_5(%arg0: i32) -> (i32, i32) {
    %c0_i32 = arith.constant 0 : i32
    %c0_i32_0 = arith.constant 0 : i32
    return %arg0, %c0_i32 : i32, i32
  }
}

</mosaic_0001>

<sc_bundles>
// kernel: kernel.12.cloned.1.call-start
scs
__scs_entry_jumppad:
0x0: {  	(pc) =	sbr.rel $0x88, $3  }
0x1: {  	(tag) =	ssettag $0x0;
	lr =	simm.s32 $0x1  }
0x2: {  	[smem:$0x3F8F] =	sst lr;
	_ =	strace $0xD0000000  }
0x3: {  	_ = 	snop  }
0x4: {  	_ = 	snop  }
0x5: {  	_ = 	snop  }
0x6: {  	_ = 	snop  }
0x7: {  	_ = 	snop  }
__scs_overlays_trampoline_lowered:
0x8: {  	[smem:$0x3F9E] =	sst s0  }
0x9: {  	[smem:$0x3F9F] =	sst s1  }
0xa: {  	[smem:$0x3FA0] =	sst s2  }
0xb: {  	[smem:$0x3FA1] =	sst s3  }
0xc: {  	[smem:$0x3FA2] =	sst s4  }
0xd: {  	[smem:$0x3FA3] =	sst s5  }
0xe: {  	[smem:$0x3FA4] =	sst s6  }
0xf: {  	[smem:$0x3FA5] =	sst s7  }
0x10: {  	[smem:$0x3FA6] =	sst s8  }
0x11: {  	[smem:$0x3FA7] =	sst s9;
	s0 =	simm.s32 @!p0 $0x0  }
0x12: {  	s1 =	sld [smem:$0x3F8D];
	s0 =	simm.s32 @p0 $0x1  }
0x13: {  	[smem:$0x3FA8] =	sst s0;
	s0 =	simm.s32 @!p1 $0x0  }
0x14: {  	s2 =	sld [smem:$0x3F8C];
	s0 =	simm.s32 @p1 $0x1  }
0x15: {  	[smem:$0x3FA9] =	sst s0;
	s0 =	simm.s32 @!p2 $0x0  }
0x16: {  	s3 =	sld [smem:$0x3FDB];
	s0 =	simm.s32 @p2 $0x1  }
0x17: {  	s4 =	simm.s32 $0x1BF5;
	[smem:$0x3FAB] =	sst s0  }
0x18: {  	s0 =	sld [smem:$0x3F8E];
	_ =	swait.ge [sflag:s4], $0x0  }
0x19: {  	s7 =	sld [smem:$0x3F8F]  }
0x1a: {  	s8 =	sadd.s32 $0xFFFFE003, lr  }
0x1b: {  	s9 =	sadd.s32 $0xFFFFFEF7, lr;
	s5 =	simm.s32 $0xFFFFFFFF;
	p2 =	slt.u32 s8, $0xFFFFF086  }
0x1c: {  	p1 =	slt.u32 s9, $0xF7A;
	s5 =	simm.s32 @!p2 $0x0  }
0x1d: {  	s5 =	simm.s32 @p1 $0x1;
	p0 =	seq.s32 s7, s2  }
0x1e: {  	s7 =	smul.u32 @!p0 $0xF7A, s2;
	p2 =	seq.s32 @!p0 s5, $0x0  }
0x1f: {  	s9 =	smul.u32 $0xF7A, s1;
	s8 =	simm.s32 @!p0 $0x1BF5;
	p2 =	por !p2, p0  }
0x20: {  	[sflag:s8] =	ssyncset.s32 @!p0 $0xFFFFF086;
	s6 =	sadd.s32 @!p0 s3, s7;
	s7 =	simm.s32 @!p0 $0x108  }
0x21: {  	s3 =	sadd.s32 s3, s9;
	s6 =	sadd.s32 @!p0 $0x88, s6;
	s7 =	simm.s32 @p2 $0x1082  }
0x22: {  	[simem:s7], [sflag:s8] =	dma.local @!p0 [hbm:s6], $0xF7A  }
0x23: {  	s9 =	sor.u32 $0xD0000000, s2;
	s6 =	simm.s32 $0x108;
	_ =	swait.ge @!p0 [sflag:s8], $0x0  }
0x24: {  	s3 =	sadd.s32 $0x88, s3;
	s6 =	simm.s32 @!p1 $0x1082;
	[sflag:s4] =	ssyncset.s32 $0xFFFFF086  }
0x25: {  	[simem:s6], [sflag:s4] =	dma.local [hbm:s3], $0xF7A  }
0x26: {  	[smem:$0x3F8F] =	sst s1;
	(tag) =	ssettag s2;
	_ =	strace s9  }
0x27: {  	s1 =	sld [smem:$0x3F9F]  }
0x28: {  	s2 =	sld [smem:$0x3FA0]  }
0x29: {  	s4 =	sld [smem:$0x3FA2]  }
0x2a: {  	p0 =	seq.s32 s5, $0x0;
	s5 =	sld [smem:$0x3FA3]  }
0x2b: {  	s6 =	sld [smem:$0x3FA4]  }
0x2c: {  	s7 =	sld [smem:$0x3FA5]  }
0x2d: {  	s3 =	simm.s32 $0x108;
	s8 =	sld [smem:$0x3FA6]  }
0x2e: {  	s3 =	simm.s32 @!p0 $0x1082;
	s9 =	sld [smem:$0x3FA7]  }
0x2f: {  	lr =	sadd.s32 s0, s3;
	s0 =	sld [smem:$0x3F9E]  }
0x30: {  	s3 =	sld [smem:$0x3FA1]  }
0x31: {  	[smem:$0x3FAA] =	sst s10  }
0x32: {  	s10 =	sld [smem:$0x3FA8];
	_ =	sdelay $0x3  }
0x33: {  	p0 =	seq.s32 s10, $0x1;
	s10 =	sld [smem:$0x3FAA];
	_ =	sdelay $0x3  }
0x34: {  	[smem:$0x3FAA] =	sst s10  }
0x35: {  	s10 =	sld [smem:$0x3FA9];
	_ =	sdelay $0x3  }
0x36: {  	p1 =	seq.s32 s10, $0x1;
	s10 =	sld [smem:$0x3FAA];
	_ =	sdelay $0x3  }
0x37: {  	[smem:$0x3FAA] =	sst s10  }
0x38: {  	s10 =	sld [smem:$0x3FAB]  }
0x39: {  	_ = 	snop;
	(pc) =	sbr.ind lr, $3  }
0x3a: {  	_ = 	snop  }
0x3b: {  	_ = 	snop  }
0x3c: {  	p2 =	seq.s32 s10, $0x1;
	s10 =	sld [smem:$0x3FAA]  }
0x3d: {  	_ =	shalt  }
0x3e: {  	_ =	shalt  }
0x3f: {  	_ =	shalt  }
0x40: {  	_ =	shalt  }
0x41: {  	_ =	shalt  }
0x42: {  	_ =	shalt  }
0x43: {  	_ =	shalt  }
0x44: {  	_ =	shalt  }
0x45: {  	_ =	shalt  }
0x46: {  	_ =	shalt  }
0x47: {  	_ =	shalt  }
0x48: {  	_ =	shalt  }
0x49: {  	_ =	shalt  }
0x4a: {  	_ =	shalt  }
0x4b: {  	_ =	shalt  }
0x4c: {  	_ =	shalt  }
0x4d: {  	_ =	shalt  }
0x4e: {  	_ =	shalt  }
0x4f: {  	_ =	shalt  }
0x50: {  	_ =	shalt  }
0x51: {  	_ =	shalt  }
0x52: {  	_ =	shalt  }
0x53: {  	_ =	shalt  }
0x54: {  	_ =	shalt  }
0x55: {  	_ =	shalt  }
0x56: {  	_ =	shalt  }
0x57: {  	_ =	shalt  }
0x58: {  	_ =	shalt  }
0x59: {  	_ =	shalt  }
0x5a: {  	_ =	shalt  }
0x5b: {  	_ =	shalt  }
0x5c: {  	_ =	shalt  }
0x5d: {  	_ =	shalt  }
0x5e: {  	_ =	shalt  }
0x5f: {  	_ =	shalt  }
0x60: {  	_ =	shalt  }
0x61: {  	_ =	shalt  }
0x62: {  	_ =	shalt  }
0x63: {  	_ =	shalt  }
0x64: {  	_ =	shalt  }
0x65: {  	_ =	shalt  }
0x66: {  	_ =	shalt  }
0x67: {  	_ =	shalt  }
0x68: {  	_ =	shalt  }
0x69: {  	_ =	shalt  }
0x6a: {  	_ =	shalt  }
0x6b: {  	_ =	shalt  }
0x6c: {  	_ =	shalt  }
0x6d: {  	_ =	shalt  }
0x6e: {  	_ =	shalt  }
0x6f: {  	_ =	shalt  }
0x70: {  	_ =	shalt  }
0x71: {  	_ =	shalt  }
0x72: {  	_ =	shalt  }
0x73: {  	_ =	shalt  }
0x74: {  	_ =	shalt  }
0x75: {  	_ =	shalt  }
0x76: {  	_ =	shalt  }
0x77: {  	_ =	shalt  }
0x78: {  	_ =	shalt  }
0x79: {  	_ =	shalt  }
0x7a: {  	_ =	shalt  }
0x7b: {  	_ =	shalt  }
0x7c: {  	_ =	shalt  }
0x7d: {  	_ =	shalt  }
0x7e: {  	_ =	shalt  }
0x7f: {  	_ =	shalt  }
0x80: {  	_ =	shalt  }
0x81: {  	_ =	shalt  }
0x82: {  	_ =	shalt  }
0x83: {  	_ =	shalt  }
0x84: {  	_ =	shalt  }
0x85: {  	_ =	shalt  }
0x86: {  	_ =	shalt  }
0x87: {  	_ =	shalt  }
.Lfunc_end0:
.L_simem_size_0:
called_computation.1_lowered:
.L_overlay_start_0:
0x88: {  	s2 =	sld [smem:$0x3FD9]  }
0x89: {  	s3 =	sld [smem:$0x3FFE];
	_ =	sdelay $0x1  }
0x8a: {  	s1 =	srdreg.scid  }
0x8b: {  	s0 =	sand.u32 $0x1, s1  }
0x8c: {  	s17 =	sshll.u32 s0, $0xA;
	s2 =	sadd.s32 s3, s2  }
0x8d: {  	s2 =	sadd.s32 s2, s17  }
0x8e: {  	[smem:$0x3FB6] =	sst s2  }
0x8f: {  	_ = 	snop  }
0x90: {  	s2 =	sld [smem:$0x3FD0];
	(tm) =	ssettm $0x1  }
0x91: {  	s18 =	sld [smem:$0x3FFB];
	_ =	sdelay $0x3  }
0x92: {  	_ =	strace s18  }
0x93: {  	s3 =	sld [smem:$0x3FFC];
	_ =	sdelay $0x3  }
0x94: {  	_ =	strace s3  }
0x95: {  	s3 =	sld [smem:$0x3FFD];
	_ =	sdelay $0x3  }
0x96: {  	_ =	strace s3  }
0x97: {  	_ =	strace $0x8FFFFFFF  }
0x98: {  	s19 =	sld [smem:$0x3FDB];
	_ =	sdelay $0x1  }
0x99: {  	s4 =	simm.s32 $_scs_section_size  }
0x9a: {  	s5 =	simm.s32 $_size__tile_overlayer_lowered;
	s6 =	simm.s32 $_tile_overlayer_lowered  }
0x9b: {  	s22 =	simm.s32 $0x1BFF;
	s21 =	sshll.u32 s6, $0x1;
	s3 =	sadd.s32 s4, s19  }
0x9c: {  	s7 =	simm.s32 $0x0;
	s20 =	sshll.u32 s5, $0x1;
	s5 =	sadd.s32 s21, s3  }
0x9d: {  	[timem:s7], [sflag:s22] =	dma.local [hbm:s5], s20  }
0x9e: {  	_ =	swait.ge [sflag:s22], s20  }
0x9f: {  	s4 =	ssub.s32 $0x0, s20;
	[sflag:s22] =	ssyncset.done $0x0  }
0xa0: {  	[sflag:s22] =	ssyncadd.s32 s4;
	_ =	sdelay $0x1  }
0xa1: {  	s23 =	simm.s32 $0x1B8B  }
0xa2: {  	_ =	swait.ge [sflag:s23], $0x1  }
0xa3: {  	[sflag:s23] =	ssyncset.done $0x0  }
0xa4: {  	s25 =	simm.s32 $0x1B8E;
	s24 =	sld [smem:$0x3FFE];
	[sflag:s23] =	ssyncadd.s32 $0xFFFFFFFF  }
0xa5: {  	s26 =	simm.s32 $execute0_lowered;
	[smem:$0x3FD2] =	sst s25  }
0xa6: {  	s5 =	sshll.u32 s26, $0x1;
	_ =	strace $0x80000049;
	[dreg:$0x1] =	wrdreg $0xFFFFFFFF  }
0xa7: {  	s28 =	simm.s32 $_size_execute0_lowered;
	s3 =	sadd.s32 s3, s5;
	[dreg:$0x0] =	wrdreg $0x0  }
0xa8: {  	s5 =	sshll.u32 s28, $0x1;
	[dreg:$0x2] =	wrdreg s3  }
0xa9: {  	[dreg:$0x3] =	wrdreg s5  }
0xaa: {  	[dreg:$0x4] =	wrdreg $0xC0  }
0xab: {  	_ =	task [dreg:s7], $0x5FFFF  }
0xac: {  	[dreg:$0x1] =	wrdreg $0xFFFFFFFF  }
0xad: {  	[dreg:$0x0] =	wrdreg $0x60  }
0xae: {  	[dreg:$0x2] =	wrdreg s24  }
0xaf: {  	[dreg:$0x3] =	wrdreg s2  }
0xb0: {  	[dreg:$0x4] =	wrdreg $0x5D800  }
0xb1: {  	[dreg:$0x5] =	wrdreg $0x9  }
0xb2: {  	_ =	task.clear_ibuf [dreg:s7], $0x6FFFF;
	_ =	strace $0x90000049  }
0xb3: {  	s29 =	simm.s32 $0x9;
	_ =	strace $0x8000004B  }
0xb4: {  	_ =	swait.ge [sflag:s29], $0x1  }
0xb5: {  	[sflag:s29] =	ssyncadd.s32 $0xFFFFFFFF  }
0xb6: {  	_ =	strace $0x9000004B  }
0xb7: {  	_ =	sfence  }
0xb8: {  	s30 =	sld [smem:$0x0];
	_ =	sdelay $0x2  }
0xb9: {  	s31 =	sshll.u32 s1, $0xD;
	s1 =	sshrl.u32 s1, $0x2  }
0xba: {  	s3 =	sand.u32 $0x4000, s31;
	s1 =	sadd.s32 s1, s30  }
0xbb: {  	s0 =	sor.u32 s3, s0;
	s1 =	sshll.u32 s1, $0x11  }
0xbc: {  	s0 =	sor.u32 s1, s0  }
0xbd: {  	s0 =	sadd.s32 $0x8F2B, s0  }
0xbe: {  	[sflag:s0] =	ssyncadd.remote.s32 $0x1  }
0xbf: {  	_ =	sfence.sel $0xFFFF  }
0xc0: {  	[dreg:$0x0] =	wrdreg $0xFFFFFFFF;
	(pc) =	sbr.abs _section_cstart, $3  }
0xc1: {  	[dreg:$0x1] =	wrdreg $0xFFFFFFFF  }
0xc2: {  	_ =	task.clear_ibuf [dreg:s7], $0x2FFFF;
	_ =	strace $0x9FFFFFFF  }
0xc3: {  	(tm) =	ssettm $0x7FFFFFFF  }
tec
execute0_lowered:
.L_overlay_start_1:
0x0: {  	(tag) =	ssettag $0x1  }
0x1: {  	s0 =	rddreg [dreg:$0x0]  }
0x2: {  	s3 =	rddreg [dreg:$0x1]  }
0x3: {  	s1 =	rddreg [dreg:$0x2];
	s2 =	simm.s32 $0x0;
	s4 =	srdreg.scid  }
0x4: {  	s19 =	stileid.u32;
	s28 =	simm.s32 $0x2000;
	s29 =	simm.s32 $0x4080  }
0x5: {  	s30 =	simm.s32 $0x2080;
	s31 =	simm.s32 $0x2;
	[smem:$0x7FF] =	sst s2  }
0x6: {  	s6 =	sadd.s32 $0x33FDA00, s0;
	s7 =	sadd.s32 $0x4D600, s0;
	s8 =	sadd.s32 $0x3E00, s0  }
0x7: {  	s9 =	sand.u32 $0x1, s4;
	s10 =	sadd.s32 $0x1C600, s0;
	s11 =	sadd.s32 $0x34E00, s0  }
0x8: {  	s4 =	sadd.s32 $0x2E00, s0;
	s14 =	sadd.s32 $0x65E00, s0;
	s17 =	sshll.u32 s19, $0xA  }
0x9: {  	s15 =	sshll.u32 s19, $0x3;
	s16 =	sadd.s32 $0x619, s3;
	s0 =	sadd.s32 $0xC7800, s0  }
0xa: {  	s22 =	smul.u32 $0x3100, s19;
	p2 =	seq.s32 s19, $0xF;
	_ =	strace $0x8000004A  }
0xb: {  	s5 =	ssub.s32 $0x2, s9;
	s13 =	smul.u32 $0x30D800, s9;
	[dreg:$0x4] =	wrdreg s16  }
0xc: {  	p0 =	seq.s32 s9, $0x1;
	[dreg:$0x6] =	wrdreg s0;
	s0 =	sor.u32 $0x30D0, s19  }
0xd: {  	p1 =	sne.s32 s9, $0x0;
	s12 =	sshrl.u32 s5, $0x1;
	s7 =	smov.u32 @p0 s10  }
0xe: {  	s20 =	sshll.u32 s0, $0x3;
	s21 =	sshll.u32 s0, $0xA;
	s8 =	smov.u32 @p0 s11  }
0xf: {  	p0 =	sgt.u32 s0, $0x30D3;
	s0 =	simm.s32 $0x40;
	s12 =	ssub.s32 s5, s12  }
0x10: {  	s13 =	sshrl.u32 s13, $0x3;
	s5 =	sadd.s32 s6, s17;
	s10 =	sadd.s32 s7, s15  }
0x11: {  	s17 =	smul.u32 $0x62, s19;
	s7 =	sadd.s32 s7, s20;
	s23 =	sadd.s32 s8, s20  }
0x12: {  	s13 =	sadd.s32 s14, s13;
	s18 =	smax.u32 s12, $0x1;
	[dreg:$0x8] =	wrdreg s7  }
0x13: {  	s12 =	sadd.s32 s6, s21;
	[dreg:$0x9] =	wrdreg s23;
	s16 =	sadd.s32 $0x80, s10  }
0x14: {  	s23 =	simm.s32 $0x4100;
	s7 =	simm.s32 $0x3;
	s6 =	simm.s32 $0x0  }
0x15: {  	s13 =	sadd.s32 $0x30C80, s13;
	[dreg:$0x7] =	wrdreg s18;
	s18 =	smul.u32 $0x61B00, s9  }
0x16: {  	[dreg:$0x5] =	wrdreg s13;
	s13 =	sadd.s32 s8, s15;
	s15 =	sadd.s32 s17, s3  }
.Ltmp0:
0x17: {  	s8 =	simm.s32 $0x1;
	s24 =	sadd.s32 s18, s14;
	(pc) =	sbr.rel .LBB2_1-.Ltmp0, $4  }
0x18: {  	s18 =	sadd.s32 $0x5BE, s3;
	s20 =	sadd.s32 $0x80, s13;
	s3 =	simm.s32 $0x5  }
0x19: {  	s17 =	sadd.s32 s22, s24;
	s25 =	sadd.s32 $0x2DF00, s24;
	s22 =	sadd.s32 $0x5EC80, s24  }
0x1a: {  	s24 =	simm.s32 $0x4;
	[dreg:$0xa] =	wrdreg s25;
	s26 =	sadd.s32 $0x30D80, s17  }
0x1b: {  	s25 =	simm.s32 $0x5D00;
	[dreg:$0xb] =	wrdreg s26;
	s26 =	simm.s32 $0x38  }
.LBB2_19:
0x1c: {  	s11 =	sadd.s32 s11, s15;
	[sflag:s24] =	ssyncadd.s32 $0xFFFFE400  }
0x1d: {  	[tilespmem:s25], [sflag:$0x4] =	stream.linear.gather [hbm4b:s11+s2], $0x38, $0x38;
	[tilespmem:$0x1E580] =	vst v63  }
0x1e: {  	_ =	swait.ge [sflag:s24], $0x38  }
0x1f: {  	[sflag:s24] =	ssyncset.done $0x0  }
0x20: {  	[sflag:s24] =	ssyncadd.s32 $0xFFFFFFC8  }
0x21: {  	[tilespmem:s23], [sflag:$0x1] =	stream.indirect.gather [spmem:s1], $0x80, s25, s26, $0xb8;
	[tilespmem:$0x1E580] =	vst v63  }
0x22: {  	_ =	swait.ge [sflag:s8], $0x1C00  }
0x23: {  	[sflag:s8] =	ssyncset.done $0x0  }
0x24: {  	[sflag:s8] =	ssyncadd.s32 $0xFFFFE400  }
0x25: {  	[hbm4b:s9+s2] =	stream.linear.scatter [tilespmem:s23], [sflag:$0x4], $0x1C00, $0x38;
	[tilespmem:$0x1E580] =	vst v63  }
0x26: {  	_ =	swait.ge [sflag:s24], $0x1C00  }
0x27: {  	[sflag:s24] =	ssyncset.done $0x0  }
0x28: {  	[sflag:s24] =	ssyncadd.s32 $0xFFFFE400  }
.LBB2_23:
0x29: {  	s6 =	sadd.s32 $0x1, s6;
	s9 =	rddreg [dreg:$0x7]  }
0x2a: {  	p3 =	sne.s32 s6, s9  }
.Ltmp1:
0x2b: {  	_ = 	snop;
	(pc) =	sbr.rel @!p3 .LBB2_24-.Ltmp1, $2  }
0x2c: {  	_ =	sdelay $0x1  }
0x2d: {  	[bflag:$0x0] =	sbarrier.arrive $0xFFFF;
	_ =	sdelay $0x1  }
.LBB2_1:
0x2e: {  	[tilespmem:s23], [sflag:$0x4] =	stream.linear.gather [hbm4b:s4+s2], $0x1C00, $0x38;
	[tilespmem:$0x1E580] =	vst v63  }
0x2f: {  	_ =	swait.ge [sflag:s24], $0x1C00  }
0x30: {  	[sflag:s24] =	ssyncset.done $0x0  }
0x31: {  	s9 =	sadd.s32 $0x0, s15;
	[sflag:s24] =	ssyncadd.s32 $0xFFFFE400  }
0x32: {  	[tilespmem:s25], [sflag:$0x4] =	stream.linear.gather [hbm4b:s9+s2], $0x38, $0x38;
	[tilespmem:$0x1E580] =	vst v63  }
0x33: {  	_ =	swait.ge [sflag:s24], $0x38  }
0x34: {  	[sflag:s24] =	ssyncset.done $0x0  }
0x35: {  	[sflag:s24] =	ssyncadd.s32 $0xFFFFFFC8  }
0x36: {  	[spmem:s1] =	stream.indirect.scatter [tilespmem:s23], [sflag:$0x4], $0x80, s25, s26, $0xb8;
	[tilespmem:$0x1E580] =	vst v63  }
0x37: {  	_ =	swait.ge [sflag:s24], $0x1C00  }
0x38: {  	s11 =	simm.s32 $0xE;
	s9 =	simm.s32 $0x7;
	[sflag:s24] =	ssyncset.done $0x0  }
.LBB2_2:
0x39: {  	s14 =	sadd.s32 s9, s15  }
0x3a: {  	[sflag:s24] =	ssyncadd.s32 $0xFFFFE400;
	s9 =	smov.u32 s11;
	s19 =	sadd.s32 $0x7, s11  }
0x3b: {  	[tilespmem:s25], [sflag:$0x4] =	stream.linear.gather [hbm4b:s14+s2], $0x38, $0x38;
	[tilespmem:$0x1E580] =	vst v63  }
0x3c: {  	p3 =	sne.s32 s11, $0x5B;
	_ =	swait.ge [sflag:s24], $0x38  }
.Ltmp2:
0x3d: {  	[sflag:s24] =	ssyncset.done $0x0;
	(pc) =	sbr.rel @p3 .LBB2_2-.Ltmp2, $4  }
0x3e: {  	[sflag:s24] =	ssyncadd.s32 $0xFFFFFFC8  }
0x3f: {  	[spmem:s1] =	stream.indirect.scatter [tilespmem:s23], [sflag:$0x4], $0x80, s25, s26, $0xb8;
	[tilespmem:$0x1E580] =	vst v63  }
0x40: {  	_ =	swait.ge [sflag:s24], $0x1C00  }
0x41: {  	s11 =	smov.u32 s19;
	[sflag:s24] =	ssyncset.done $0x0  }
0x42: {  	s9 =	sadd.s32 s9, s15;
	[sflag:s24] =	ssyncadd.s32 $0xFFFFE400  }
0x43: {  	[tilespmem:s25], [sflag:$0x4] =	stream.linear.gather [hbm4b:s9+s2], $0x38, $0x38;
	[tilespmem:$0x1E580] =	vst v63  }
0x44: {  	_ =	swait.ge [sflag:s24], $0x38  }
0x45: {  	[sflag:s24] =	ssyncset.done $0x0  }
0x46: {  	[sflag:s24] =	ssyncadd.s32 $0xFFFFFFC8  }
0x47: {  	[spmem:s1] =	stream.indirect.scatter [tilespmem:s23], [sflag:$0x4], $0x80, s25, s26, $0xb8;
	[tilespmem:$0x1E580] =	vst v63  }
0x48: {  	_ =	swait.ge [sflag:s24], $0x1C00  }
0x49: {  	[sflag:s24] =	ssyncset.done $0x0  }
0x4a: {  	[sflag:s24] =	ssyncadd.s32 $0xFFFFE400  }
0x4b: {  	s14 =	simm.s32 $0x0;
	[bflag:$0x0] =	sbarrier.arrive $0xFFFF  }
0x4c: {  	[tilespmem:s28], [sflag:$0x2] =	stream.linear.gather [hbm4b:s10+s14], $0x40, $0x38;
	[tilespmem:$0x1E580] =	vst v63  }
0x4d: {  	_ = 	snop  }
0x4e: {  	[tilespmem:s14], [sflag:$0x2] =	stream.linear.gather [hbm4b:s5+s14], $0x2000, $0x38;
	[tilespmem:$0x1E580] =	vst v63  }
0x4f: {  	s19 =	sadd.s32 $0x0, s5  }
0x50: {  	[tilespmem:s29], [sflag:$0x3] =	stream.linear.gather [hbm4b:s16+s2], $0x40, $0x38;
	[tilespmem:$0x1E580] =	vst v63  }
0x51: {  	s11 =	sadd.s32 $0x4000, s19  }
0x52: {  	[tilespmem:s30], [sflag:$0x3] =	stream.linear.gather [hbm4b:s11+s2], $0x2000, $0x38;
	[tilespmem:$0x1E580] =	vst v63  }
0x53: {  	_ =	swait.ge [sflag:s31], $0x40  }
0x54: {  	[sflag:s31] =	ssyncset.done $0x0  }
0x55: {  	[sflag:s31] =	ssyncadd.s32 $0xFFFFFFC0  }
0x56: {  	_ =	swait.ge [sflag:s31], $0x2000  }
0x57: {  	[sflag:s31] =	ssyncset.done $0x0  }
0x58: {  	[sflag:s31] =	ssyncadd.s32 $0xFFFFE000  }
0x59: {  	[spmem:s1] =	stream.indirect.scatter.add.f32 [tilespmem:s2], [sflag:$0x5], $0x80, s28, s0, $0xb8;
	[tilespmem:$0x1E580] =	vst v63  }
0x5a: {  	_ =	swait.ge [sflag:s3], $0x2000  }
0x5b: {  	[sflag:s3] =	ssyncset.done $0x0  }
0x5c: {  	s21 =	sadd.s32 $0x80, s16;
	[sflag:s3] =	ssyncadd.s32 $0xFFFFE000  }
0x5d: {  	[tilespmem:s28], [sflag:$0x2] =	stream.linear.gather [hbm4b:s21+s2], $0x40, $0x38;
	[tilespmem:$0x1E580] =	vst v63  }
0x5e: {  	s9 =	sadd.s32 $0x8000, s19  }
0x5f: {  	[tilespmem:s2], [sflag:$0x2] =	stream.linear.gather [hbm4b:s9+s2], $0x2000, $0x38;
	[tilespmem:$0x1E580] =	vst v63  }
0x60: {  	_ =	swait.ge [sflag:s7], $0x40  }
0x61: {  	[sflag:s7] =	ssyncset.done $0x0  }
0x62: {  	[sflag:s7] =	ssyncadd.s32 $0xFFFFFFC0  }
0x63: {  	_ =	swait.ge [sflag:s7], $0x2000  }
0x64: {  	[sflag:s7] =	ssyncset.done $0x0  }
0x65: {  	[sflag:s7] =	ssyncadd.s32 $0xFFFFE000  }
0x66: {  	[spmem:s1] =	stream.indirect.scatter.add.f32 [tilespmem:s30], [sflag:$0x4], $0x80, s29, s0, $0xb8;
	[tilespmem:$0x1E580] =	vst v63  }
0x67: {  	_ =	swait.ge [sflag:s24], $0x2000  }
0x68: {  	s11 =	simm.s32 $0x8000;
	s9 =	sadd.s32 $0x100, s16;
	[sflag:s24] =	ssyncset.done $0x0  }
.LBB2_4:
0x69: {  	s19 =	smov.u32 s11  }
0x6a: {  	s14 =	sadd.s32 s11, s5;
	[sflag:s24] =	ssyncadd.s32 $0xFFFFE000;
	s19 =	sadd.s32 $0x8000, s11  }
0x6b: {  	[tilespmem:s29], [sflag:$0x3] =	stream.linear.gather [hbm4b:s9+s2], $0x40, $0x38;
	[tilespmem:$0x1E580] =	vst v63  }
0x6c: {  	p3 =	sne.s32 s11, $0xC28000;
	s21 =	sadd.s32 $0x4000, s14  }
0x6d: {  	[tilespmem:s30], [sflag:$0x3] =	stream.linear.gather [hbm4b:s21+s2], $0x2000, $0x38;
	[tilespmem:$0x1E580] =	vst v63  }
0x6e: {  	_ =	swait.ge [sflag:s31], $0x40  }
0x6f: {  	[sflag:s31] =	ssyncset.done $0x0  }
0x70: {  	[sflag:s31] =	ssyncadd.s32 $0xFFFFFFC0  }
0x71: {  	_ =	swait.ge [sflag:s31], $0x2000  }
0x72: {  	[sflag:s31] =	ssyncset.done $0x0  }
0x73: {  	[sflag:s31] =	ssyncadd.s32 $0xFFFFE000  }
0x74: {  	[spmem:s1] =	stream.indirect.scatter.add.f32 [tilespmem:s2], [sflag:$0x5], $0x80, s28, s0, $0xb8;
	[tilespmem:$0x1E580] =	vst v63  }
0x75: {  	_ =	swait.ge [sflag:s3], $0x2000  }
0x76: {  	[sflag:s3] =	ssyncset.done $0x0  }
0x77: {  	s11 =	sadd.s32 $0x80, s9;
	[sflag:s3] =	ssyncadd.s32 $0xFFFFE000  }
0x78: {  	[tilespmem:s28], [sflag:$0x2] =	stream.linear.gather [hbm4b:s11+s2], $0x40, $0x38;
	[tilespmem:$0x1E580] =	vst v63  }
0x79: {  	s11 =	sadd.s32 $0x8000, s14  }
0x7a: {  	[tilespmem:s2], [sflag:$0x2] =	stream.linear.gather [hbm4b:s11+s2], $0x2000, $0x38;
	[tilespmem:$0x1E580] =	vst v63  }
0x7b: {  	_ =	swait.ge [sflag:s7], $0x40  }
0x7c: {  	[sflag:s7] =	ssyncset.done $0x0  }
0x7d: {  	[sflag:s7] =	ssyncadd.s32 $0xFFFFFFC0  }
0x7e: {  	_ =	swait.ge [sflag:s7], $0x2000  }
.Ltmp3:
0x7f: {  	[sflag:s7] =	ssyncset.done $0x0;
	(pc) =	sbr.rel @p3 .LBB2_4-.Ltmp3, $4  }
0x80: {  	[sflag:s7] =	ssyncadd.s32 $0xFFFFE000  }
0x81: {  	[spmem:s1] =	stream.indirect.scatter.add.f32 [tilespmem:s30], [sflag:$0x4], $0x80, s29, s0, $0xb8;
	[tilespmem:$0x1E580] =	vst v63  }
0x82: {  	_ =	swait.ge [sflag:s24], $0x2000  }
0x83: {  	s9 =	sadd.s32 $0x100, s9;
	s11 =	smov.u32 s19;
	[sflag:s24] =	ssyncset.done $0x0  }
0x84: {  	[sflag:s24] =	ssyncadd.s32 $0xFFFFE000  }
0x85: {  	s9 =	simm.s32 @!p0 $0x0;
	s11 =	simm.s32 @!p0 $0x4080;
	s14 =	rddreg [dreg:$0x8]  }
0x86: {  	[tilespmem:s11], [sflag:$0x3] =	stream.linear.gather @!p0 [hbm4b:s14+s9], $0x40, $0x38;
	[tilespmem:$0x1E580] =	vst v63  }
0x87: {  	s14 =	simm.s32 @!p0 $0x2080  }
0x88: {  	[tilespmem:s14], [sflag:$0x3] =	stream.linear.gather @!p0 [hbm4b:s12+s9], $0x2000, $0x38;
	[tilespmem:$0x1E580] =	vst v63  }
0x89: {  	_ =	swait.ge [sflag:s31], $0x40  }
0x8a: {  	[sflag:s31] =	ssyncset.done $0x0  }
0x8b: {  	[sflag:s31] =	ssyncadd.s32 $0xFFFFFFC0  }
0x8c: {  	_ =	swait.ge [sflag:s31], $0x2000  }
0x8d: {  	[sflag:s31] =	ssyncset.done $0x0  }
0x8e: {  	[sflag:s31] =	ssyncadd.s32 $0xFFFFE000  }
0x8f: {  	[spmem:s1] =	stream.indirect.scatter.add.f32 [tilespmem:s2], [sflag:$0x5], $0x80, s28, s0, $0xb8;
	[tilespmem:$0x1E580] =	vst v63  }
0x90: {  	_ =	swait.ge [sflag:s3], $0x2000  }
0x91: {  	[sflag:s3] =	ssyncset.done $0x0  }
0x92: {  	s9 =	simm.s32 @!p0 $0x3;
	[sflag:s3] =	ssyncadd.s32 $0xFFFFE000  }
0x93: {  	_ =	swait.ge @!p0 [sflag:s9], $0x40  }
0x94: {  	[sflag:s9] =	ssyncset.done @!p0 $0x0  }
0x95: {  	[sflag:s9] =	ssyncadd.s32 @!p0 $0xFFFFFFC0  }
0x96: {  	_ =	swait.ge @!p0 [sflag:s9], $0x2000  }
0x97: {  	[sflag:s9] =	ssyncset.done @!p0 $0x0  }
0x98: {  	[sflag:s9] =	ssyncadd.s32 @!p0 $0xFFFFE000;
	s9 =	simm.s32 @!p0 $0x40  }
0x99: {  	[spmem:s1] =	stream.indirect.scatter.add.f32 @!p0 [tilespmem:s14], [sflag:$0x4], $0x80, s11, s9, $0xb8;
	[tilespmem:$0x1E580] =	vst v63  }
0x9a: {  	s9 =	simm.s32 @!p0 $0x4  }
.Ltmp4:
0x9b: {  	_ =	swait.ge @!p0 [sflag:s9], $0x2000;
	(pc) =	sbr.rel @!p2 .LBB2_6-.Ltmp4, $3  }
0x9c: {  	[sflag:s9] =	ssyncset.done @!p0 $0x0  }
0x9d: {  	[sflag:s9] =	ssyncadd.s32 @!p0 $0xFFFFE000  }
0x9e: {  	[bflag:$0x0] =	sbarrier.arrive $0xFFFF;
	_ =	sdelay $0x1  }
0x9f: {  	s9 =	sadd.s32 $0x0, s18  }
0xa0: {  	[tilespmem:s25], [sflag:$0x4] =	stream.linear.gather [hbm4b:s9+s2], $0x38, $0x38;
	[tilespmem:$0x1E580] =	vst v63  }
0xa1: {  	_ =	swait.ge [sflag:s24], $0x38  }
0xa2: {  	[sflag:s24] =	ssyncset.done $0x0  }
0xa3: {  	[sflag:s24] =	ssyncadd.s32 $0xFFFFFFC8  }
0xa4: {  	[tilespmem:s23], [sflag:$0x1] =	stream.indirect.gather [spmem:s1], $0x80, s25, s26, $0xb8;
	[tilespmem:$0x1E580] =	vst v63  }
0xa5: {  	_ =	swait.ge [sflag:s8], $0x1C00  }
0xa6: {  	[sflag:s8] =	ssyncset.done $0x0  }
0xa7: {  	s21 =	rddreg [dreg:$0xa];
	[sflag:s8] =	ssyncadd.s32 $0xFFFFE400  }
0xa8: {  	[hbm4b:s21+s2] =	stream.linear.scatter [tilespmem:s23], [sflag:$0x4], $0x1C00, $0x38;
	[tilespmem:$0x1E580] =	vst v63  }
0xa9: {  	s11 =	simm.s32 $0x7;
	_ =	swait.ge [sflag:s24], $0x1C00  }
0xaa: {  	s14 =	simm.s32 $0xE;
	s9 =	sadd.s32 $0x380, s21;
	[sflag:s24] =	ssyncset.done $0x0  }
.LBB2_10:
0xab: {  	s19 =	sadd.s32 s11, s18  }
0xac: {  	[sflag:s24] =	ssyncadd.s32 $0xFFFFE400;
	s11 =	smov.u32 s14;
	s21 =	sadd.s32 $0x7, s14  }
0xad: {  	[tilespmem:s25], [sflag:$0x4] =	stream.linear.gather [hbm4b:s19+s2], $0x38, $0x38;
	[tilespmem:$0x1E580] =	vst v63  }
0xae: {  	p3 =	sne.s32 s14, $0x54;
	_ =	swait.ge [sflag:s24], $0x38  }
0xaf: {  	[sflag:s24] =	ssyncset.done $0x0  }
0xb0: {  	[sflag:s24] =	ssyncadd.s32 $0xFFFFFFC8  }
0xb1: {  	[tilespmem:s23], [sflag:$0x1] =	stream.indirect.gather [spmem:s1], $0x80, s25, s26, $0xb8;
	[tilespmem:$0x1E580] =	vst v63  }
0xb2: {  	_ =	swait.ge [sflag:s8], $0x1C00  }
.Ltmp5:
0xb3: {  	[sflag:s8] =	ssyncset.done $0x0;
	(pc) =	sbr.rel @p3 .LBB2_10-.Ltmp5, $4  }
0xb4: {  	[sflag:s8] =	ssyncadd.s32 $0xFFFFE400  }
0xb5: {  	[hbm4b:s9+s2] =	stream.linear.scatter [tilespmem:s23], [sflag:$0x4], $0x1C00, $0x38;
	[tilespmem:$0x1E580] =	vst v63  }
0xb6: {  	_ =	swait.ge [sflag:s24], $0x1C00  }
0xb7: {  	s14 =	smov.u32 s21;
	s9 =	sadd.s32 $0x380, s9;
	[sflag:s24] =	ssyncset.done $0x0  }
0xb8: {  	s11 =	sadd.s32 s11, s18;
	[sflag:s24] =	ssyncadd.s32 $0xFFFFE400  }
0xb9: {  	[tilespmem:s25], [sflag:$0x4] =	stream.linear.gather [hbm4b:s11+s2], $0x38, $0x38;
	[tilespmem:$0x1E580] =	vst v63  }
0xba: {  	_ =	swait.ge [sflag:s24], $0x38  }
0xbb: {  	[sflag:s24] =	ssyncset.done $0x0  }
0xbc: {  	[sflag:s24] =	ssyncadd.s32 $0xFFFFFFC8  }
0xbd: {  	[tilespmem:s23], [sflag:$0x1] =	stream.indirect.gather [spmem:s1], $0x80, s25, s26, $0xb8;
	[tilespmem:$0x1E580] =	vst v63  }
0xbe: {  	_ =	swait.ge [sflag:s8], $0x1C00  }
0xbf: {  	[sflag:s8] =	ssyncset.done $0x0  }
0xc0: {  	[sflag:s8] =	ssyncadd.s32 $0xFFFFE400  }
0xc1: {  	[hbm4b:s9+s2] =	stream.linear.scatter [tilespmem:s23], [sflag:$0x4], $0x1C00, $0x38;
	[tilespmem:$0x1E580] =	vst v63  }
0xc2: {  	_ =	swait.ge [sflag:s24], $0x1C00  }
0xc3: {  	[sflag:s24] =	ssyncset.done $0x0  }
0xc4: {  	s19 =	rddreg [dreg:$0x4];
	[sflag:s24] =	ssyncadd.s32 $0xFFFFE400  }
0xc5: {  	[tilespmem:s25], [sflag:$0x4] =	stream.linear.gather [hbm4b:s19+s2], $0x38, $0x38;
	[tilespmem:$0x1E580] =	vst v63  }
0xc6: {  	_ =	swait.ge [sflag:s24], $0x38  }
0xc7: {  	[sflag:s24] =	ssyncset.done $0x0  }
0xc8: {  	[sflag:s24] =	ssyncadd.s32 $0xFFFFFFC8  }
0xc9: {  	[tilespmem:s23], [sflag:$0x1] =	stream.indirect.gather [spmem:s1], $0x80, s25, s26, $0xb8;
	[tilespmem:$0x1E580] =	vst v63  }
0xca: {  	_ =	swait.ge [sflag:s8], $0x1C00  }
0xcb: {  	[sflag:s8] =	ssyncset.done $0x0  }
.Ltmp6:
0xcc: {  	s21 =	rddreg [dreg:$0x5];
	[sflag:s8] =	ssyncadd.s32 $0xFFFFE400;
	(pc) =	sbr.rel .LBB2_12-.Ltmp6, $4  }
0xcd: {  	[hbm4b:s21+s2] =	stream.linear.scatter [tilespmem:s23], [sflag:$0x4], $0x800, $0x38;
	[tilespmem:$0x1E580] =	vst v63  }
0xce: {  	_ =	swait.ge [sflag:s24], $0x800  }
0xcf: {  	[sflag:s24] =	ssyncset.done $0x0  }
0xd0: {  	[sflag:s24] =	ssyncadd.s32 $0xFFFFF800  }
.LBB2_6:
0xd1: {  	s9 =	sadd.s32 $0x0, s15  }
0xd2: {  	[tilespmem:s25], [sflag:$0x4] =	stream.linear.gather [hbm4b:s9+s2], $0x38, $0x38;
	[tilespmem:$0x1E580] =	vst v63  }
0xd3: {  	_ =	swait.ge [sflag:s24], $0x38  }
0xd4: {  	[sflag:s24] =	ssyncset.done $0x0  }
0xd5: {  	[sflag:s24] =	ssyncadd.s32 $0xFFFFFFC8  }
0xd6: {  	[tilespmem:s23], [sflag:$0x1] =	stream.indirect.gather [spmem:s1], $0x80, s25, s26, $0xb8;
	[tilespmem:$0x1E580] =	vst v63  }
0xd7: {  	_ =	swait.ge [sflag:s8], $0x1C00  }
0xd8: {  	[sflag:s8] =	ssyncset.done $0x0  }
0xd9: {  	[sflag:s8] =	ssyncadd.s32 $0xFFFFE400  }
0xda: {  	[hbm4b:s17+s2] =	stream.linear.scatter [tilespmem:s23], [sflag:$0x4], $0x1C00, $0x38;
	[tilespmem:$0x1E580] =	vst v63  }
0xdb: {  	s11 =	simm.s32 $0x7;
	_ =	swait.ge [sflag:s24], $0x1C00  }
0xdc: {  	s14 =	simm.s32 $0xE;
	s9 =	sadd.s32 $0x380, s17;
	[sflag:s24] =	ssyncset.done $0x0  }
.LBB2_7:
0xdd: {  	s19 =	sadd.s32 s11, s15  }
0xde: {  	[sflag:s24] =	ssyncadd.s32 $0xFFFFE400;
	s11 =	smov.u32 s14;
	s21 =	sadd.s32 $0x7, s14  }
0xdf: {  	[tilespmem:s25], [sflag:$0x4] =	stream.linear.gather [hbm4b:s19+s2], $0x38, $0x38;
	[tilespmem:$0x1E580] =	vst v63  }
0xe0: {  	p3 =	seq.s32 s14, $0x5B;
	_ =	swait.ge [sflag:s24], $0x38  }
0xe1: {  	[sflag:s24] =	ssyncset.done $0x0  }
0xe2: {  	[sflag:s24] =	ssyncadd.s32 $0xFFFFFFC8  }
0xe3: {  	[tilespmem:s23], [sflag:$0x1] =	stream.indirect.gather [spmem:s1], $0x80, s25, s26, $0xb8;
	[tilespmem:$0x1E580] =	vst v63  }
0xe4: {  	_ =	swait.ge [sflag:s8], $0x1C00  }
.Ltmp7:
0xe5: {  	[sflag:s8] =	ssyncset.done $0x0;
	(pc) =	sbr.rel @!p3 .LBB2_7-.Ltmp7, $4  }
0xe6: {  	[sflag:s8] =	ssyncadd.s32 $0xFFFFE400  }
0xe7: {  	[hbm4b:s9+s2] =	stream.linear.scatter [tilespmem:s23], [sflag:$0x4], $0x1C00, $0x38;
	[tilespmem:$0x1E580] =	vst v63  }
0xe8: {  	_ =	swait.ge [sflag:s24], $0x1C00  }
0xe9: {  	s14 =	smov.u32 s21;
	s9 =	sadd.s32 $0x380, s9;
	[sflag:s24] =	ssyncset.done $0x0  }
0xea: {  	s11 =	sadd.s32 s11, s15;
	[sflag:s24] =	ssyncadd.s32 $0xFFFFE400  }
0xeb: {  	[tilespmem:s25], [sflag:$0x4] =	stream.linear.gather [hbm4b:s11+s2], $0x38, $0x38;
	[tilespmem:$0x1E580] =	vst v63  }
0xec: {  	_ =	swait.ge [sflag:s24], $0x38  }
0xed: {  	[sflag:s24] =	ssyncset.done $0x0  }
0xee: {  	[sflag:s24] =	ssyncadd.s32 $0xFFFFFFC8  }
0xef: {  	[tilespmem:s23], [sflag:$0x1] =	stream.indirect.gather [spmem:s1], $0x80, s25, s26, $0xb8;
	[tilespmem:$0x1E580] =	vst v63  }
0xf0: {  	_ =	swait.ge [sflag:s8], $0x1C00  }
0xf1: {  	[sflag:s8] =	ssyncset.done $0x0  }
0xf2: {  	[sflag:s8] =	ssyncadd.s32 $0xFFFFE400  }
0xf3: {  	[hbm4b:s9+s2] =	stream.linear.scatter [tilespmem:s23], [sflag:$0x4], $0x1C00, $0x38;
	[tilespmem:$0x1E580] =	vst v63  }
0xf4: {  	_ =	swait.ge [sflag:s24], $0x1C00  }
0xf5: {  	[sflag:s24] =	ssyncset.done $0x0  }
0xf6: {  	[sflag:s24] =	ssyncadd.s32 $0xFFFFE400  }
.LBB2_12:
0xf7: {  	[bflag:$0x0] =	sbarrier.arrive $0xFFFF;
	s9 =	simm.s32 $0x0  }
0xf8: {  	[tilespmem:s23], [sflag:$0x4] =	stream.linear.gather [hbm4b:s4+s9], $0x1C00, $0x38;
	[tilespmem:$0x1E580] =	vst v63  }
0xf9: {  	_ =	swait.ge [sflag:s24], $0x1C00  }
0xfa: {  	[sflag:s24] =	ssyncset.done $0x0  }
0xfb: {  	s21 =	sadd.s32 $0x0, s15;
	[sflag:s24] =	ssyncadd.s32 $0xFFFFE400  }
0xfc: {  	[tilespmem:s25], [sflag:$0x4] =	stream.linear.gather [hbm4b:s21+s2], $0x38, $0x38;
	[tilespmem:$0x1E580] =	vst v63  }
0xfd: {  	_ =	swait.ge [sflag:s24], $0x38  }
0xfe: {  	[sflag:s24] =	ssyncset.done $0x0  }
0xff: {  	[sflag:s24] =	ssyncadd.s32 $0xFFFFFFC8  }
0x100: {  	[spmem:s1] =	stream.indirect.scatter [tilespmem:s23], [sflag:$0x4], $0x80, s25, s26, $0xb8;
	[tilespmem:$0x1E580] =	vst v63  }
0x101: {  	_ =	swait.ge [sflag:s24], $0x1C00  }
0x102: {  	s11 =	simm.s32 $0xE;
	s9 =	simm.s32 $0x7;
	[sflag:s24] =	ssyncset.done $0x0  }
.LBB2_13:
0x103: {  	s14 =	sadd.s32 s9, s15  }
0x104: {  	[sflag:s24] =	ssyncadd.s32 $0xFFFFE400;
	s9 =	smov.u32 s11;
	s19 =	sadd.s32 $0x7, s11  }
0x105: {  	[tilespmem:s25], [sflag:$0x4] =	stream.linear.gather [hbm4b:s14+s2], $0x38, $0x38;
	[tilespmem:$0x1E580] =	vst v63  }
0x106: {  	p3 =	sne.s32 s11, $0x5B;
	_ =	swait.ge [sflag:s24], $0x38  }
.Ltmp8:
0x107: {  	[sflag:s24] =	ssyncset.done $0x0;
	(pc) =	sbr.rel @p3 .LBB2_13-.Ltmp8, $4  }
0x108: {  	[sflag:s24] =	ssyncadd.s32 $0xFFFFFFC8  }
0x109: {  	[spmem:s1] =	stream.indirect.scatter [tilespmem:s23], [sflag:$0x4], $0x80, s25, s26, $0xb8;
	[tilespmem:$0x1E580] =	vst v63  }
0x10a: {  	_ =	swait.ge [sflag:s24], $0x1C00  }
0x10b: {  	s11 =	smov.u32 s19;
	[sflag:s24] =	ssyncset.done $0x0  }
0x10c: {  	s9 =	sadd.s32 s9, s15;
	[sflag:s24] =	ssyncadd.s32 $0xFFFFE400  }
0x10d: {  	[tilespmem:s25], [sflag:$0x4] =	stream.linear.gather [hbm4b:s9+s2], $0x38, $0x38;
	[tilespmem:$0x1E580] =	vst v63  }
0x10e: {  	_ =	swait.ge [sflag:s24], $0x38  }
0x10f: {  	[sflag:s24] =	ssyncset.done $0x0  }
0x110: {  	[sflag:s24] =	ssyncadd.s32 $0xFFFFFFC8  }
0x111: {  	[spmem:s1] =	stream.indirect.scatter [tilespmem:s23], [sflag:$0x4], $0x80, s25, s26, $0xb8;
	[tilespmem:$0x1E580] =	vst v63  }
0x112: {  	_ =	swait.ge [sflag:s24], $0x1C00  }
0x113: {  	[sflag:s24] =	ssyncset.done $0x0  }
0x114: {  	[sflag:s24] =	ssyncadd.s32 $0xFFFFE400  }
0x115: {  	s14 =	simm.s32 $0x0;
	[bflag:$0x0] =	sbarrier.arrive $0xFFFF  }
0x116: {  	[tilespmem:s28], [sflag:$0x2] =	stream.linear.gather [hbm4b:s13+s14], $0x40, $0x38;
	[tilespmem:$0x1E580] =	vst v63  }
0x117: {  	_ = 	snop  }
0x118: {  	[tilespmem:s14], [sflag:$0x2] =	stream.linear.gather [hbm4b:s5+s14], $0x2000, $0x38;
	[tilespmem:$0x1E580] =	vst v63  }
0x119: {  	s19 =	sadd.s32 $0x0, s5  }
0x11a: {  	[tilespmem:s29], [sflag:$0x3] =	stream.linear.gather [hbm4b:s20+s2], $0x40, $0x38;
	[tilespmem:$0x1E580] =	vst v63  }
0x11b: {  	s11 =	sadd.s32 $0x4000, s19  }
0x11c: {  	[tilespmem:s30], [sflag:$0x3] =	stream.linear.gather [hbm4b:s11+s2], $0x2000, $0x38;
	[tilespmem:$0x1E580] =	vst v63  }
0x11d: {  	_ =	swait.ge [sflag:s31], $0x40  }
0x11e: {  	[sflag:s31] =	ssyncset.done $0x0  }
0x11f: {  	[sflag:s31] =	ssyncadd.s32 $0xFFFFFFC0  }
0x120: {  	_ =	swait.ge [sflag:s31], $0x2000  }
0x121: {  	[sflag:s31] =	ssyncset.done $0x0  }
0x122: {  	[sflag:s31] =	ssyncadd.s32 $0xFFFFE000  }
0x123: {  	[spmem:s1] =	stream.indirect.scatter.add.f32 [tilespmem:s2], [sflag:$0x5], $0x80, s28, s0, $0xb8;
	[tilespmem:$0x1E580] =	vst v63  }
0x124: {  	_ =	swait.ge [sflag:s3], $0x2000  }
0x125: {  	[sflag:s3] =	ssyncset.done $0x0  }
0x126: {  	s21 =	sadd.s32 $0x80, s20;
	[sflag:s3] =	ssyncadd.s32 $0xFFFFE000  }
0x127: {  	[tilespmem:s28], [sflag:$0x2] =	stream.linear.gather [hbm4b:s21+s2], $0x40, $0x38;
	[tilespmem:$0x1E580] =	vst v63  }
0x128: {  	s9 =	sadd.s32 $0x8000, s19  }
0x129: {  	[tilespmem:s2], [sflag:$0x2] =	stream.linear.gather [hbm4b:s9+s2], $0x2000, $0x38;
	[tilespmem:$0x1E580] =	vst v63  }
0x12a: {  	_ =	swait.ge [sflag:s7], $0x40  }
0x12b: {  	[sflag:s7] =	ssyncset.done $0x0  }
0x12c: {  	[sflag:s7] =	ssyncadd.s32 $0xFFFFFFC0  }
0x12d: {  	_ =	swait.ge [sflag:s7], $0x2000  }
0x12e: {  	[sflag:s7] =	ssyncset.done $0x0  }
0x12f: {  	[sflag:s7] =	ssyncadd.s32 $0xFFFFE000  }
0x130: {  	[spmem:s1] =	stream.indirect.scatter.add.f32 [tilespmem:s30], [sflag:$0x4], $0x80, s29, s0, $0xb8;
	[tilespmem:$0x1E580] =	vst v63  }
0x131: {  	_ =	swait.ge [sflag:s24], $0x2000  }
0x132: {  	s11 =	simm.s32 $0x8000;
	s9 =	sadd.s32 $0x100, s20;
	[sflag:s24] =	ssyncset.done $0x0  }
.LBB2_15:
0x133: {  	s19 =	smov.u32 s11  }
0x134: {  	s14 =	sadd.s32 s11, s5;
	[sflag:s24] =	ssyncadd.s32 $0xFFFFE000;
	s19 =	sadd.s32 $0x8000, s11  }
0x135: {  	[tilespmem:s29], [sflag:$0x3] =	stream.linear.gather [hbm4b:s9+s2], $0x40, $0x38;
	[tilespmem:$0x1E580] =	vst v63  }
0x136: {  	p3 =	sne.s32 s11, $0xC28000;
	s21 =	sadd.s32 $0x4000, s14  }
0x137: {  	[tilespmem:s30], [sflag:$0x3] =	stream.linear.gather [hbm4b:s21+s2], $0x2000, $0x38;
	[tilespmem:$0x1E580] =	vst v63  }
0x138: {  	_ =	swait.ge [sflag:s31], $0x40  }
0x139: {  	[sflag:s31] =	ssyncset.done $0x0  }
0x13a: {  	[sflag:s31] =	ssyncadd.s32 $0xFFFFFFC0  }
0x13b: {  	_ =	swait.ge [sflag:s31], $0x2000  }
0x13c: {  	[sflag:s31] =	ssyncset.done $0x0  }
0x13d: {  	[sflag:s31] =	ssyncadd.s32 $0xFFFFE000  }
0x13e: {  	[spmem:s1] =	stream.indirect.scatter.add.f32 [tilespmem:s2], [sflag:$0x5], $0x80, s28, s0, $0xb8;
	[tilespmem:$0x1E580] =	vst v63  }
0x13f: {  	_ =	swait.ge [sflag:s3], $0x2000  }
0x140: {  	[sflag:s3] =	ssyncset.done $0x0  }
0x141: {  	s11 =	sadd.s32 $0x80, s9;
	[sflag:s3] =	ssyncadd.s32 $0xFFFFE000  }
0x142: {  	[tilespmem:s28], [sflag:$0x2] =	stream.linear.gather [hbm4b:s11+s2], $0x40, $0x38;
	[tilespmem:$0x1E580] =	vst v63  }
0x143: {  	s11 =	sadd.s32 $0x8000, s14  }
0x144: {  	[tilespmem:s2], [sflag:$0x2] =	stream.linear.gather [hbm4b:s11+s2], $0x2000, $0x38;
	[tilespmem:$0x1E580] =	vst v63  }
0x145: {  	_ =	swait.ge [sflag:s7], $0x40  }
0x146: {  	[sflag:s7] =	ssyncset.done $0x0  }
0x147: {  	[sflag:s7] =	ssyncadd.s32 $0xFFFFFFC0  }
0x148: {  	_ =	swait.ge [sflag:s7], $0x2000  }
.Ltmp9:
0x149: {  	[sflag:s7] =	ssyncset.done $0x0;
	(pc) =	sbr.rel @p3 .LBB2_15-.Ltmp9, $4  }
0x14a: {  	[sflag:s7] =	ssyncadd.s32 $0xFFFFE000  }
0x14b: {  	[spmem:s1] =	stream.indirect.scatter.add.f32 [tilespmem:s30], [sflag:$0x4], $0x80, s29, s0, $0xb8;
	[tilespmem:$0x1E580] =	vst v63  }
0x14c: {  	_ =	swait.ge [sflag:s24], $0x2000  }
0x14d: {  	s9 =	sadd.s32 $0x100, s9;
	s11 =	smov.u32 s19;
	[sflag:s24] =	ssyncset.done $0x0  }
0x14e: {  	[sflag:s24] =	ssyncadd.s32 $0xFFFFE000  }
0x14f: {  	s9 =	simm.s32 @!p0 $0x0;
	s11 =	simm.s32 @!p0 $0x4080;
	s14 =	rddreg [dreg:$0x9]  }
0x150: {  	[tilespmem:s11], [sflag:$0x3] =	stream.linear.gather @!p0 [hbm4b:s14+s9], $0x40, $0x38;
	[tilespmem:$0x1E580] =	vst v63  }
0x151: {  	s14 =	simm.s32 @!p0 $0x2080  }
0x152: {  	[tilespmem:s14], [sflag:$0x3] =	stream.linear.gather @!p0 [hbm4b:s12+s9], $0x2000, $0x38;
	[tilespmem:$0x1E580] =	vst v63  }
0x153: {  	_ =	swait.ge [sflag:s31], $0x40  }
0x154: {  	[sflag:s31] =	ssyncset.done $0x0  }
0x155: {  	[sflag:s31] =	ssyncadd.s32 $0xFFFFFFC0  }
0x156: {  	_ =	swait.ge [sflag:s31], $0x2000  }
0x157: {  	[sflag:s31] =	ssyncset.done $0x0  }
0x158: {  	[sflag:s31] =	ssyncadd.s32 $0xFFFFE000  }
0x159: {  	[spmem:s1] =	stream.indirect.scatter.add.f32 [tilespmem:s2], [sflag:$0x5], $0x80, s28, s0, $0xb8;
	[tilespmem:$0x1E580] =	vst v63  }
0x15a: {  	_ =	swait.ge [sflag:s3], $0x2000  }
0x15b: {  	[sflag:s3] =	ssyncset.done $0x0  }
0x15c: {  	s9 =	simm.s32 @!p0 $0x3;
	[sflag:s3] =	ssyncadd.s32 $0xFFFFE000  }
0x15d: {  	_ =	swait.ge @!p0 [sflag:s9], $0x40  }
0x15e: {  	[sflag:s9] =	ssyncset.done @!p0 $0x0  }
0x15f: {  	[sflag:s9] =	ssyncadd.s32 @!p0 $0xFFFFFFC0  }
0x160: {  	_ =	swait.ge @!p0 [sflag:s9], $0x2000  }
0x161: {  	[sflag:s9] =	ssyncset.done @!p0 $0x0  }
0x162: {  	[sflag:s9] =	ssyncadd.s32 @!p0 $0xFFFFE000;
	s9 =	simm.s32 @!p0 $0x40  }
0x163: {  	[spmem:s1] =	stream.indirect.scatter.add.f32 @!p0 [tilespmem:s14], [sflag:$0x4], $0x80, s11, s9, $0xb8;
	[tilespmem:$0x1E580] =	vst v63  }
0x164: {  	s9 =	simm.s32 @!p0 $0x4  }
.Ltmp10:
0x165: {  	_ =	swait.ge @!p0 [sflag:s9], $0x2000;
	(pc) =	sbr.rel @!p2 .LBB2_17-.Ltmp10, $3  }
0x166: {  	[sflag:s9] =	ssyncset.done @!p0 $0x0  }
0x167: {  	[sflag:s9] =	ssyncadd.s32 @!p0 $0xFFFFE000  }
0x168: {  	[bflag:$0x0] =	sbarrier.arrive $0xFFFF;
	_ =	sdelay $0x1  }
0x169: {  	s9 =	sadd.s32 $0x0, s18  }
0x16a: {  	[tilespmem:s25], [sflag:$0x4] =	stream.linear.gather [hbm4b:s9+s2], $0x38, $0x38;
	[tilespmem:$0x1E580] =	vst v63  }
0x16b: {  	_ =	swait.ge [sflag:s24], $0x38  }
0x16c: {  	[sflag:s24] =	ssyncset.done $0x0  }
0x16d: {  	[sflag:s24] =	ssyncadd.s32 $0xFFFFFFC8  }
0x16e: {  	[tilespmem:s23], [sflag:$0x1] =	stream.indirect.gather [spmem:s1], $0x80, s25, s26, $0xb8;
	[tilespmem:$0x1E580] =	vst v63  }
0x16f: {  	_ =	swait.ge [sflag:s8], $0x1C00  }
0x170: {  	[sflag:s8] =	ssyncset.done $0x0  }
0x171: {  	[sflag:s8] =	ssyncadd.s32 $0xFFFFE400  }
0x172: {  	[hbm4b:s22+s2] =	stream.linear.scatter [tilespmem:s23], [sflag:$0x4], $0x1C00, $0x38;
	[tilespmem:$0x1E580] =	vst v63  }
0x173: {  	s11 =	simm.s32 $0x7;
	_ =	swait.ge [sflag:s24], $0x1C00  }
0x174: {  	s14 =	simm.s32 $0xE;
	s9 =	sadd.s32 $0x380, s22;
	[sflag:s24] =	ssyncset.done $0x0  }
.LBB2_21:
0x175: {  	s19 =	sadd.s32 s11, s18  }
0x176: {  	[sflag:s24] =	ssyncadd.s32 $0xFFFFE400;
	s11 =	smov.u32 s14;
	s21 =	sadd.s32 $0x7, s14  }
0x177: {  	[tilespmem:s25], [sflag:$0x4] =	stream.linear.gather [hbm4b:s19+s2], $0x38, $0x38;
	[tilespmem:$0x1E580] =	vst v63  }
0x178: {  	p3 =	sne.s32 s14, $0x54;
	_ =	swait.ge [sflag:s24], $0x38  }
0x179: {  	[sflag:s24] =	ssyncset.done $0x0  }
0x17a: {  	[sflag:s24] =	ssyncadd.s32 $0xFFFFFFC8  }
0x17b: {  	[tilespmem:s23], [sflag:$0x1] =	stream.indirect.gather [spmem:s1], $0x80, s25, s26, $0xb8;
	[tilespmem:$0x1E580] =	vst v63  }
0x17c: {  	_ =	swait.ge [sflag:s8], $0x1C00  }
.Ltmp11:
0x17d: {  	[sflag:s8] =	ssyncset.done $0x0;
	(pc) =	sbr.rel @p3 .LBB2_21-.Ltmp11, $4  }
0x17e: {  	[sflag:s8] =	ssyncadd.s32 $0xFFFFE400  }
0x17f: {  	[hbm4b:s9+s2] =	stream.linear.scatter [tilespmem:s23], [sflag:$0x4], $0x1C00, $0x38;
	[tilespmem:$0x1E580] =	vst v63  }
0x180: {  	_ =	swait.ge [sflag:s24], $0x1C00  }
0x181: {  	s14 =	smov.u32 s21;
	s9 =	sadd.s32 $0x380, s9;
	[sflag:s24] =	ssyncset.done $0x0  }
0x182: {  	s11 =	sadd.s32 s11, s18;
	[sflag:s24] =	ssyncadd.s32 $0xFFFFE400  }
0x183: {  	[tilespmem:s25], [sflag:$0x4] =	stream.linear.gather [hbm4b:s11+s2], $0x38, $0x38;
	[tilespmem:$0x1E580] =	vst v63  }
0x184: {  	_ =	swait.ge [sflag:s24], $0x38  }
0x185: {  	[sflag:s24] =	ssyncset.done $0x0  }
0x186: {  	[sflag:s24] =	ssyncadd.s32 $0xFFFFFFC8  }
0x187: {  	[tilespmem:s23], [sflag:$0x1] =	stream.indirect.gather [spmem:s1], $0x80, s25, s26, $0xb8;
	[tilespmem:$0x1E580] =	vst v63  }
0x188: {  	_ =	swait.ge [sflag:s8], $0x1C00  }
0x189: {  	[sflag:s8] =	ssyncset.done $0x0  }
0x18a: {  	[sflag:s8] =	ssyncadd.s32 $0xFFFFE400  }
0x18b: {  	[hbm4b:s9+s2] =	stream.linear.scatter [tilespmem:s23], [sflag:$0x4], $0x1C00, $0x38;
	[tilespmem:$0x1E580] =	vst v63  }
0x18c: {  	_ =	swait.ge [sflag:s24], $0x1C00  }
0x18d: {  	[sflag:s24] =	ssyncset.done $0x0  }
0x18e: {  	s21 =	rddreg [dreg:$0x4];
	[sflag:s24] =	ssyncadd.s32 $0xFFFFE400  }
0x18f: {  	[tilespmem:s25], [sflag:$0x4] =	stream.linear.gather [hbm4b:s21+s2], $0x38, $0x38;
	[tilespmem:$0x1E580] =	vst v63  }
0x190: {  	_ =	swait.ge [sflag:s24], $0x38  }
0x191: {  	[sflag:s24] =	ssyncset.done $0x0  }
0x192: {  	[sflag:s24] =	ssyncadd.s32 $0xFFFFFFC8  }
0x193: {  	[tilespmem:s23], [sflag:$0x1] =	stream.indirect.gather [spmem:s1], $0x80, s25, s26, $0xb8;
	[tilespmem:$0x1E580] =	vst v63  }
0x194: {  	_ =	swait.ge [sflag:s8], $0x1C00  }
0x195: {  	s11 =	simm.s32 @!p1 $0x4100;
	[sflag:s8] =	ssyncset.done $0x0  }
0x196: {  	s9 =	simm.s32 @!p1 $0x0;
	s14 =	rddreg [dreg:$0x6];
	[sflag:s8] =	ssyncadd.s32 $0xFFFFE400  }
0x197: {  	[hbm4b:s14+s9] =	stream.linear.scatter @!p1 [tilespmem:s11], [sflag:$0x4], $0x800, $0x38;
	[tilespmem:$0x1E580] =	vst v63  }
.Ltmp12:
0x198: {  	_ = 	snop;
	(pc) =	sbr.rel .LBB2_23-.Ltmp12, $4  }
0x199: {  	s9 =	simm.s32 @!p1 $0x4  }
0x19a: {  	_ =	swait.ge @!p1 [sflag:s9], $0x800  }
0x19b: {  	[sflag:s9] =	ssyncset.done @!p1 $0x0  }
0x19c: {  	[sflag:s9] =	ssyncadd.s32 @!p1 $0xFFFFF800  }
.LBB2_17:
0x19d: {  	s9 =	sadd.s32 $0x0, s15  }
0x19e: {  	[tilespmem:s25], [sflag:$0x4] =	stream.linear.gather [hbm4b:s9+s2], $0x38, $0x38;
	[tilespmem:$0x1E580] =	vst v63  }
0x19f: {  	_ =	swait.ge [sflag:s24], $0x38  }
0x1a0: {  	[sflag:s24] =	ssyncset.done $0x0  }
0x1a1: {  	[sflag:s24] =	ssyncadd.s32 $0xFFFFFFC8  }
0x1a2: {  	[tilespmem:s23], [sflag:$0x1] =	stream.indirect.gather [spmem:s1], $0x80, s25, s26, $0xb8;
	[tilespmem:$0x1E580] =	vst v63  }
0x1a3: {  	_ =	swait.ge [sflag:s8], $0x1C00  }
0x1a4: {  	[sflag:s8] =	ssyncset.done $0x0  }
0x1a5: {  	s21 =	rddreg [dreg:$0xb];
	[sflag:s8] =	ssyncadd.s32 $0xFFFFE400  }
0x1a6: {  	[hbm4b:s21+s2] =	stream.linear.scatter [tilespmem:s23], [sflag:$0x4], $0x1C00, $0x38;
	[tilespmem:$0x1E580] =	vst v63  }
0x1a7: {  	s11 =	simm.s32 $0x7;
	_ =	swait.ge [sflag:s24], $0x1C00  }
0x1a8: {  	s14 =	simm.s32 $0xE;
	s9 =	sadd.s32 $0x380, s21;
	[sflag:s24] =	ssyncset.done $0x0  }
.LBB2_18:
0x1a9: {  	s19 =	sadd.s32 s11, s15  }
0x1aa: {  	[sflag:s24] =	ssyncadd.s32 $0xFFFFE400;
	s11 =	smov.u32 s14;
	s21 =	sadd.s32 $0x7, s14  }
0x1ab: {  	[tilespmem:s25], [sflag:$0x4] =	stream.linear.gather [hbm4b:s19+s2], $0x38, $0x38;
	[tilespmem:$0x1E580] =	vst v63  }
0x1ac: {  	p3 =	seq.s32 s14, $0x5B;
	_ =	swait.ge [sflag:s24], $0x38  }
0x1ad: {  	[sflag:s24] =	ssyncset.done $0x0  }
0x1ae: {  	[sflag:s24] =	ssyncadd.s32 $0xFFFFFFC8  }
0x1af: {  	[tilespmem:s23], [sflag:$0x1] =	stream.indirect.gather [spmem:s1], $0x80, s25, s26, $0xb8;
	[tilespmem:$0x1E580] =	vst v63  }
0x1b0: {  	_ =	swait.ge [sflag:s8], $0x1C00  }
.Ltmp13:
0x1b1: {  	[sflag:s8] =	ssyncset.done $0x0;
	(pc) =	sbr.rel @!p3 .LBB2_18-.Ltmp13, $4  }
0x1b2: {  	[sflag:s8] =	ssyncadd.s32 $0xFFFFE400  }
0x1b3: {  	[hbm4b:s9+s2] =	stream.linear.scatter [tilespmem:s23], [sflag:$0x4], $0x1C00, $0x38;
	[tilespmem:$0x1E580] =	vst v63  }
0x1b4: {  	_ =	swait.ge [sflag:s24], $0x1C00  }
0x1b5: {  	s14 =	smov.u32 s21;
	s9 =	sadd.s32 $0x380, s9;
	[sflag:s24] =	ssyncset.done $0x0  }
.Ltmp14:
0x1b6: {  	_ = 	snop;
	(pc) =	sbr.rel .LBB2_19-.Ltmp14, $1  }
0x1b7: {  	_ =	sdelay $0x3  }
.LBB2_24:
0x1b8: {  	_ =	sfence.sel $0x180000  }
0x1b9: {  	[bflag:$0x0] =	sbarrier.arrive $0xFFFF  }
0x1ba: {  	_ =	strace $0x9000004A  }
0x1bb: {  	s0 =	stileid.u32;
	[bflag:$0x2] =	sbarrier.arrive $0xFFFF  }
0x1bc: {  	p0 =	sne.s32 s0, $0x0;
	s0 =	rddreg [dreg:$0x3]  }
0x1bd: {  	s0 =	sadd.s32 @!p0 $0x100000, s0  }
0x1be: {  	[sflag:s0] =	ssyncadd.tile.s32 @!p0 $0x1;
	_ =	shalt  }
.Lfunc_end2:
_tile_overlayer_lowered:
.L_overlay_start_2:
0x1bf: {  	(tag) =	ssettag $0x2  }
0x1c0: {  	s0 =	rddreg [dreg:$0x0];
	s2 =	stileid.u32  }
0x1c1: {  	s1 =	rddreg [dreg:$0x1];
	p0 =	sne.s32 s2, $0x0  }
0x1c2: {  	s3 =	rddreg [dreg:$0x2];
	[bflag:$0x3] =	sbarrier.arrive $0xFFFF;
	s2 =	simm.s32 @!p0 $0x1C04  }
0x1c3: {  	[timem:s3], [sflag:s2] =	dma.local @!p0 [hbm:s0], s1  }
0x1c4: {  	s0 =	simm.s32 @!p0 $0x4  }
0x1c5: {  	_ =	swait.ge @!p0 [sflag:s0], s1  }
0x1c6: {  	s1 =	ssub.s32 @!p0 $0x0, s1;
	[sflag:s0] =	ssyncset.done @!p0 $0x0  }
0x1c7: {  	[sflag:s0] =	ssyncadd.s32 @!p0 s1  }
0x1c8: {  	[bflag:$0x3] =	sbarrier.arrive $0xFFFF  }
0x1c9: {  	_ =	shalt  }

// kernel: kernel.9.cloned.1.call-start
scs
__scs_entry_jumppad:
0x0: {  	(pc) =	sbr.rel $0x88, $3  }
0x1: {  	(tag) =	ssettag $0x0;
	lr =	simm.s32 $0x1  }
0x2: {  	[smem:$0x3F8F] =	sst lr;
	_ =	strace $0xD0000000  }
0x3: {  	_ = 	snop  }
0x4: {  	_ = 	snop  }
0x5: {  	_ = 	snop  }
0x6: {  	_ = 	snop  }
0x7: {  	_ = 	snop  }
__scs_overlays_trampoline_lowered:
0x8: {  	[smem:$0x3F9E] =	sst s0  }
0x9: {  	[smem:$0x3F9F] =	sst s1  }
0xa: {  	[smem:$0x3FA0] =	sst s2  }
0xb: {  	[smem:$0x3FA1] =	sst s3  }
0xc: {  	[smem:$0x3FA2] =	sst s4  }
0xd: {  	[smem:$0x3FA3] =	sst s5  }
0xe: {  	[smem:$0x3FA4] =	sst s6  }
0xf: {  	[smem:$0x3FA5] =	sst s7  }
0x10: {  	[smem:$0x3FA6] =	sst s8  }
0x11: {  	[smem:$0x3FA7] =	sst s9;
	s0 =	simm.s32 @!p0 $0x0  }
0x12: {  	s1 =	sld [smem:$0x3F8D];
	s0 =	simm.s32 @p0 $0x1  }
0x13: {  	[smem:$0x3FA8] =	sst s0;
	s0 =	simm.s32 @!p1 $0x0  }
0x14: {  	s2 =	sld [smem:$0x3F8C];
	s0 =	simm.s32 @p1 $0x1  }
0x15: {  	[smem:$0x3FA9] =	sst s0;
	s0 =	simm.s32 @!p2 $0x0  }
0x16: {  	s3 =	sld [smem:$0x3FDB];
	s0 =	simm.s32 @p2 $0x1  }
0x17: {  	s4 =	simm.s32 $0x1BF5;
	[smem:$0x3FAB] =	sst s0  }
0x18: {  	s0 =	sld [smem:$0x3F8E];
	_ =	swait.ge [sflag:s4], $0x0  }
0x19: {  	s7 =	sld [smem:$0x3F8F]  }
0x1a: {  	s8 =	sadd.s32 $0xFFFFE003, lr  }
0x1b: {  	s9 =	sadd.s32 $0xFFFFFEF7, lr;
	s5 =	simm.s32 $0xFFFFFFFF;
	p2 =	slt.u32 s8, $0xFFFFF086  }
0x1c: {  	p1 =	slt.u32 s9, $0xF7A;
	s5 =	simm.s32 @!p2 $0x0  }
0x1d: {  	s5 =	simm.s32 @p1 $0x1;
	p0 =	seq.s32 s7, s2  }
0x1e: {  	s7 =	smul.u32 @!p0 $0xF7A, s2;
	p2 =	seq.s32 @!p0 s5, $0x0  }
0x1f: {  	s9 =	smul.u32 $0xF7A, s1;
	s8 =	simm.s32 @!p0 $0x1BF5;
	p2 =	por !p2, p0  }
0x20: {  	[sflag:s8] =	ssyncset.s32 @!p0 $0xFFFFF086;
	s6 =	sadd.s32 @!p0 s3, s7;
	s7 =	simm.s32 @!p0 $0x108  }
0x21: {  	s3 =	sadd.s32 s3, s9;
	s6 =	sadd.s32 @!p0 $0x88, s6;
	s7 =	simm.s32 @p2 $0x1082  }
0x22: {  	[simem:s7], [sflag:s8] =	dma.local @!p0 [hbm:s6], $0xF7A  }
0x23: {  	s9 =	sor.u32 $0xD0000000, s2;
	s6 =	simm.s32 $0x108;
	_ =	swait.ge @!p0 [sflag:s8], $0x0  }
0x24: {  	s3 =	sadd.s32 $0x88, s3;
	s6 =	simm.s32 @!p1 $0x1082;
	[sflag:s4] =	ssyncset.s32 $0xFFFFF086  }
0x25: {  	[simem:s6], [sflag:s4] =	dma.local [hbm:s3], $0xF7A  }
0x26: {  	[smem:$0x3F8F] =	sst s1;
	(tag) =	ssettag s2;
	_ =	strace s9  }
0x27: {  	s1 =	sld [smem:$0x3F9F]  }
0x28: {  	s2 =	sld [smem:$0x3FA0]  }
0x29: {  	s4 =	sld [smem:$0x3FA2]  }
0x2a: {  	p0 =	seq.s32 s5, $0x0;
	s5 =	sld [smem:$0x3FA3]  }
0x2b: {  	s6 =	sld [smem:$0x3FA4]  }
0x2c: {  	s7 =	sld [smem:$0x3FA5]  }
0x2d: {  	s3 =	simm.s32 $0x108;
	s8 =	sld [smem:$0x3FA6]  }
0x2e: {  	s3 =	simm.s32 @!p0 $0x1082;
	s9 =	sld [smem:$0x3FA7]  }
0x2f: {  	lr =	sadd.s32 s0, s3;
	s0 =	sld [smem:$0x3F9E]  }
0x30: {  	s3 =	sld [smem:$0x3FA1]  }
0x31: {  	[smem:$0x3FAA] =	sst s10  }
0x32: {  	s10 =	sld [smem:$0x3FA8];
	_ =	sdelay $0x3  }
0x33: {  	p0 =	seq.s32 s10, $0x1;
	s10 =	sld [smem:$0x3FAA];
	_ =	sdelay $0x3  }
0x34: {  	[smem:$0x3FAA] =	sst s10  }
0x35: {  	s10 =	sld [smem:$0x3FA9];
	_ =	sdelay $0x3  }
0x36: {  	p1 =	seq.s32 s10, $0x1;
	s10 =	sld [smem:$0x3FAA];
	_ =	sdelay $0x3  }
0x37: {  	[smem:$0x3FAA] =	sst s10  }
0x38: {  	s10 =	sld [smem:$0x3FAB]  }
0x39: {  	_ = 	snop;
	(pc) =	sbr.ind lr, $3  }
0x3a: {  	_ = 	snop  }
0x3b: {  	_ = 	snop  }
0x3c: {  	p2 =	seq.s32 s10, $0x1;
	s10 =	sld [smem:$0x3FAA]  }
0x3d: {  	_ =	shalt  }
0x3e: {  	_ =	shalt  }
0x3f: {  	_ =	shalt  }
0x40: {  	_ =	shalt  }
0x41: {  	_ =	shalt  }
0x42: {  	_ =	shalt  }
0x43: {  	_ =	shalt  }
0x44: {  	_ =	shalt  }
0x45: {  	_ =	shalt  }
0x46: {  	_ =	shalt  }
0x47: {  	_ =	shalt  }
0x48: {  	_ =	shalt  }
0x49: {  	_ =	shalt  }
0x4a: {  	_ =	shalt  }
0x4b: {  	_ =	shalt  }
0x4c: {  	_ =	shalt  }
0x4d: {  	_ =	shalt  }
0x4e: {  	_ =	shalt  }
0x4f: {  	_ =	shalt  }
0x50: {  	_ =	shalt  }
0x51: {  	_ =	shalt  }
0x52: {  	_ =	shalt  }
0x53: {  	_ =	shalt  }
0x54: {  	_ =	shalt  }
0x55: {  	_ =	shalt  }
0x56: {  	_ =	shalt  }
0x57: {  	_ =	shalt  }
0x58: {  	_ =	shalt  }
0x59: {  	_ =	shalt  }
0x5a: {  	_ =	shalt  }
0x5b: {  	_ =	shalt  }
0x5c: {  	_ =	shalt  }
0x5d: {  	_ =	shalt  }
0x5e: {  	_ =	shalt  }
0x5f: {  	_ =	shalt  }
0x60: {  	_ =	shalt  }
0x61: {  	_ =	shalt  }
0x62: {  	_ =	shalt  }
0x63: {  	_ =	shalt  }
0x64: {  	_ =	shalt  }
0x65: {  	_ =	shalt  }
0x66: {  	_ =	shalt  }
0x67: {  	_ =	shalt  }
0x68: {  	_ =	shalt  }
0x69: {  	_ =	shalt  }
0x6a: {  	_ =	shalt  }
0x6b: {  	_ =	shalt  }
0x6c: {  	_ =	shalt  }
0x6d: {  	_ =	shalt  }
0x6e: {  	_ =	shalt  }
0x6f: {  	_ =	shalt  }
0x70: {  	_ =	shalt  }
0x71: {  	_ =	shalt  }
0x72: {  	_ =	shalt  }
0x73: {  	_ =	shalt  }
0x74: {  	_ =	shalt  }
0x75: {  	_ =	shalt  }
0x76: {  	_ =	shalt  }
0x77: {  	_ =	shalt  }
0x78: {  	_ =	shalt  }
0x79: {  	_ =	shalt  }
0x7a: {  	_ =	shalt  }
0x7b: {  	_ =	shalt  }
0x7c: {  	_ =	shalt  }
0x7d: {  	_ =	shalt  }
0x7e: {  	_ =	shalt  }
0x7f: {  	_ =	shalt  }
0x80: {  	_ =	shalt  }
0x81: {  	_ =	shalt  }
0x82: {  	_ =	shalt  }
0x83: {  	_ =	shalt  }
0x84: {  	_ =	shalt  }
0x85: {  	_ =	shalt  }
0x86: {  	_ =	shalt  }
0x87: {  	_ =	shalt  }
.Lfunc_end0:
.L_simem_size_0:
called_computation_lowered:
.L_overlay_start_0:
0x88: {  	s2 =	sld [smem:$0x3FD9]  }
0x89: {  	s3 =	sld [smem:$0x3FFE];
	_ =	sdelay $0x1  }
0x8a: {  	s1 =	srdreg.scid  }
0x8b: {  	s0 =	sand.u32 $0x1, s1  }
0x8c: {  	s17 =	sshll.u32 s0, $0xA;
	s2 =	sadd.s32 s3, s2  }
0x8d: {  	s2 =	sadd.s32 s2, s17  }
0x8e: {  	[smem:$0x3FB6] =	sst s2  }
0x8f: {  	_ = 	snop  }
0x90: {  	s2 =	sld [smem:$0x3FD0];
	(tm) =	ssettm $0x1  }
0x91: {  	s18 =	sld [smem:$0x3FFB];
	_ =	sdelay $0x3  }
0x92: {  	_ =	strace s18  }
0x93: {  	s3 =	sld [smem:$0x3FFC];
	_ =	sdelay $0x3  }
0x94: {  	_ =	strace s3  }
0x95: {  	s3 =	sld [smem:$0x3FFD];
	_ =	sdelay $0x3  }
0x96: {  	_ =	strace s3  }
0x97: {  	_ =	strace $0x8FFFFFFF  }
0x98: {  	s19 =	sld [smem:$0x3FDB];
	_ =	sdelay $0x1  }
0x99: {  	s4 =	simm.s32 $_scs_section_size  }
0x9a: {  	s5 =	simm.s32 $_size__tile_overlayer_lowered;
	s6 =	simm.s32 $_tile_overlayer_lowered  }
0x9b: {  	s22 =	simm.s32 $0x1BFF;
	s21 =	sshll.u32 s6, $0x1;
	s3 =	sadd.s32 s4, s19  }
0x9c: {  	s7 =	simm.s32 $0x0;
	s20 =	sshll.u32 s5, $0x1;
	s5 =	sadd.s32 s21, s3  }
0x9d: {  	[timem:s7], [sflag:s22] =	dma.local [hbm:s5], s20  }
0x9e: {  	_ =	swait.ge [sflag:s22], s20  }
0x9f: {  	s4 =	ssub.s32 $0x0, s20;
	[sflag:s22] =	ssyncset.done $0x0  }
0xa0: {  	[sflag:s22] =	ssyncadd.s32 s4;
	_ =	sdelay $0x1  }
0xa1: {  	s23 =	simm.s32 $0x1B8B  }
0xa2: {  	_ =	swait.ge [sflag:s23], $0x1  }
0xa3: {  	[sflag:s23] =	ssyncset.done $0x0  }
0xa4: {  	s25 =	simm.s32 $0x1B8E;
	s24 =	sld [smem:$0x3FFE];
	[sflag:s23] =	ssyncadd.s32 $0xFFFFFFFF  }
0xa5: {  	s26 =	simm.s32 $execute0_lowered;
	[smem:$0x3FD2] =	sst s25  }
0xa6: {  	s5 =	sshll.u32 s26, $0x1;
	_ =	strace $0x80000046;
	[dreg:$0x1] =	wrdreg $0xFFFFFFFF  }
0xa7: {  	s28 =	simm.s32 $_size_execute0_lowered;
	s3 =	sadd.s32 s3, s5;
	[dreg:$0x0] =	wrdreg $0x0  }
0xa8: {  	s5 =	sshll.u32 s28, $0x1;
	[dreg:$0x2] =	wrdreg s3  }
0xa9: {  	[dreg:$0x3] =	wrdreg s5  }
0xaa: {  	[dreg:$0x4] =	wrdreg $0xC0  }
0xab: {  	_ =	task [dreg:s7], $0x5FFFF  }
0xac: {  	[dreg:$0x1] =	wrdreg $0xFFFFFFFF  }
0xad: {  	[dreg:$0x0] =	wrdreg $0x60  }
0xae: {  	[dreg:$0x2] =	wrdreg s24  }
0xaf: {  	[dreg:$0x3] =	wrdreg s2  }
0xb0: {  	[dreg:$0x4] =	wrdreg $0x9  }
0xb1: {  	_ =	task.clear_ibuf [dreg:s7], $0x5FFFF;
	_ =	strace $0x90000046  }
0xb2: {  	s29 =	simm.s32 $0x9;
	_ =	strace $0x80000048  }
0xb3: {  	_ =	swait.ge [sflag:s29], $0x1  }
0xb4: {  	[sflag:s29] =	ssyncadd.s32 $0xFFFFFFFF  }
0xb5: {  	_ =	strace $0x90000048  }
0xb6: {  	_ =	sfence  }
0xb7: {  	s30 =	sld [smem:$0x0];
	_ =	sdelay $0x2  }
0xb8: {  	s31 =	sshll.u32 s1, $0xD;
	s1 =	sshrl.u32 s1, $0x2  }
0xb9: {  	s3 =	sand.u32 $0x4000, s31;
	s1 =	sadd.s32 s1, s30  }
0xba: {  	s0 =	sor.u32 s3, s0;
	s1 =	sshll.u32 s1, $0x11  }
0xbb: {  	s0 =	sor.u32 s1, s0  }
0xbc: {  	s0 =	sadd.s32 $0x8F2B, s0  }
0xbd: {  	[sflag:s0] =	ssyncadd.remote.s32 $0x1  }
0xbe: {  	_ =	sfence.sel $0xFFFF  }
0xbf: {  	[dreg:$0x0] =	wrdreg $0xFFFFFFFF;
	(pc) =	sbr.abs _section_cstart, $3  }
0xc0: {  	[dreg:$0x1] =	wrdreg $0xFFFFFFFF  }
0xc1: {  	_ =	task.clear_ibuf [dreg:s7], $0x2FFFF;
	_ =	strace $0x9FFFFFFF  }
0xc2: {  	(tm) =	ssettm $0x7FFFFFFF  }
0xc3: {  	_ =	shalt  }
tec
execute0_lowered:
.L_overlay_start_1:
0x0: {  	(tag) =	ssettag $0x1  }
0x1: {  	s7 =	rddreg [dreg:$0x0]  }
0x2: {  	s1 =	rddreg [dreg:$0x1]  }
0x3: {  	s0 =	rddreg [dreg:$0x2];
	s3 =	simm.s32 $0x0;
	s4 =	srdreg.scid  }
0x4: {  	s2 =	stileid.u32;
	s12 =	simm.s32 $0x3;
	s13 =	simm.s32 $0x80  }
0x5: {  	s14 =	simm.s32 $0x100;
	s15 =	simm.s32 $0x4100;
	s16 =	simm.s32 $0x1  }
0x6: {  	s17 =	simm.s32 $0x10200;
	s18 =	simm.s32 $0x4;
	s19 =	simm.s32 $0x2  }
0x7: {  	s20 =	simm.s32 $0x0;
	[smem:$0x7FF] =	sst s3;
	s5 =	sand.u32 $0x1, s4  }
.Ltmp0:
0x8: {  	s6 =	sshll.u32 s2, $0x1;
	s4 =	sadd.s32 $0x1A2E00, s7;
	(pc) =	sbr.rel .LBB2_1-.Ltmp0, $4  }
0x9: {  	_ =	strace $0x80000047;
	s8 =	ssub.s32 $0x2, s5;
	s5 =	sor.u32 s5, s6  }
0xa: {  	s6 =	sadd.s32 $0x18A600, s7;
	s9 =	sshrl.u32 s8, $0x1;
	s10 =	sshll.u32 s5, $0x4  }
0xb: {  	s7 =	sadd.s32 $0x329A00, s7;
	s11 =	ssub.s32 s8, s9;
	s8 =	sadd.s32 s6, s10  }
0xc: {  	s9 =	sadd.s32 s1, s10;
	s10 =	sor.u32 $0x40, s5;
	s11 =	smax.u32 s11, $0x1  }
.LBB2_9:
0xd: {  	s20 =	sadd.s32 $0x1, s20  }
0xe: {  	p0 =	sne.s32 s20, s11  }
.Ltmp1:
0xf: {  	_ = 	snop;
	(pc) =	sbr.rel @!p0 .LBB2_10-.Ltmp1, $1  }
0x10: {  	_ =	sdelay $0x3  }
.LBB2_1:
0x11: {  	[tilespmem:s3], [sflag:$0x3] =	stream.linear.gather [hbm4b:s8+s3], $0x80, $0x38;
	[tilespmem:$0x14200] =	vst v63  }
0x12: {  	_ =	swait.ge [sflag:s12], $0x80  }
0x13: {  	[sflag:s12] =	ssyncset.done $0x0  }
0x14: {  	[sflag:s12] =	ssyncadd.s32 $0xFFFFFF80  }
0x15: {  	[tilespmem:s13], [sflag:$0x3] =	stream.linear.gather [hbm4b:s9+s3], $0x80, $0x38;
	[tilespmem:$0x14200] =	vst v63  }
0x16: {  	_ =	swait.ge [sflag:s12], $0x80  }
.Ltmp2:
0x17: {  	[sflag:s12] =	ssyncset.done $0x0;
	(pc) =	sbr.rel .LBB2_2-.Ltmp2, $4  }
0x18: {  	[sflag:s12] =	ssyncadd.s32 $0xFFFFFF80  }
0x19: {  	[tilespmem:s14], [sflag:$0x1] =	stream.indirect.gather [hbm4b:s4+s13], $0x80, s3, s13, $0xb8;
	[tilespmem:$0x14200] =	vst v63  }
0x1a: {  	s21 =	simm.s32 $0x0  }
0x1b: {  	[tilespmem:s15], [sflag:$0x1] =	stream.indirect.gather [hbm4b:s4+s13], $0x80, s13, s13, $0xb8;
	[tilespmem:$0x14200] =	vst v63  }
.LBB2_8:
0x1c: {  	s21 =	sadd.s32 $0x1, s21  }
0x1d: {  	p0 =	sne.s32 s21, $0x62  }
.Ltmp3:
0x1e: {  	_ = 	snop;
	(pc) =	sbr.rel @!p0 .LBB2_9-.Ltmp3, $1  }
0x1f: {  	_ =	sdelay $0x3  }
.LBB2_2:
0x20: {  	s23 =	sshll.u32 s21, $0x6  }
0x21: {  	s24 =	sor.u32 s23, s5  }
0x22: {  	s22 =	sor.u32 $0x20, s24  }
0x23: {  	p0 =	sgt.u32 s22, $0x1869  }
0x24: {  	s25 =	sshll.u32 @!p0 s22, $0x4  }
0x25: {  	s28 =	simm.s32 @!p0 $0x0;
	s29 =	simm.s32 @!p0 $0x8100;
	s26 =	sadd.s32 @!p0 s6, s25  }
0x26: {  	[tilespmem:s29], [sflag:$0x4] =	stream.linear.gather @!p0 [hbm4b:s26+s28], $0x80, $0x38;
	[tilespmem:$0x14200] =	vst v63  }
0x27: {  	s26 =	simm.s32 @!p0 $0x4  }
0x28: {  	_ =	swait.ge @!p0 [sflag:s26], $0x80  }
0x29: {  	[sflag:s26] =	ssyncset.done @!p0 $0x0  }
0x2a: {  	s30 =	simm.s32 @!p0 $0x8180;
	s25 =	sadd.s32 @!p0 s1, s25;
	[sflag:s26] =	ssyncadd.s32 @!p0 $0xFFFFFF80  }
0x2b: {  	[tilespmem:s30], [sflag:$0x4] =	stream.linear.gather @!p0 [hbm4b:s25+s28], $0x80, $0x38;
	[tilespmem:$0x14200] =	vst v63  }
0x2c: {  	_ =	swait.ge @!p0 [sflag:s26], $0x80  }
0x2d: {  	[sflag:s26] =	ssyncset.done @!p0 $0x0  }
0x2e: {  	s25 =	simm.s32 @!p0 $0x80;
	[sflag:s26] =	ssyncadd.s32 @!p0 $0xFFFFFF80;
	s26 =	simm.s32 @!p0 $0x8200  }
0x2f: {  	[tilespmem:s26], [sflag:$0x2] =	stream.indirect.gather @!p0 [hbm4b:s4+s25], $0x80, s29, s25, $0xb8;
	[tilespmem:$0x14200] =	vst v63  }
0x30: {  	s26 =	simm.s32 @!p0 $0xC200  }
0x31: {  	[tilespmem:s26], [sflag:$0x2] =	stream.indirect.gather @!p0 [hbm4b:s4+s25], $0x80, s30, s25, $0xb8;
	[tilespmem:$0x14200] =	vst v63  }
0x32: {  	_ =	swait.ge [sflag:s16], $0x4000  }
0x33: {  	[sflag:s16] =	ssyncset.done $0x0  }
0x34: {  	[sflag:s16] =	ssyncadd.s32 $0xFFFFC000  }
0x35: {  	_ =	swait.ge [sflag:s16], $0x4000  }
0x36: {  	[sflag:s16] =	ssyncset.done $0x0  }
0x37: {  	s25 =	simm.s32 $0x0;
	[sflag:s16] =	ssyncadd.s32 $0xFFFFC000  }
0x38: {  	v2 =	vld [tilespmem:s25+$0x130]  }
0x39: {  	v4 =	vld [tilespmem:s25+$0x4170]  }
0x3a: {  	v5 =	vld [tilespmem:s25+$0x100]  }
0x3b: {  	v6 =	vld [tilespmem:s25+$0x4140]  }
0x3c: {  	v1 =	vld [tilespmem:s25+$0x110]  }
0x3d: {  	v3 =	vld [tilespmem:s25+$0x4150]  }
0x3e: {  	v0 =	vld [tilespmem:s25+$0x120];
	v7 =	vadd.f32 v4, v2  }
0x3f: {  	s26 =	simm.s32 $0x80;
	v4 =	vld [tilespmem:s25+$0x4160]  }
0x40: {  	s28 =	simm.s32 $0x400;
	v2 =	vld [tilespmem:s26+$0x130];
	v5 =	vadd.f32 v6, v5;
	[tilespmem:s25+$0x10230] =	vst v7  }
.LBB2_3:
0x41: {  	p1 =	sne.s32 s28, $0xFE00;
	v6 =	vld [tilespmem:s26+$0x4170]  }
0x42: {  	v7 =	vld [tilespmem:s26+$0x100];
	[tilespmem:s25+$0x10200] =	vst v5;
	v3 =	vadd.f32 v3, v1  }
0x43: {  	v5 =	vld [tilespmem:s26+$0x4140]  }
.Ltmp4:
0x44: {  	v1 =	vld [tilespmem:s26+$0x110];
	[tilespmem:s25+$0x10210] =	vst v3;
	v4 =	vadd.f32 v4, v0;
	(pc) =	sbr.rel @p1 .LBB2_3-.Ltmp4, $4  }
0x45: {  	v3 =	vld [tilespmem:s26+$0x4150]  }
0x46: {  	v0 =	vld [tilespmem:s26+$0x120];
	v6 =	vadd.f32 v6, v2;
	[tilespmem:s25+$0x10220] =	vst v4;
	s25 =	smov.u32 s26  }
0x47: {  	s26 =	sshra.s32 s28, $0x2;
	v4 =	vld [tilespmem:s25+$0x4160]  }
0x48: {  	s28 =	sadd.s32 $0x200, s28;
	v2 =	vld [tilespmem:s26+$0x130];
	v5 =	vadd.f32 v5, v7;
	[tilespmem:s25+$0x10230] =	vst v6  }
0x49: {  	v6 =	vld [tilespmem:s26+$0x4170]  }
0x4a: {  	v7 =	vld [tilespmem:s26+$0x100];
	[tilespmem:s25+$0x10200] =	vst v5;
	v1 =	vadd.f32 v3, v1  }
0x4b: {  	v62 =	vld [tilespmem:s26+$0x4140]  }
0x4c: {  	v5 =	vld [tilespmem:s26+$0x110];
	[tilespmem:s25+$0x10210] =	vst v1;
	v0 =	vadd.f32 v4, v0  }
0x4d: {  	v1 =	vld [tilespmem:s26+$0x4150]  }
0x4e: {  	v63 =	vld [tilespmem:s26+$0x120];
	[tilespmem:s25+$0x10220] =	vst v0  }
0x4f: {  	v0 =	vld [tilespmem:s26+$0x4160];
	_ =	sdelay $0x1  }
0x50: {  	v2 =	vadd.f32 v6, v2  }
0x51: {  	v3 =	vadd.f32 v62, v7  }
0x52: {  	[tilespmem:s26+$0x10230] =	vst v2;
	v1 =	vadd.f32 v1, v5  }
0x53: {  	[tilespmem:s26+$0x10200] =	vst v3;
	v0 =	vadd.f32 v0, v63  }
0x54: {  	s24 =	sshll.u32 s24, $0xB;
	[tilespmem:s26+$0x10210] =	vst v1  }
0x55: {  	s23 =	sadd.s32 s10, s23;
	s24 =	sadd.s32 s7, s24;
	[tilespmem:s26+$0x10220] =	vst v0  }
0x56: {  	[hbm4b:s24+s3] =	stream.linear.scatter [tilespmem:s17], [sflag:$0x4], $0x4000, $0x38;
	[tilespmem:$0x14200] =	vst v63  }
0x57: {  	p1 =	sgt.u32 s23, $0x1869;
	_ =	swait.ge [sflag:s18], $0x4000  }
0x58: {  	s23 =	sshll.u32 @!p1 s23, $0x4;
	[sflag:s18] =	ssyncset.done $0x0  }
0x59: {  	s25 =	simm.s32 @!p1 $0x0;
	s24 =	sadd.s32 @!p1 s6, s23;
	[sflag:s18] =	ssyncadd.s32 $0xFFFFC000  }
0x5a: {  	[tilespmem:s25], [sflag:$0x4] =	stream.linear.gather @!p1 [hbm4b:s24+s25], $0x80, $0x38;
	[tilespmem:$0x14200] =	vst v63  }
0x5b: {  	s24 =	simm.s32 @!p1 $0x4  }
0x5c: {  	_ =	swait.ge @!p1 [sflag:s24], $0x80  }
0x5d: {  	[sflag:s24] =	ssyncset.done @!p1 $0x0  }
0x5e: {  	s26 =	simm.s32 @!p1 $0x80;
	s23 =	sadd.s32 @!p1 s1, s23;
	[sflag:s24] =	ssyncadd.s32 @!p1 $0xFFFFFF80  }
0x5f: {  	[tilespmem:s26], [sflag:$0x4] =	stream.linear.gather @!p1 [hbm4b:s23+s25], $0x80, $0x38;
	[tilespmem:$0x14200] =	vst v63  }
0x60: {  	_ =	swait.ge @!p1 [sflag:s24], $0x80  }
.Ltmp5:
0x61: {  	[sflag:s24] =	ssyncset.done @!p1 $0x0;
	(pc) =	sbr.rel @p0 .LBB2_8-.Ltmp5, $4  }
0x62: {  	s23 =	simm.s32 @!p1 $0x100;
	[sflag:s24] =	ssyncadd.s32 @!p1 $0xFFFFFF80  }
0x63: {  	[tilespmem:s23], [sflag:$0x1] =	stream.indirect.gather @!p1 [hbm4b:s4+s26], $0x80, s25, s26, $0xb8;
	[tilespmem:$0x14200] =	vst v63  }
0x64: {  	s23 =	simm.s32 @!p1 $0x4100  }
0x65: {  	[tilespmem:s23], [sflag:$0x1] =	stream.indirect.gather @!p1 [hbm4b:s4+s26], $0x80, s26, s26, $0xb8;
	[tilespmem:$0x14200] =	vst v63  }
0x66: {  	_ =	swait.ge [sflag:s19], $0x4000  }
0x67: {  	[sflag:s19] =	ssyncset.done $0x0  }
0x68: {  	[sflag:s19] =	ssyncadd.s32 $0xFFFFC000  }
0x69: {  	_ =	swait.ge [sflag:s19], $0x4000  }
0x6a: {  	[sflag:s19] =	ssyncset.done $0x0  }
0x6b: {  	s23 =	simm.s32 $0x0;
	[sflag:s19] =	ssyncadd.s32 $0xFFFFC000  }
0x6c: {  	v2 =	vld [tilespmem:s23+$0x8230]  }
0x6d: {  	v4 =	vld [tilespmem:s23+$0xC270]  }
0x6e: {  	v5 =	vld [tilespmem:s23+$0x8200]  }
0x6f: {  	v6 =	vld [tilespmem:s23+$0xC240]  }
0x70: {  	v1 =	vld [tilespmem:s23+$0x8210]  }
0x71: {  	v3 =	vld [tilespmem:s23+$0xC250]  }
0x72: {  	v0 =	vld [tilespmem:s23+$0x8220];
	v7 =	vadd.f32 v4, v2  }
0x73: {  	s24 =	simm.s32 $0x80;
	v4 =	vld [tilespmem:s23+$0xC260]  }
0x74: {  	s25 =	simm.s32 $0x400;
	v2 =	vld [tilespmem:s24+$0x8230];
	v5 =	vadd.f32 v6, v5;
	[tilespmem:s23+$0x10230] =	vst v7  }
.LBB2_6:
0x75: {  	p0 =	sne.s32 s25, $0xFE00;
	v6 =	vld [tilespmem:s24+$0xC270]  }
0x76: {  	v7 =	vld [tilespmem:s24+$0x8200];
	[tilespmem:s23+$0x10200] =	vst v5;
	v3 =	vadd.f32 v3, v1  }
0x77: {  	v5 =	vld [tilespmem:s24+$0xC240]  }
.Ltmp6:
0x78: {  	v1 =	vld [tilespmem:s24+$0x8210];
	[tilespmem:s23+$0x10210] =	vst v3;
	v4 =	vadd.f32 v4, v0;
	(pc) =	sbr.rel @p0 .LBB2_6-.Ltmp6, $4  }
0x79: {  	v3 =	vld [tilespmem:s24+$0xC250]  }
0x7a: {  	v0 =	vld [tilespmem:s24+$0x8220];
	v6 =	vadd.f32 v6, v2;
	[tilespmem:s23+$0x10220] =	vst v4;
	s23 =	smov.u32 s24  }
0x7b: {  	s24 =	sshra.s32 s25, $0x2;
	v4 =	vld [tilespmem:s23+$0xC260]  }
0x7c: {  	s25 =	sadd.s32 $0x200, s25;
	v2 =	vld [tilespmem:s24+$0x8230];
	v5 =	vadd.f32 v5, v7;
	[tilespmem:s23+$0x10230] =	vst v6  }
0x7d: {  	v6 =	vld [tilespmem:s24+$0xC270]  }
0x7e: {  	v7 =	vld [tilespmem:s24+$0x8200];
	[tilespmem:s23+$0x10200] =	vst v5;
	v1 =	vadd.f32 v3, v1  }
0x7f: {  	v62 =	vld [tilespmem:s24+$0xC240]  }
0x80: {  	v5 =	vld [tilespmem:s24+$0x8210];
	[tilespmem:s23+$0x10210] =	vst v1;
	v0 =	vadd.f32 v4, v0  }
0x81: {  	v1 =	vld [tilespmem:s24+$0xC250]  }
0x82: {  	v63 =	vld [tilespmem:s24+$0x8220];
	[tilespmem:s23+$0x10220] =	vst v0  }
0x83: {  	v0 =	vld [tilespmem:s24+$0xC260];
	_ =	sdelay $0x1  }
0x84: {  	v2 =	vadd.f32 v6, v2  }
0x85: {  	v3 =	vadd.f32 v62, v7  }
0x86: {  	[tilespmem:s24+$0x10230] =	vst v2;
	v1 =	vadd.f32 v1, v5  }
0x87: {  	[tilespmem:s24+$0x10200] =	vst v3;
	v0 =	vadd.f32 v0, v63  }
0x88: {  	s22 =	sshll.u32 s22, $0xB;
	[tilespmem:s24+$0x10210] =	vst v1  }
.Ltmp7:
0x89: {  	s22 =	sadd.s32 s7, s22;
	[tilespmem:s24+$0x10220] =	vst v0;
	(pc) =	sbr.rel .LBB2_8-.Ltmp7, $4  }
0x8a: {  	[hbm4b:s22+s3] =	stream.linear.scatter [tilespmem:s17], [sflag:$0x3], $0x4000, $0x38;
	[tilespmem:$0x14200] =	vst v63  }
0x8b: {  	_ =	swait.ge [sflag:s12], $0x4000  }
0x8c: {  	[sflag:s12] =	ssyncset.done $0x0  }
0x8d: {  	[sflag:s12] =	ssyncadd.s32 $0xFFFFC000  }
.LBB2_10:
0x8e: {  	_ =	sfence.sel $0x180000  }
0x8f: {  	[bflag:$0x0] =	sbarrier.arrive $0xFFFF  }
0x90: {  	p0 =	sne.s32 s2, $0x0;
	_ =	strace $0x90000047  }
0x91: {  	s0 =	sadd.s32 @!p0 $0x100000, s0;
	[bflag:$0x2] =	sbarrier.arrive $0xFFFF  }
0x92: {  	[sflag:s0] =	ssyncadd.tile.s32 @!p0 $0x1;
	_ =	shalt  }
.Lfunc_end2:
_tile_overlayer_lowered:
.L_overlay_start_2:
0x93: {  	(tag) =	ssettag $0x2  }
0x94: {  	s0 =	rddreg [dreg:$0x0];
	s2 =	stileid.u32  }
0x95: {  	s1 =	rddreg [dreg:$0x1];
	p0 =	sne.s32 s2, $0x0  }
0x96: {  	s3 =	rddreg [dreg:$0x2];
	[bflag:$0x3] =	sbarrier.arrive $0xFFFF;
	s2 =	simm.s32 @!p0 $0x1C03  }
0x97: {  	[timem:s3], [sflag:s2] =	dma.local @!p0 [hbm:s0], s1  }
0x98: {  	s0 =	simm.s32 @!p0 $0x3  }
0x99: {  	_ =	swait.ge @!p0 [sflag:s0], s1  }
0x9a: {  	s1 =	ssub.s32 @!p0 $0x0, s1;
	[sflag:s0] =	ssyncset.done @!p0 $0x0  }
0x9b: {  	[sflag:s0] =	ssyncadd.s32 @!p0 s1  }
0x9c: {  	[bflag:$0x3] =	sbarrier.arrive $0xFFFF  }
0x9d: {  	_ =	shalt  }

</sc_bundles>
